<compile_context>
chip_gen: v7x
topology: tpu7x:2x2x1
jax: 0.10.2.dev20260603
libtpu: 0.0.44.dev20260713+nightly
codegen_flags: <defaults>
</compile_context>

<pallas_src>
import functools

import jax
import jax.numpy as jnp
import numpy as np
from jax import lax
from jax.experimental import pallas as pl
from jax.experimental.pallas import tpu as pltpu
from jax.experimental.pallas import tpu_sc as plsc

N = 4096
E = 16384
DF = 128
DE = 16
NEG = -10000000000.0
BR = 256
NW = 16
EC = E // NW
NB = N // NW
L = 16



_KP = (1832780943, 270669613)
_KE = (64467757, 2916123636)
_KS = (2465931498, 255383827)
_ROT1 = (13, 15, 26, 6)
_ROT2 = (17, 29, 16, 24)


def _tf_round(x0, x1, r):
    x0 = x0 + x1
    x1 = (x1 << jnp.uint32(r)) | (x1 >> jnp.uint32(32 - r))
    x1 = x0 ^ x1
    return x0, x1


def _tf_hash(i_u32, key):
    k1, k2 = key
    ks0 = jnp.uint32(k1)
    ks1 = jnp.uint32(k2)
    ks2 = jnp.uint32(np.uint32(k1) ^ np.uint32(k2) ^ np.uint32(0x1BD11BDA))
    x0 = jnp.zeros_like(i_u32) + ks0
    x1 = i_u32 + ks1
    for r in _ROT1:
        x0, x1 = _tf_round(x0, x1, r)
    x0 = x0 + ks1
    x1 = x1 + ks2 + jnp.uint32(1)
    for r in _ROT2:
        x0, x1 = _tf_round(x0, x1, r)
    x0 = x0 + ks2
    x1 = x1 + ks0 + jnp.uint32(2)
    for r in _ROT1:
        x0, x1 = _tf_round(x0, x1, r)
    x0 = x0 + ks0
    x1 = x1 + ks1 + jnp.uint32(3)
    for r in _ROT2:
        x0, x1 = _tf_round(x0, x1, r)
    x0 = x0 + ks1
    x1 = x1 + ks2 + jnp.uint32(4)
    for r in _ROT1:
        x0, x1 = _tf_round(x0, x1, r)
    x0 = x0 + ks2
    x1 = x1 + ks0 + jnp.uint32(5)
    return x0 ^ x1


def _bits_to_f01(bits):
    one = np.float32(1.0)
    fb = (bits >> jnp.uint32(9)) | jnp.uint32(0x3F800000)
    return jax.lax.bitcast_convert_type(fb, jnp.float32) - one


def _gumbel_tile(i_u32):
    tiny = np.float32(np.finfo(np.float32).tiny)
    one = np.float32(1.0)
    f = _bits_to_f01(_tf_hash(i_u32, _KS))
    u = jnp.maximum(tiny, f * (one - tiny) + tiny)
    return -jnp.log(-jnp.log(u))


def _uniform01_tile(i_u32):
    zero = np.float32(0.0)
    one = np.float32(1.0)
    f = _bits_to_f01(_tf_hash(i_u32, _KP))
    return jnp.maximum(zero, f * (one - zero) + zero)


def _normal_tile(i_u32):
    lo = np.float32(np.nextafter(np.float32(-1.0), np.float32(0.0)))
    hi = np.float32(1.0)
    scale = np.float32(hi - lo)
    f = _bits_to_f01(_tf_hash(i_u32, _KE))
    u = jnp.maximum(lo, f * scale + lo)
    return np.float32(np.sqrt(2)) * jax.lax.erf_inv(u)


_GRID = N // BR
_NZC = (E * DE) // _GRID


def _scores_body(nodes_ref, nblk_ref, wq_ref, bq_ref, anc_ref, vsq_ref,
                 wp_ref, bp_ref, anr_ref, sel_ref, gens_ref, noise_ref):
    r = pl.program_id(0)
    nb = nblk_ref[...]
    q = jax.lax.dot_general(nb, wq_ref[...], (((1,), (1,)), ((), ())),
                            preferred_element_type=jnp.float32) + bq_ref[...]
    num = jax.lax.dot_general(q, nodes_ref[...], (((1,), (1,)), ((), ())),
                              preferred_element_type=jnp.float32)
    qsq = jnp.sum(q * q, axis=1, keepdims=True)
    den = jnp.sqrt(qsq * vsq_ref[...]) + 1e-8
    s = num / den
    s = jnp.clip(s, -10000.0, 10000.0)
    s = jnp.where(anc_ref[...] > 0.0, s, NEG)
    cols = jax.lax.broadcasted_iota(jnp.int32, (BR, N), 1)
    rows = jax.lax.broadcasted_iota(jnp.int32, (BR, N), 0) + r * BR
    s = jnp.where(rows == cols, NEG, s)
    ii = ((rows * N) + cols).astype(jnp.uint32)
    y = s + _gumbel_tile(ii)
    sel_ref[...] = jnp.argmax(y, axis=1, keepdims=True).astype(jnp.int32)

    pr = jax.lax.dot_general(wp_ref[...], nb, (((1,), (1,)), ((), ())),
                             preferred_element_type=jnp.float32) + bp_ref[...]
    probs = jax.nn.sigmoid(pr)
    iu = (jax.lax.broadcasted_iota(jnp.int32, (1, BR), 1) + r * BR)
    up = _uniform01_tile(iu.astype(jnp.uint32))
    gens_ref[...] = (up < probs * anr_ref[...]).astype(jnp.float32)

    ie = (jax.lax.broadcasted_iota(jnp.int32, (1, 8, _NZC // 8), 1) * (_NZC // 8)
          + jax.lax.broadcasted_iota(jnp.int32, (1, 8, _NZC // 8), 2)
          + r * _NZC)
    noise_ref[...] = _normal_tile(ie.astype(jnp.uint32))


def _scores_call(nodes, W_query, b_query, active_nodes, vsq, W_prob, b_prob,
                 interpret=False):
    return pl.pallas_call(
        _scores_body,
        grid=(_GRID,),
        in_specs=[
            pl.BlockSpec((N, DF), lambda r: (0, 0)),
            pl.BlockSpec((BR, DF), lambda r: (r, 0)),
            pl.BlockSpec((DF, DF), lambda r: (0, 0)),
            pl.BlockSpec((1, DF), lambda r: (0, 0)),
            pl.BlockSpec((1, N), lambda r: (0, 0)),
            pl.BlockSpec((1, N), lambda r: (0, 0)),
            pl.BlockSpec((1, DF), lambda r: (0, 0)),
            pl.BlockSpec((1, 1), lambda r: (0, 0)),
            pl.BlockSpec((1, BR), lambda r: (0, r)),
        ],
        out_specs=[
            pl.BlockSpec((BR, 1), lambda r: (r, 0)),
            pl.BlockSpec((1, BR), lambda r: (0, r)),
            pl.BlockSpec((1, 8, _NZC // 8), lambda r: (r, 0, 0)),
        ],
        out_shape=[
            jax.ShapeDtypeStruct((N, 1), jnp.int32),
            jax.ShapeDtypeStruct((1, N), jnp.float32),
            jax.ShapeDtypeStruct((_GRID, 8, _NZC // 8), jnp.float32),
        ],
        compiler_params=pltpu.CompilerParams(
            dimension_semantics=("parallel",)),
        interpret=interpret,
    )(nodes, nodes, W_query, b_query, active_nodes, vsq, W_prob, b_prob,
      active_nodes)



def _finalize_body(sel_hbm, gens_hbm, send_hbm, recv_hbm, ae_hbm, edges_hbm,
                   noise_hbm,
                   nedges_out, nsend_out, nrec_out, naedges_out,
                   sel_tab, exist_loc, s_chunk, r_chunk, ae_chunk, gens_c, g2_c,
                   exist_gather, idx_my, snd_vals, rec_vals, snd_rows, rec_rows,
                   ed_c, no_c, ns_c, nr_c, na_c, stage16, cnt16,
                   exist_sh, eact_sh, counts_sh, snd_sh, rec_sh, sem):
    w = lax.axis_index("s")
    j0 = w * EC
    n0 = w * NB
    zeros16 = jnp.zeros((L,), jnp.int32)
    ones16 = jnp.ones((L,), jnp.int32)
    iota16 = lax.iota(jnp.int32, L)

    pltpu.sync_copy(sel_hbm, sel_tab)
    pltpu.sync_copy(send_hbm.at[pl.ds(j0, EC)], s_chunk)
    pltpu.sync_copy(recv_hbm.at[pl.ds(j0, EC)], r_chunk)
    pltpu.sync_copy(ae_hbm.at[pl.ds(j0, EC)], ae_chunk)
    pltpu.sync_copy(gens_hbm.at[pl.ds(n0, NB)], gens_c)

    def _memset(k, c):
        exist_loc[pl.ds(pl.multiple_of(k * L, L), L)] = zeros16
        return c
    lax.fori_loop(0, N // L, _memset, 0)

    def _p1(k, acc):
        o = pl.multiple_of(k * L, L)
        sv = s_chunk[pl.ds(o, L)]
        rv = r_chunk[pl.ds(o, L)]
        g = plsc.load_gather(sel_tab, [sv])
        m = g == rv
        plsc.store_scatter(exist_loc, [sv], ones16, mask=m)
        ae = ae_chunk[pl.ds(o, L)].astype(jnp.int32)
        return acc + jnp.sum(ae)
    eact_part = lax.fori_loop(0, EC // L, _p1, jnp.int32(0))

    pltpu.sync_copy(exist_loc, exist_sh.at[w])
    stage16[...] = jnp.zeros((L,), jnp.int32) + eact_part
    pltpu.sync_copy(stage16, eact_sh.at[w])
    plsc.subcore_barrier()

    for t in range(NW):
        pltpu.sync_copy(exist_sh.at[t, pl.ds(n0, NB)], exist_gather.at[t])
    pltpu.sync_copy(eact_sh, cnt16)
    e_act = jnp.int32(0)
    for t in range(NW):
        e_act = e_act + jnp.max(cnt16[t])

    def _p2(k, acc):
        o = pl.multiple_of(k * L, L)
        ev = exist_gather[0, pl.ds(o, L)]
        for t in range(1, NW):
            ev = ev | exist_gather[t, pl.ds(o, L)]
        gv = gens_c[pl.ds(o, L)].astype(jnp.int32)
        g2 = jnp.where(ev > 0, 0, gv)
        g2_c[pl.ds(o, L)] = g2
        return acc + jnp.sum(g2)
    cnt = lax.fori_loop(0, NB // L, _p2, jnp.int32(0))

    stage16[...] = jnp.zeros((L,), jnp.int32) + cnt
    pltpu.sync_copy(stage16, counts_sh.at[w])
    plsc.subcore_barrier()

    pltpu.sync_copy(counts_sh, cnt16)
    prefix = jnp.int32(0)
    total = jnp.int32(0)
    for t in range(NW):
        v = jnp.max(cnt16[t])
        prefix = prefix + jnp.where(jnp.int32(t) < w, v, 0)
        total = total + v
    allowed = jnp.int32(E) - e_act - 1
    n_gens = jnp.clip(total, 0, allowed)

    def _p2b(k, carry):
        o = pl.multiple_of(k * L, L)
        g2 = g2_c[pl.ds(o, L)]
        ranks = plsc.cumsum(g2) + carry
        ids = n0 + o + iota16
        slot = jnp.where((g2 > 0) & (ranks <= n_gens),
                         e_act + ranks - 1, jnp.int32(E) + w)
        idx_my[pl.ds(o, L)] = slot
        sv = sel_tab[pl.ds(pl.multiple_of(n0 + o, L), L)]
        rowi = o + iota16
        plsc.store_scatter(snd_vals, [rowi, zeros16], ids)
        plsc.store_scatter(rec_vals, [rowi, zeros16], sv)
        return carry + jnp.sum(g2)
    lax.fori_loop(0, NB // L, _p2b, prefix)

    pltpu.async_copy(snd_vals, snd_sh.at[idx_my], sem).wait()
    pltpu.async_copy(rec_vals, rec_sh.at[idx_my], sem).wait()
    plsc.subcore_barrier()

    pltpu.sync_copy(snd_sh.at[pl.ds(j0, EC)], snd_rows)
    pltpu.sync_copy(rec_sh.at[pl.ds(j0, EC)], rec_rows)
    lim = e_act + n_gens

    def _p3(k, c):
        o = pl.multiple_of(k * L, L)
        jv = j0 + o + iota16
        ri = o + iota16
        scs = plsc.load_gather(snd_rows, [ri, zeros16])
        scr = plsc.load_gather(rec_rows, [ri, zeros16])
        sv = s_chunk[pl.ds(o, L)]
        rv = r_chunk[pl.ds(o, L)]
        is_new = (jv >= e_act) & (jv < lim)
        ns = jnp.where(jv < e_act, sv, jnp.where(is_new, scs, jnp.int32(N - 1)))
        nr = jnp.where(jv < e_act, rv, jnp.where(is_new, scr, jnp.int32(N - 1)))
        na = jnp.where((jv < lim) & (jv != E - 1), 1.0, 0.0)
        ns_c[pl.ds(o, L)] = ns
        nr_c[pl.ds(o, L)] = nr
        na_c[pl.ds(o, L)] = na
        return c
    lax.fori_loop(0, EC // L, _p3, 0)
    pltpu.sync_copy(ns_c, nsend_out.at[pl.ds(j0, EC)])
    pltpu.sync_copy(nr_c, nrec_out.at[pl.ds(j0, EC)])
    pltpu.sync_copy(na_c, naedges_out.at[pl.ds(j0, EC)])

    f0 = j0 * DE
    pltpu.sync_copy(edges_hbm.at[pl.ds(f0, EC * DE)], ed_c)
    pltpu.sync_copy(noise_hbm.at[pl.ds(f0, EC * DE)], no_c)

    def _p4(r, c):
        jr = j0 + r
        mf = jnp.where((jr >= e_act) & (jr < lim), 1.0, 0.0)
        o = pl.multiple_of(r * DE, DE)
        ed_c[pl.ds(o, DE)] = ed_c[pl.ds(o, DE)] + no_c[pl.ds(o, DE)] * mf
        return c
    lax.fori_loop(0, EC, _p4, 0)
    pltpu.sync_copy(ed_c, nedges_out.at[pl.ds(f0, EC * DE)])


def _finalize_call(sel, gens, senders, receivers, active_edges, edges_flat,
                   noise_flat, interpret=False):
    mesh = plsc.VectorSubcoreMesh(core_axis_name="c", subcore_axis_name="s",
                                  num_cores=1, num_subcores=NW)
    fn = pl.kernel(
        _finalize_body,
        out_type=(
            jax.ShapeDtypeStruct((E * DE,), jnp.float32),
            jax.ShapeDtypeStruct((E,), jnp.int32),
            jax.ShapeDtypeStruct((E,), jnp.int32),
            jax.ShapeDtypeStruct((E,), jnp.float32),
        ),
        mesh=mesh,
        compiler_params=pltpu.CompilerParams(use_tc_tiling_on_sc=False,
                                             needs_layout_passes=False),
        scratch_types=[
            pltpu.VMEM((N,), jnp.int32),
            pltpu.VMEM((N,), jnp.int32),
            pltpu.VMEM((EC,), jnp.int32),
            pltpu.VMEM((EC,), jnp.int32),
            pltpu.VMEM((EC,), jnp.float32),
            pltpu.VMEM((NB,), jnp.float32),
            pltpu.VMEM((NB,), jnp.int32),
            pltpu.VMEM((NW, NB), jnp.int32),
            pltpu.VMEM((NB,), jnp.int32),
            pltpu.VMEM((NB, L), jnp.int32),
            pltpu.VMEM((NB, L), jnp.int32),
            pltpu.VMEM((EC, L), jnp.int32),
            pltpu.VMEM((EC, L), jnp.int32),
            pltpu.VMEM((EC * DE,), jnp.float32),
            pltpu.VMEM((EC * DE,), jnp.float32),
            pltpu.VMEM((EC,), jnp.int32),
            pltpu.VMEM((EC,), jnp.int32),
            pltpu.VMEM((EC,), jnp.float32),
            pltpu.VMEM((L,), jnp.int32),
            pltpu.VMEM((NW, L), jnp.int32),
            pltpu.VMEM_SHARED((NW, N), jnp.int32),
            pltpu.VMEM_SHARED((NW, L), jnp.int32),
            pltpu.VMEM_SHARED((NW, L), jnp.int32),
            pltpu.VMEM_SHARED((E + NW, L), jnp.int32),
            pltpu.VMEM_SHARED((E + NW, L), jnp.int32),
            pltpu.SemaphoreType.DMA,
        ],
        interpret=interpret,
    )
    return fn(sel, gens, senders, receivers, active_edges, edges_flat,
              noise_flat)



def kernel(nodes, edges, receivers, senders, active_nodes, active_edges,
           W_prob, b_prob, W_query, b_query):
    vsq = jnp.sum(nodes ** 2, axis=-1)[None, :]
    sel2, gens2, noise = _scores_call(nodes, W_query, b_query.reshape(1, DF),
                                      active_nodes[None, :], vsq,
                                      W_prob, b_prob.reshape(1, 1))

    new_edges_flat, nsend, nrec, naedges = _finalize_call(
        sel2.reshape(N), gens2.reshape(N), senders.astype(jnp.int32),
        receivers.astype(jnp.int32), active_edges, edges.reshape(-1),
        noise.reshape(-1))
    return new_edges_flat.reshape(E, DE), nsend, nrec, naedges

# --- scband reference (transcript-rebuilt; emitter-appended) ---
"""Pipeline reference for scband-synapto-genesis-59871844106394 (READ-ONLY COPY).

The authoritative reference and input builder live on the scoring server;
editing this copy changes nothing except your own understanding.
"""

import jax, jax.numpy as jnp
import numpy as np

MAX_NODES = 4096
MAX_EDGES = 16384
D_FEAT = 128
D_EDGE = 16
E_ACTIVE = 8192
NEG = -10000000000.0


def setup_inputs(seed: int = 0) -> dict:
    key = jax.random.key(seed)
    ks = jax.random.split(key, 8)
    nodes = jax.random.normal(ks[0], (MAX_NODES, D_FEAT), dtype=jnp.float32)
    edges = jax.random.normal(ks[1], (MAX_EDGES, D_EDGE), dtype=jnp.float32)
    receivers = jax.random.randint(ks[2], (MAX_EDGES,), 0, MAX_NODES)
    senders = jax.random.randint(ks[3], (MAX_EDGES,), 0, MAX_NODES)
    active_nodes = jnp.ones((MAX_NODES,), dtype=jnp.float32)
    active_edges = (jnp.arange(MAX_EDGES) < E_ACTIVE).astype(jnp.float32)
    W_prob = jax.random.normal(ks[4], (1, D_FEAT), dtype=jnp.float32) * 0.05
    b_prob = jnp.zeros((1,), dtype=jnp.float32)
    W_query = jax.random.normal(ks[5], (D_FEAT, D_FEAT), dtype=jnp.float32) * (D_FEAT ** -0.5)
    b_query = jnp.zeros((D_FEAT,), dtype=jnp.float32)
    return {"nodes": nodes, "edges": edges, "receivers": receivers, "senders": senders,
            "active_nodes": active_nodes, "active_edges": active_edges,
            "W_prob": W_prob, "b_prob": b_prob, "W_query": W_query, "b_query": b_query}


def _incr_edges(aedges, n):
    # faithful to x -> clip(x @ (I + eye(k=1)), 0, 1) applied n times:
    # result[j] = clip(x[j] + x[j-1], 0, 1); realized without materializing the
    # max_edges x max_edges incr matrix (mathematically identical).
    def body(i, x):
        shifted = jnp.concatenate([jnp.zeros((1,), x.dtype), x[:-1]])
        return jnp.clip(x + shifted, 0.0, 1.0)
    return jax.lax.fori_loop(0, n, body, aedges).at[-1].set(0.0)


def reference(nodes, edges, receivers, senders, active_nodes, active_edges, W_prob, b_prob, W_query, b_query):
    key = jax.random.key(42)
    key_prob, key_edges, key_samp = jax.random.split(key, 3)
    nids = jnp.arange(MAX_NODES)
    e_active = active_edges.sum().astype(jnp.int32)
    # prob_fn: linear + sigmoid, vmapped over nodes
    probs = jax.nn.sigmoid(nodes @ W_prob.T + b_prob)[..., 0]
    gens = (jax.random.uniform(key_prob, (MAX_NODES,)) < probs * active_nodes).astype(jnp.float32)
    # query_fn: linear, vmapped over nodes
    queries = nodes @ W_query.T + b_query
    # pairwise cosine similarity: scores[i, j] = cos(q_i, h_j)
    num = queries @ nodes.T
    qsq = jnp.sum(queries ** 2, axis=-1)
    vsq = jnp.sum(nodes ** 2, axis=-1)
    scores = num / (jnp.sqrt(qsq[:, None] * vsq[None, :]) + 1e-08)
    scores = jnp.clip(scores, -10000.0, 10000.0)
    scores = jnp.where(active_nodes[None, :] > 0, scores, NEG)
    gens = gens * (scores.max(-1) > -jnp.inf).astype(jnp.float32)  # threshold_fn, threshold=-inf
    scores = jnp.where(jnp.eye(MAX_NODES, dtype=bool), NEG, scores)  # no self loops
    # select_mode == 'softmax'
    select = jnp.where(gens > 0, jax.random.categorical(key_samp, scores, axis=-1), 0)
    is_s = nids[:, None] == senders[None, :]
    is_r = select[:, None] == receivers[None, :]
    exist = jnp.logical_and(is_s, is_r).any(-1) & (gens > 0)
    gens = jnp.where(exist, 0.0, gens)
    allowed = MAX_EDGES - e_active - 1
    n_gens = jnp.clip(gens.astype(jnp.int32).sum(), 0, allowed)
    aedges = active_edges
    naedges = _incr_edges(aedges, n_gens)
    mask_new_edges = naedges * (1.0 - aedges)
    new_edges = edges + jax.random.normal(key_edges, edges.shape) * mask_new_edges[..., None]
    trgets = (jnp.cumsum(gens) * gens - 1).astype(jnp.int32) + (e_active.astype(jnp.float32) * gens).astype(jnp.int32)
    nsend = jax.ops.segment_sum(nids, trgets, MAX_EDGES)
    nsend = jnp.where(mask_new_edges > 0, nsend, senders)
    trgets2 = jnp.cumsum(gens) * gens - gens
    trgets2 = jnp.where(gens > 0, trgets2.astype(jnp.int32), -1) + e_active * gens.astype(jnp.int32)
    nrec = jax.ops.segment_sum(select, trgets2, MAX_EDGES)
    nrec = jnp.where(mask_new_edges > 0, nrec, receivers)
    nrec = jnp.where(naedges > 0, nrec, MAX_NODES - 1)
    nsend = jnp.where(naedges > 0, nsend, MAX_NODES - 1)
    return new_edges, nsend, nrec, naedges


if False:  # reference __main__ guard neutralized (emitter)
    out = reference(**setup_inputs())
    print([o.shape for o in out])

if __name__ == "__main__":
    import jax
    _d = setup_inputs()
    print(jax.jit(kernel)(*tuple(_d.values())))

</pallas_src>

<mosaic_0001>
#map = affine_map<(d0, d1) -> (0)>
module attributes {stable_mosaic.version = 14 : i64} {
  func.func @_finalize_body(%arg0: i32, %arg1: i32, %arg2: memref<4096xi32, #tpu.memory_space<hbm>>, %arg3: memref<4096xf32, #tpu.memory_space<hbm>>, %arg4: memref<16384xi32, #tpu.memory_space<hbm>>, %arg5: memref<16384xi32, #tpu.memory_space<hbm>>, %arg6: memref<16384xf32, #tpu.memory_space<hbm>>, %arg7: memref<262144xf32, #tpu.memory_space<hbm>>, %arg8: memref<262144xf32, #tpu.memory_space<hbm>>, %arg9: memref<262144xf32, #tpu.memory_space<hbm>>, %arg10: memref<16384xi32, #tpu.memory_space<hbm>>, %arg11: memref<16384xi32, #tpu.memory_space<hbm>>, %arg12: memref<16384xf32, #tpu.memory_space<hbm>>, %arg13: memref<4096xi32, #tpu.memory_space<vmem>>, %arg14: memref<4096xi32, #tpu.memory_space<vmem>>, %arg15: memref<1024xi32, #tpu.memory_space<vmem>>, %arg16: memref<1024xi32, #tpu.memory_space<vmem>>, %arg17: memref<1024xf32, #tpu.memory_space<vmem>>, %arg18: memref<256xf32, #tpu.memory_space<vmem>>, %arg19: memref<256xi32, #tpu.memory_space<vmem>>, %arg20: memref<16x256xi32, #tpu.memory_space<vmem>>, %arg21: memref<256xi32, #tpu.memory_space<vmem>>, %arg22: memref<256x16xi32, #tpu.memory_space<vmem>>, %arg23: memref<256x16xi32, #tpu.memory_space<vmem>>, %arg24: memref<1024x16xi32, #tpu.memory_space<vmem>>, %arg25: memref<1024x16xi32, #tpu.memory_space<vmem>>, %arg26: memref<16384xf32, #tpu.memory_space<vmem>>, %arg27: memref<16384xf32, #tpu.memory_space<vmem>>, %arg28: memref<1024xi32, #tpu.memory_space<vmem>>, %arg29: memref<1024xi32, #tpu.memory_space<vmem>>, %arg30: memref<1024xf32, #tpu.memory_space<vmem>>, %arg31: memref<16xi32, #tpu.memory_space<vmem>>, %arg32: memref<16x16xi32, #tpu.memory_space<vmem>>, %arg33: memref<16x4096xi32, #tpu.memory_space<vmem_shared>>, %arg34: memref<16x16xi32, #tpu.memory_space<vmem_shared>>, %arg35: memref<16x16xi32, #tpu.memory_space<vmem_shared>>, %arg36: memref<16400x16xi32, #tpu.memory_space<vmem_shared>>, %arg37: memref<16400x16xi32, #tpu.memory_space<vmem_shared>>, %arg38: memref<!tpu.dma_semaphore, #tpu.memory_space<semaphore_mem>>) attributes {dimension_semantics = [#tpu.dimension_semantics<core_parallel>, #tpu.dimension_semantics<subcore_parallel>], iteration_bounds = array<i64: 1, 16>, scalar_prefetch = 0 : i64, scratch_operands = 26 : i64, tpu.core_type = #tpu.core_type<sc_vector_subcore>, window_params = [{transform_indices = #map}, {transform_indices = #map}, {transform_indices = #map}, {transform_indices = #map}, {transform_indices = #map}, {transform_indices = #map}, {transform_indices = #map}, {transform_indices = #map}, {transform_indices = #map}, {transform_indices = #map}, {transform_indices = #map}]} {
    %mul3A = arith.constant 1024 : i32
    %mul3A_0 = arith.muli %arg1, %mul3A : i32
    %mul3A_1 = arith.constant 256 : i32
    %mul3A_2 = arith.muli %arg1, %mul3A_1 : i32
    %broadcast_in_dim3A = arith.constant 0 : i32
    %broadcast_in_dim3A_3 = vector.broadcast %broadcast_in_dim3A : i32 to vector<16xi32>
    %broadcast_in_dim3A_4 = arith.constant 1 : i32
    %broadcast_in_dim3A_5 = vector.broadcast %broadcast_in_dim3A_4 : i32 to vector<16xi32>
    %iota3A = tpu.iota {dimensions = array<i32: 0>} : vector<16xi32>
    "tpu.region"() ({
      %run_scoped3A_597 = tpu.sem_alloc : memref<!tpu.dma_semaphore, #tpu.memory_space<semaphore_mem>>
      tpu.enqueue_dma source(%arg2 : memref<4096xi32, #tpu.memory_space<hbm>>) target(%arg13 : memref<4096xi32, #tpu.memory_space<vmem>>) target_semaphore(%run_scoped3A_597 : memref<!tpu.dma_semaphore, #tpu.memory_space<semaphore_mem>>)
      tpu.wait_dma2 semaphore(%run_scoped3A_597 : memref<!tpu.dma_semaphore, #tpu.memory_space<semaphore_mem>>) src(%arg2 : memref<4096xi32, #tpu.memory_space<hbm>>) dst(%arg13 : memref<4096xi32, #tpu.memory_space<vmem>>)
      tpu.yield
    }) : () -> ()
    "tpu.region"() ({
      %run_scoped3A_597 = tpu.sem_alloc : memref<!tpu.dma_semaphore, #tpu.memory_space<semaphore_mem>>
      %dma_start3A_598 = tpu.memref_slice %arg4[%mul3A_0] : memref<16384xi32, #tpu.memory_space<hbm>> -> memref<1024xi32, #tpu.memory_space<hbm>>
      %dma_start3A_599 = tpu.memref_slice %arg4[%mul3A_0] : memref<16384xi32, #tpu.memory_space<hbm>> -> memref<1024xi32, #tpu.memory_space<hbm>>
      tpu.enqueue_dma source(%dma_start3A_599 : memref<1024xi32, #tpu.memory_space<hbm>>) target(%arg15 : memref<1024xi32, #tpu.memory_space<vmem>>) target_semaphore(%run_scoped3A_597 : memref<!tpu.dma_semaphore, #tpu.memory_space<semaphore_mem>>)
      %dma_wait3A_600 = tpu.memref_slice %arg4[%mul3A_0] : memref<16384xi32, #tpu.memory_space<hbm>> -> memref<1024xi32, #tpu.memory_space<hbm>>
      %dma_wait3A_601 = tpu.memref_slice %arg4[%mul3A_0] : memref<16384xi32, #tpu.memory_space<hbm>> -> memref<1024xi32, #tpu.memory_space<hbm>>
      tpu.wait_dma2 semaphore(%run_scoped3A_597 : memref<!tpu.dma_semaphore, #tpu.memory_space<semaphore_mem>>) src(%dma_wait3A_601 : memref<1024xi32, #tpu.memory_space<hbm>>) dst(%arg15 : memref<1024xi32, #tpu.memory_space<vmem>>)
      tpu.yield
    }) : () -> ()
    "tpu.region"() ({
      %run_scoped3A_597 = tpu.sem_alloc : memref<!tpu.dma_semaphore, #tpu.memory_space<semaphore_mem>>
      %dma_start3A_598 = tpu.memref_slice %arg5[%mul3A_0] : memref<16384xi32, #tpu.memory_space<hbm>> -> memref<1024xi32, #tpu.memory_space<hbm>>
      %dma_start3A_599 = tpu.memref_slice %arg5[%mul3A_0] : memref<16384xi32, #tpu.memory_space<hbm>> -> memref<1024xi32, #tpu.memory_space<hbm>>
      tpu.enqueue_dma source(%dma_start3A_599 : memref<1024xi32, #tpu.memory_space<hbm>>) target(%arg16 : memref<1024xi32, #tpu.memory_space<vmem>>) target_semaphore(%run_scoped3A_597 : memref<!tpu.dma_semaphore, #tpu.memory_space<semaphore_mem>>)
      %dma_wait3A_600 = tpu.memref_slice %arg5[%mul3A_0] : memref<16384xi32, #tpu.memory_space<hbm>> -> memref<1024xi32, #tpu.memory_space<hbm>>
      %dma_wait3A_601 = tpu.memref_slice %arg5[%mul3A_0] : memref<16384xi32, #tpu.memory_space<hbm>> -> memref<1024xi32, #tpu.memory_space<hbm>>
      tpu.wait_dma2 semaphore(%run_scoped3A_597 : memref<!tpu.dma_semaphore, #tpu.memory_space<semaphore_mem>>) src(%dma_wait3A_601 : memref<1024xi32, #tpu.memory_space<hbm>>) dst(%arg16 : memref<1024xi32, #tpu.memory_space<vmem>>)
      tpu.yield
    }) : () -> ()
    "tpu.region"() ({
      %run_scoped3A_597 = tpu.sem_alloc : memref<!tpu.dma_semaphore, #tpu.memory_space<semaphore_mem>>
      %dma_start3A_598 = tpu.memref_slice %arg6[%mul3A_0] : memref<16384xf32, #tpu.memory_space<hbm>> -> memref<1024xf32, #tpu.memory_space<hbm>>
      %dma_start3A_599 = tpu.memref_slice %arg6[%mul3A_0] : memref<16384xf32, #tpu.memory_space<hbm>> -> memref<1024xf32, #tpu.memory_space<hbm>>
      tpu.enqueue_dma source(%dma_start3A_599 : memref<1024xf32, #tpu.memory_space<hbm>>) target(%arg17 : memref<1024xf32, #tpu.memory_space<vmem>>) target_semaphore(%run_scoped3A_597 : memref<!tpu.dma_semaphore, #tpu.memory_space<semaphore_mem>>)
      %dma_wait3A_600 = tpu.memref_slice %arg6[%mul3A_0] : memref<16384xf32, #tpu.memory_space<hbm>> -> memref<1024xf32, #tpu.memory_space<hbm>>
      %dma_wait3A_601 = tpu.memref_slice %arg6[%mul3A_0] : memref<16384xf32, #tpu.memory_space<hbm>> -> memref<1024xf32, #tpu.memory_space<hbm>>
      tpu.wait_dma2 semaphore(%run_scoped3A_597 : memref<!tpu.dma_semaphore, #tpu.memory_space<semaphore_mem>>) src(%dma_wait3A_601 : memref<1024xf32, #tpu.memory_space<hbm>>) dst(%arg17 : memref<1024xf32, #tpu.memory_space<vmem>>)
      tpu.yield
    }) : () -> ()
    "tpu.region"() ({
      %run_scoped3A_597 = tpu.sem_alloc : memref<!tpu.dma_semaphore, #tpu.memory_space<semaphore_mem>>
      %dma_start3A_598 = tpu.memref_slice %arg3[%mul3A_2] : memref<4096xf32, #tpu.memory_space<hbm>> -> memref<256xf32, #tpu.memory_space<hbm>>
      %dma_start3A_599 = tpu.memref_slice %arg3[%mul3A_2] : memref<4096xf32, #tpu.memory_space<hbm>> -> memref<256xf32, #tpu.memory_space<hbm>>
      tpu.enqueue_dma source(%dma_start3A_599 : memref<256xf32, #tpu.memory_space<hbm>>) target(%arg18 : memref<256xf32, #tpu.memory_space<vmem>>) target_semaphore(%run_scoped3A_597 : memref<!tpu.dma_semaphore, #tpu.memory_space<semaphore_mem>>)
      %dma_wait3A_600 = tpu.memref_slice %arg3[%mul3A_2] : memref<4096xf32, #tpu.memory_space<hbm>> -> memref<256xf32, #tpu.memory_space<hbm>>
      %dma_wait3A_601 = tpu.memref_slice %arg3[%mul3A_2] : memref<4096xf32, #tpu.memory_space<hbm>> -> memref<256xf32, #tpu.memory_space<hbm>>
      tpu.wait_dma2 semaphore(%run_scoped3A_597 : memref<!tpu.dma_semaphore, #tpu.memory_space<semaphore_mem>>) src(%dma_wait3A_601 : memref<256xf32, #tpu.memory_space<hbm>>) dst(%arg18 : memref<256xf32, #tpu.memory_space<vmem>>)
      tpu.yield
    }) : () -> ()
    %scan3A = arith.constant 0 : i32
    %scan3A_6 = arith.constant 0 : i32
    %scan3A_7 = arith.constant 256 : i32
    %scan3A_8 = arith.addi %scan3A_6, %scan3A_7 : i32
    %scan3A_9 = arith.constant 1 : i32
    scf.for %scan3A_597 = %scan3A_6 to %scan3A_8 step %scan3A_9  : i32 {
      %mul3A_598 = arith.constant 16 : i32
      %mul3A_599 = arith.muli %scan3A_597, %mul3A_598 : i32
      %multiple_of3A = tpu.assume_multiple %mul3A_599, 16 : i32
      %swap3A_600 = arith.index_cast %multiple_of3A : i32 to index
      %swap3A_601 = tpu.vector_load %arg14[%swap3A_600] {strides = array<i32>} : memref<4096xi32, #tpu.memory_space<vmem>>, vector<16xi32>,
      tpu.vector_store %arg14[%swap3A_600], %broadcast_in_dim3A_3 {strides = array<i32>} : memref<4096xi32, #tpu.memory_space<vmem>>, vector<16xi32>,
    }
    %scan3A_10 = arith.constant 256 : i32
    %scan3A_11 = arith.constant 0 : i32
    %scan3A_12 = arith.constant 0 : i32
    %scan3A_13 = arith.constant 64 : i32
    %scan3A_14 = arith.addi %scan3A_12, %scan3A_13 : i32
    %scan3A_15 = arith.constant 1 : i32
    %scan3A_16 = scf.for %scan3A_597 = %scan3A_12 to %scan3A_14 step %scan3A_15 iter_args(%scan3A_598 = %scan3A_11) -> (i32)  : i32 {
      %mul3A_599 = arith.constant 16 : i32
      %mul3A_600 = arith.muli %scan3A_597, %mul3A_599 : i32
      %multiple_of3A = tpu.assume_multiple %mul3A_600, 16 : i32
      %get3A_601 = arith.index_cast %multiple_of3A : i32 to index
      %get3A_602 = tpu.vector_load %arg15[%get3A_601] {strides = array<i32>} : memref<1024xi32, #tpu.memory_space<vmem>>, vector<16xi32>,
      %get3A_603 = arith.index_cast %multiple_of3A : i32 to index
      %get3A_604 = tpu.vector_load %arg16[%get3A_603] {strides = array<i32>} : memref<1024xi32, #tpu.memory_space<vmem>>, vector<16xi32>,
      %gather3A = tpu.vector_load_idx %arg13[%get3A_602] : memref<4096xi32, #tpu.memory_space<vmem>>[vector<16xi32>], vector<16xi32>,
      %eq3A = arith.cmpi eq, %gather3A, %get3A_604 : vector<16xi32>
      tpu.vector_store_idx %arg14[%get3A_602], %broadcast_in_dim3A_5 masked %eq3A : memref<4096xi32, #tpu.memory_space<vmem>>[vector<16xi32>], vector<16xi32>, vector<16xi1>
      %get3A_605 = arith.index_cast %multiple_of3A : i32 to index
      %get3A_606 = tpu.vector_load %arg17[%get3A_605] {strides = array<i32>} : memref<1024xf32, #tpu.memory_space<vmem>>, vector<16xf32>,
      %convert_element_type3A = arith.fptosi %get3A_606 : vector<16xf32> to vector<16xi32>
      %reduce_sum3A = arith.constant true
      %reduce_sum3A_607 = vector.broadcast %reduce_sum3A : i1 to vector<16xi1>
      %reduce_sum3A_608 = tpu.scan <sum>, %convert_element_type3A masked %reduce_sum3A_607 : vector<16xi32>, vector<16xi1> -> vector<16xi32>
      %reduce_sum3A_609 = vector.extract %reduce_sum3A_608[15] : i32 from vector<16xi32>
      %add3A_610 = arith.addi %scan3A_598, %reduce_sum3A_609 : i32
      scf.yield %add3A_610 : i32
    }
    %scan3A_17 = arith.constant 64 : i32
    "tpu.region"() ({
      %run_scoped3A_597 = tpu.sem_alloc : memref<!tpu.dma_semaphore, #tpu.memory_space<semaphore_mem>>
      %dma_start3A_598 = arith.constant 0 : i32
      %dma_start3A_599 = tpu.memref_slice %arg33[%arg1, %dma_start3A_598] : memref<16x4096xi32, #tpu.memory_space<vmem_shared>> -> memref<1x4096xi32, #tpu.memory_space<vmem_shared>>
      %dma_start3A_600 = tpu.memref_squeeze %dma_start3A_599 : memref<1x4096xi32, #tpu.memory_space<vmem_shared>> -> memref<4096xi32, #tpu.memory_space<vmem_shared>>
      %dma_start3A_601 = arith.constant 0 : i32
      %dma_start3A_602 = tpu.memref_slice %arg33[%arg1, %dma_start3A_601] : memref<16x4096xi32, #tpu.memory_space<vmem_shared>> -> memref<1x4096xi32, #tpu.memory_space<vmem_shared>>
      %dma_start3A_603 = tpu.memref_squeeze %dma_start3A_602 : memref<1x4096xi32, #tpu.memory_space<vmem_shared>> -> memref<4096xi32, #tpu.memory_space<vmem_shared>>
      tpu.enqueue_dma source(%arg14 : memref<4096xi32, #tpu.memory_space<vmem>>) target(%dma_start3A_603 : memref<4096xi32, #tpu.memory_space<vmem_shared>>) target_semaphore(%run_scoped3A_597 : memref<!tpu.dma_semaphore, #tpu.memory_space<semaphore_mem>>)
      %dma_wait3A_604 = arith.constant 0 : i32
      %dma_wait3A_605 = tpu.memref_slice %arg33[%arg1, %dma_wait3A_604] : memref<16x4096xi32, #tpu.memory_space<vmem_shared>> -> memref<1x4096xi32, #tpu.memory_space<vmem_shared>>
      %dma_wait3A_606 = tpu.memref_squeeze %dma_wait3A_605 : memref<1x4096xi32, #tpu.memory_space<vmem_shared>> -> memref<4096xi32, #tpu.memory_space<vmem_shared>>
      %dma_wait3A_607 = arith.constant 0 : i32
      %dma_wait3A_608 = tpu.memref_slice %arg33[%arg1, %dma_wait3A_607] : memref<16x4096xi32, #tpu.memory_space<vmem_shared>> -> memref<1x4096xi32, #tpu.memory_space<vmem_shared>>
      %dma_wait3A_609 = tpu.memref_squeeze %dma_wait3A_608 : memref<1x4096xi32, #tpu.memory_space<vmem_shared>> -> memref<4096xi32, #tpu.memory_space<vmem_shared>>
      tpu.wait_dma2 semaphore(%run_scoped3A_597 : memref<!tpu.dma_semaphore, #tpu.memory_space<semaphore_mem>>) src(%arg14 : memref<4096xi32, #tpu.memory_space<vmem>>) dst(%dma_wait3A_609 : memref<4096xi32, #tpu.memory_space<vmem_shared>>)
      tpu.yield
    }) : () -> ()
    %broadcast_in_dim3A_18 = arith.constant 0 : i32
    %broadcast_in_dim3A_19 = vector.broadcast %broadcast_in_dim3A_18 : i32 to vector<16xi32>
    %add3A = vector.broadcast %scan3A_16 : i32 to vector<16xi32>
    %add3A_20 = arith.addi %broadcast_in_dim3A_19, %add3A : vector<16xi32>
    %swap3A = arith.constant 0 : index
    %swap3A_21 = tpu.vector_load %arg31[%swap3A] {strides = array<i32>} : memref<16xi32, #tpu.memory_space<vmem>>, vector<16xi32>,
    tpu.vector_store %arg31[%swap3A], %add3A_20 {strides = array<i32>} : memref<16xi32, #tpu.memory_space<vmem>>, vector<16xi32>,
    "tpu.region"() ({
      %run_scoped3A_597 = tpu.sem_alloc : memref<!tpu.dma_semaphore, #tpu.memory_space<semaphore_mem>>
      %dma_start3A_598 = arith.constant 0 : i32
      %dma_start3A_599 = tpu.memref_slice %arg34[%arg1, %dma_start3A_598] : memref<16x16xi32, #tpu.memory_space<vmem_shared>> -> memref<1x16xi32, #tpu.memory_space<vmem_shared>>
      %dma_start3A_600 = tpu.memref_squeeze %dma_start3A_599 : memref<1x16xi32, #tpu.memory_space<vmem_shared>> -> memref<16xi32, #tpu.memory_space<vmem_shared>>
      %dma_start3A_601 = arith.constant 0 : i32
      %dma_start3A_602 = tpu.memref_slice %arg34[%arg1, %dma_start3A_601] : memref<16x16xi32, #tpu.memory_space<vmem_shared>> -> memref<1x16xi32, #tpu.memory_space<vmem_shared>>
      %dma_start3A_603 = tpu.memref_squeeze %dma_start3A_602 : memref<1x16xi32, #tpu.memory_space<vmem_shared>> -> memref<16xi32, #tpu.memory_space<vmem_shared>>
      tpu.enqueue_dma source(%arg31 : memref<16xi32, #tpu.memory_space<vmem>>) target(%dma_start3A_603 : memref<16xi32, #tpu.memory_space<vmem_shared>>) target_semaphore(%run_scoped3A_597 : memref<!tpu.dma_semaphore, #tpu.memory_space<semaphore_mem>>)
      %dma_wait3A_604 = arith.constant 0 : i32
      %dma_wait3A_605 = tpu.memref_slice %arg34[%arg1, %dma_wait3A_604] : memref<16x16xi32, #tpu.memory_space<vmem_shared>> -> memref<1x16xi32, #tpu.memory_space<vmem_shared>>
      %dma_wait3A_606 = tpu.memref_squeeze %dma_wait3A_605 : memref<1x16xi32, #tpu.memory_space<vmem_shared>> -> memref<16xi32, #tpu.memory_space<vmem_shared>>
      %dma_wait3A_607 = arith.constant 0 : i32
      %dma_wait3A_608 = tpu.memref_slice %arg34[%arg1, %dma_wait3A_607] : memref<16x16xi32, #tpu.memory_space<vmem_shared>> -> memref<1x16xi32, #tpu.memory_space<vmem_shared>>
      %dma_wait3A_609 = tpu.memref_squeeze %dma_wait3A_608 : memref<1x16xi32, #tpu.memory_space<vmem_shared>> -> memref<16xi32, #tpu.memory_space<vmem_shared>>
      tpu.wait_dma2 semaphore(%run_scoped3A_597 : memref<!tpu.dma_semaphore, #tpu.memory_space<semaphore_mem>>) src(%arg31 : memref<16xi32, #tpu.memory_space<vmem>>) dst(%dma_wait3A_609 : memref<16xi32, #tpu.memory_space<vmem_shared>>)
      tpu.yield
    }) : () -> ()
    %barrier3A = arith.constant 0 : index
    tpu.barrier barrier_id(%barrier3A)
    %run_scoped3A = arith.constant 0 : i32
    %run_scoped3A_22 = arith.constant 0 : i32
    "tpu.region"() ({
      %run_scoped3A_597 = tpu.sem_alloc : memref<!tpu.dma_semaphore, #tpu.memory_space<semaphore_mem>>
      %dma_start3A_598 = arith.constant 0 : i32
      %dma_start3A_599 = tpu.memref_slice %arg20[%run_scoped3A_22, %dma_start3A_598] : memref<16x256xi32, #tpu.memory_space<vmem>> -> memref<1x256xi32, #tpu.memory_space<vmem>>
      %dma_start3A_600 = tpu.memref_squeeze %dma_start3A_599 : memref<1x256xi32, #tpu.memory_space<vmem>> -> memref<256xi32, #tpu.memory_space<vmem>>
      %dma_start3A_601 = tpu.memref_slice %arg33[%run_scoped3A, %mul3A_2] : memref<16x4096xi32, #tpu.memory_space<vmem_shared>> -> memref<1x256xi32, #tpu.memory_space<vmem_shared>>
      %dma_start3A_602 = tpu.memref_squeeze %dma_start3A_601 : memref<1x256xi32, #tpu.memory_space<vmem_shared>> -> memref<256xi32, #tpu.memory_space<vmem_shared>>
      %dma_start3A_603 = arith.constant 0 : i32
      %dma_start3A_604 = tpu.memref_slice %arg20[%run_scoped3A_22, %dma_start3A_603] : memref<16x256xi32, #tpu.memory_space<vmem>> -> memref<1x256xi32, #tpu.memory_space<vmem>>
      %dma_start3A_605 = tpu.memref_squeeze %dma_start3A_604 : memref<1x256xi32, #tpu.memory_space<vmem>> -> memref<256xi32, #tpu.memory_space<vmem>>
      %dma_start3A_606 = tpu.memref_slice %arg33[%run_scoped3A, %mul3A_2] : memref<16x4096xi32, #tpu.memory_space<vmem_shared>> -> memref<1x256xi32, #tpu.memory_space<vmem_shared>>
      %dma_start3A_607 = tpu.memref_squeeze %dma_start3A_606 : memref<1x256xi32, #tpu.memory_space<vmem_shared>> -> memref<256xi32, #tpu.memory_space<vmem_shared>>
      tpu.enqueue_dma source(%dma_start3A_607 : memref<256xi32, #tpu.memory_space<vmem_shared>>) target(%dma_start3A_605 : memref<256xi32, #tpu.memory_space<vmem>>) target_semaphore(%run_scoped3A_597 : memref<!tpu.dma_semaphore, #tpu.memory_space<semaphore_mem>>)
      %dma_wait3A_608 = arith.constant 0 : i32
      %dma_wait3A_609 = tpu.memref_slice %arg20[%run_scoped3A_22, %dma_wait3A_608] : memref<16x256xi32, #tpu.memory_space<vmem>> -> memref<1x256xi32, #tpu.memory_space<vmem>>
      %dma_wait3A_610 = tpu.memref_squeeze %dma_wait3A_609 : memref<1x256xi32, #tpu.memory_space<vmem>> -> memref<256xi32, #tpu.memory_space<vmem>>
      %dma_wait3A_611 = tpu.memref_slice %arg33[%run_scoped3A, %mul3A_2] : memref<16x4096xi32, #tpu.memory_space<vmem_shared>> -> memref<1x256xi32, #tpu.memory_space<vmem_shared>>
      %dma_wait3A_612 = tpu.memref_squeeze %dma_wait3A_611 : memref<1x256xi32, #tpu.memory_space<vmem_shared>> -> memref<256xi32, #tpu.memory_space<vmem_shared>>
      %dma_wait3A_613 = arith.constant 0 : i32
      %dma_wait3A_614 = tpu.memref_slice %arg20[%run_scoped3A_22, %dma_wait3A_613] : memref<16x256xi32, #tpu.memory_space<vmem>> -> memref<1x256xi32, #tpu.memory_space<vmem>>
      %dma_wait3A_615 = tpu.memref_squeeze %dma_wait3A_614 : memref<1x256xi32, #tpu.memory_space<vmem>> -> memref<256xi32, #tpu.memory_space<vmem>>
      %dma_wait3A_616 = tpu.memref_slice %arg33[%run_scoped3A, %mul3A_2] : memref<16x4096xi32, #tpu.memory_space<vmem_shared>> -> memref<1x256xi32, #tpu.memory_space<vmem_shared>>
      %dma_wait3A_617 = tpu.memref_squeeze %dma_wait3A_616 : memref<1x256xi32, #tpu.memory_space<vmem_shared>> -> memref<256xi32, #tpu.memory_space<vmem_shared>>
      tpu.wait_dma2 semaphore(%run_scoped3A_597 : memref<!tpu.dma_semaphore, #tpu.memory_space<semaphore_mem>>) src(%dma_wait3A_617 : memref<256xi32, #tpu.memory_space<vmem_shared>>) dst(%dma_wait3A_615 : memref<256xi32, #tpu.memory_space<vmem>>)
      tpu.yield
    }) : () -> ()
    %run_scoped3A_23 = arith.constant 1 : i32
    %run_scoped3A_24 = arith.constant 1 : i32
    "tpu.region"() ({
      %run_scoped3A_597 = tpu.sem_alloc : memref<!tpu.dma_semaphore, #tpu.memory_space<semaphore_mem>>
      %dma_start3A_598 = arith.constant 0 : i32
      %dma_start3A_599 = tpu.memref_slice %arg20[%run_scoped3A_24, %dma_start3A_598] : memref<16x256xi32, #tpu.memory_space<vmem>> -> memref<1x256xi32, #tpu.memory_space<vmem>>
      %dma_start3A_600 = tpu.memref_squeeze %dma_start3A_599 : memref<1x256xi32, #tpu.memory_space<vmem>> -> memref<256xi32, #tpu.memory_space<vmem>>
      %dma_start3A_601 = tpu.memref_slice %arg33[%run_scoped3A_23, %mul3A_2] : memref<16x4096xi32, #tpu.memory_space<vmem_shared>> -> memref<1x256xi32, #tpu.memory_space<vmem_shared>>
      %dma_start3A_602 = tpu.memref_squeeze %dma_start3A_601 : memref<1x256xi32, #tpu.memory_space<vmem_shared>> -> memref<256xi32, #tpu.memory_space<vmem_shared>>
      %dma_start3A_603 = arith.constant 0 : i32
      %dma_start3A_604 = tpu.memref_slice %arg20[%run_scoped3A_24, %dma_start3A_603] : memref<16x256xi32, #tpu.memory_space<vmem>> -> memref<1x256xi32, #tpu.memory_space<vmem>>
      %dma_start3A_605 = tpu.memref_squeeze %dma_start3A_604 : memref<1x256xi32, #tpu.memory_space<vmem>> -> memref<256xi32, #tpu.memory_space<vmem>>
      %dma_start3A_606 = tpu.memref_slice %arg33[%run_scoped3A_23, %mul3A_2] : memref<16x4096xi32, #tpu.memory_space<vmem_shared>> -> memref<1x256xi32, #tpu.memory_space<vmem_shared>>
      %dma_start3A_607 = tpu.memref_squeeze %dma_start3A_606 : memref<1x256xi32, #tpu.memory_space<vmem_shared>> -> memref<256xi32, #tpu.memory_space<vmem_shared>>
      tpu.enqueue_dma source(%dma_start3A_607 : memref<256xi32, #tpu.memory_space<vmem_shared>>) target(%dma_start3A_605 : memref<256xi32, #tpu.memory_space<vmem>>) target_semaphore(%run_scoped3A_597 : memref<!tpu.dma_semaphore, #tpu.memory_space<semaphore_mem>>)
      %dma_wait3A_608 = arith.constant 0 : i32
      %dma_wait3A_609 = tpu.memref_slice %arg20[%run_scoped3A_24, %dma_wait3A_608] : memref<16x256xi32, #tpu.memory_space<vmem>> -> memref<1x256xi32, #tpu.memory_space<vmem>>
      %dma_wait3A_610 = tpu.memref_squeeze %dma_wait3A_609 : memref<1x256xi32, #tpu.memory_space<vmem>> -> memref<256xi32, #tpu.memory_space<vmem>>
      %dma_wait3A_611 = tpu.memref_slice %arg33[%run_scoped3A_23, %mul3A_2] : memref<16x4096xi32, #tpu.memory_space<vmem_shared>> -> memref<1x256xi32, #tpu.memory_space<vmem_shared>>
      %dma_wait3A_612 = tpu.memref_squeeze %dma_wait3A_611 : memref<1x256xi32, #tpu.memory_space<vmem_shared>> -> memref<256xi32, #tpu.memory_space<vmem_shared>>
      %dma_wait3A_613 = arith.constant 0 : i32
      %dma_wait3A_614 = tpu.memref_slice %arg20[%run_scoped3A_24, %dma_wait3A_613] : memref<16x256xi32, #tpu.memory_space<vmem>> -> memref<1x256xi32, #tpu.memory_space<vmem>>
      %dma_wait3A_615 = tpu.memref_squeeze %dma_wait3A_614 : memref<1x256xi32, #tpu.memory_space<vmem>> -> memref<256xi32, #tpu.memory_space<vmem>>
      %dma_wait3A_616 = tpu.memref_slice %arg33[%run_scoped3A_23, %mul3A_2] : memref<16x4096xi32, #tpu.memory_space<vmem_shared>> -> memref<1x256xi32, #tpu.memory_space<vmem_shared>>
      %dma_wait3A_617 = tpu.memref_squeeze %dma_wait3A_616 : memref<1x256xi32, #tpu.memory_space<vmem_shared>> -> memref<256xi32, #tpu.memory_space<vmem_shared>>
      tpu.wait_dma2 semaphore(%run_scoped3A_597 : memref<!tpu.dma_semaphore, #tpu.memory_space<semaphore_mem>>) src(%dma_wait3A_617 : memref<256xi32, #tpu.memory_space<vmem_shared>>) dst(%dma_wait3A_615 : memref<256xi32, #tpu.memory_space<vmem>>)
      tpu.yield
    }) : () -> ()
    %run_scoped3A_25 = arith.constant 2 : i32
    %run_scoped3A_26 = arith.constant 2 : i32
    "tpu.region"() ({
      %run_scoped3A_597 = tpu.sem_alloc : memref<!tpu.dma_semaphore, #tpu.memory_space<semaphore_mem>>
      %dma_start3A_598 = arith.constant 0 : i32
      %dma_start3A_599 = tpu.memref_slice %arg20[%run_scoped3A_26, %dma_start3A_598] : memref<16x256xi32, #tpu.memory_space<vmem>> -> memref<1x256xi32, #tpu.memory_space<vmem>>
      %dma_start3A_600 = tpu.memref_squeeze %dma_start3A_599 : memref<1x256xi32, #tpu.memory_space<vmem>> -> memref<256xi32, #tpu.memory_space<vmem>>
      %dma_start3A_601 = tpu.memref_slice %arg33[%run_scoped3A_25, %mul3A_2] : memref<16x4096xi32, #tpu.memory_space<vmem_shared>> -> memref<1x256xi32, #tpu.memory_space<vmem_shared>>
      %dma_start3A_602 = tpu.memref_squeeze %dma_start3A_601 : memref<1x256xi32, #tpu.memory_space<vmem_shared>> -> memref<256xi32, #tpu.memory_space<vmem_shared>>
      %dma_start3A_603 = arith.constant 0 : i32
      %dma_start3A_604 = tpu.memref_slice %arg20[%run_scoped3A_26, %dma_start3A_603] : memref<16x256xi32, #tpu.memory_space<vmem>> -> memref<1x256xi32, #tpu.memory_space<vmem>>
      %dma_start3A_605 = tpu.memref_squeeze %dma_start3A_604 : memref<1x256xi32, #tpu.memory_space<vmem>> -> memref<256xi32, #tpu.memory_space<vmem>>
      %dma_start3A_606 = tpu.memref_slice %arg33[%run_scoped3A_25, %mul3A_2] : memref<16x4096xi32, #tpu.memory_space<vmem_shared>> -> memref<1x256xi32, #tpu.memory_space<vmem_shared>>
      %dma_start3A_607 = tpu.memref_squeeze %dma_start3A_606 : memref<1x256xi32, #tpu.memory_space<vmem_shared>> -> memref<256xi32, #tpu.memory_space<vmem_shared>>
      tpu.enqueue_dma source(%dma_start3A_607 : memref<256xi32, #tpu.memory_space<vmem_shared>>) target(%dma_start3A_605 : memref<256xi32, #tpu.memory_space<vmem>>) target_semaphore(%run_scoped3A_597 : memref<!tpu.dma_semaphore, #tpu.memory_space<semaphore_mem>>)
      %dma_wait3A_608 = arith.constant 0 : i32
      %dma_wait3A_609 = tpu.memref_slice %arg20[%run_scoped3A_26, %dma_wait3A_608] : memref<16x256xi32, #tpu.memory_space<vmem>> -> memref<1x256xi32, #tpu.memory_space<vmem>>
      %dma_wait3A_610 = tpu.memref_squeeze %dma_wait3A_609 : memref<1x256xi32, #tpu.memory_space<vmem>> -> memref<256xi32, #tpu.memory_space<vmem>>
      %dma_wait3A_611 = tpu.memref_slice %arg33[%run_scoped3A_25, %mul3A_2] : memref<16x4096xi32, #tpu.memory_space<vmem_shared>> -> memref<1x256xi32, #tpu.memory_space<vmem_shared>>
      %dma_wait3A_612 = tpu.memref_squeeze %dma_wait3A_611 : memref<1x256xi32, #tpu.memory_space<vmem_shared>> -> memref<256xi32, #tpu.memory_space<vmem_shared>>
      %dma_wait3A_613 = arith.constant 0 : i32
      %dma_wait3A_614 = tpu.memref_slice %arg20[%run_scoped3A_26, %dma_wait3A_613] : memref<16x256xi32, #tpu.memory_space<vmem>> -> memref<1x256xi32, #tpu.memory_space<vmem>>
      %dma_wait3A_615 = tpu.memref_squeeze %dma_wait3A_614 : memref<1x256xi32, #tpu.memory_space<vmem>> -> memref<256xi32, #tpu.memory_space<vmem>>
      %dma_wait3A_616 = tpu.memref_slice %arg33[%run_scoped3A_25, %mul3A_2] : memref<16x4096xi32, #tpu.memory_space<vmem_shared>> -> memref<1x256xi32, #tpu.memory_space<vmem_shared>>
      %dma_wait3A_617 = tpu.memref_squeeze %dma_wait3A_616 : memref<1x256xi32, #tpu.memory_space<vmem_shared>> -> memref<256xi32, #tpu.memory_space<vmem_shared>>
      tpu.wait_dma2 semaphore(%run_scoped3A_597 : memref<!tpu.dma_semaphore, #tpu.memory_space<semaphore_mem>>) src(%dma_wait3A_617 : memref<256xi32, #tpu.memory_space<vmem_shared>>) dst(%dma_wait3A_615 : memref<256xi32, #tpu.memory_space<vmem>>)
      tpu.yield
    }) : () -> ()
    %run_scoped3A_27 = arith.constant 3 : i32
    %run_scoped3A_28 = arith.constant 3 : i32
    "tpu.region"() ({
      %run_scoped3A_597 = tpu.sem_alloc : memref<!tpu.dma_semaphore, #tpu.memory_space<semaphore_mem>>
      %dma_start3A_598 = arith.constant 0 : i32
      %dma_start3A_599 = tpu.memref_slice %arg20[%run_scoped3A_28, %dma_start3A_598] : memref<16x256xi32, #tpu.memory_space<vmem>> -> memref<1x256xi32, #tpu.memory_space<vmem>>
      %dma_start3A_600 = tpu.memref_squeeze %dma_start3A_599 : memref<1x256xi32, #tpu.memory_space<vmem>> -> memref<256xi32, #tpu.memory_space<vmem>>
      %dma_start3A_601 = tpu.memref_slice %arg33[%run_scoped3A_27, %mul3A_2] : memref<16x4096xi32, #tpu.memory_space<vmem_shared>> -> memref<1x256xi32, #tpu.memory_space<vmem_shared>>
      %dma_start3A_602 = tpu.memref_squeeze %dma_start3A_601 : memref<1x256xi32, #tpu.memory_space<vmem_shared>> -> memref<256xi32, #tpu.memory_space<vmem_shared>>
      %dma_start3A_603 = arith.constant 0 : i32
      %dma_start3A_604 = tpu.memref_slice %arg20[%run_scoped3A_28, %dma_start3A_603] : memref<16x256xi32, #tpu.memory_space<vmem>> -> memref<1x256xi32, #tpu.memory_space<vmem>>
      %dma_start3A_605 = tpu.memref_squeeze %dma_start3A_604 : memref<1x256xi32, #tpu.memory_space<vmem>> -> memref<256xi32, #tpu.memory_space<vmem>>
      %dma_start3A_606 = tpu.memref_slice %arg33[%run_scoped3A_27, %mul3A_2] : memref<16x4096xi32, #tpu.memory_space<vmem_shared>> -> memref<1x256xi32, #tpu.memory_space<vmem_shared>>
      %dma_start3A_607 = tpu.memref_squeeze %dma_start3A_606 : memref<1x256xi32, #tpu.memory_space<vmem_shared>> -> memref<256xi32, #tpu.memory_space<vmem_shared>>
      tpu.enqueue_dma source(%dma_start3A_607 : memref<256xi32, #tpu.memory_space<vmem_shared>>) target(%dma_start3A_605 : memref<256xi32, #tpu.memory_space<vmem>>) target_semaphore(%run_scoped3A_597 : memref<!tpu.dma_semaphore, #tpu.memory_space<semaphore_mem>>)
      %dma_wait3A_608 = arith.constant 0 : i32
      %dma_wait3A_609 = tpu.memref_slice %arg20[%run_scoped3A_28, %dma_wait3A_608] : memref<16x256xi32, #tpu.memory_space<vmem>> -> memref<1x256xi32, #tpu.memory_space<vmem>>
      %dma_wait3A_610 = tpu.memref_squeeze %dma_wait3A_609 : memref<1x256xi32, #tpu.memory_space<vmem>> -> memref<256xi32, #tpu.memory_space<vmem>>
      %dma_wait3A_611 = tpu.memref_slice %arg33[%run_scoped3A_27, %mul3A_2] : memref<16x4096xi32, #tpu.memory_space<vmem_shared>> -> memref<1x256xi32, #tpu.memory_space<vmem_shared>>
      %dma_wait3A_612 = tpu.memref_squeeze %dma_wait3A_611 : memref<1x256xi32, #tpu.memory_space<vmem_shared>> -> memref<256xi32, #tpu.memory_space<vmem_shared>>
      %dma_wait3A_613 = arith.constant 0 : i32
      %dma_wait3A_614 = tpu.memref_slice %arg20[%run_scoped3A_28, %dma_wait3A_613] : memref<16x256xi32, #tpu.memory_space<vmem>> -> memref<1x256xi32, #tpu.memory_space<vmem>>
      %dma_wait3A_615 = tpu.memref_squeeze %dma_wait3A_614 : memref<1x256xi32, #tpu.memory_space<vmem>> -> memref<256xi32, #tpu.memory_space<vmem>>
      %dma_wait3A_616 = tpu.memref_slice %arg33[%run_scoped3A_27, %mul3A_2] : memref<16x4096xi32, #tpu.memory_space<vmem_shared>> -> memref<1x256xi32, #tpu.memory_space<vmem_shared>>
      %dma_wait3A_617 = tpu.memref_squeeze %dma_wait3A_616 : memref<1x256xi32, #tpu.memory_space<vmem_shared>> -> memref<256xi32, #tpu.memory_space<vmem_shared>>
      tpu.wait_dma2 semaphore(%run_scoped3A_597 : memref<!tpu.dma_semaphore, #tpu.memory_space<semaphore_mem>>) src(%dma_wait3A_617 : memref<256xi32, #tpu.memory_space<vmem_shared>>) dst(%dma_wait3A_615 : memref<256xi32, #tpu.memory_space<vmem>>)
      tpu.yield
    }) : () -> ()
    %run_scoped3A_29 = arith.constant 4 : i32
    %run_scoped3A_30 = arith.constant 4 : i32
    "tpu.region"() ({
      %run_scoped3A_597 = tpu.sem_alloc : memref<!tpu.dma_semaphore, #tpu.memory_space<semaphore_mem>>
      %dma_start3A_598 = arith.constant 0 : i32
      %dma_start3A_599 = tpu.memref_slice %arg20[%run_scoped3A_30, %dma_start3A_598] : memref<16x256xi32, #tpu.memory_space<vmem>> -> memref<1x256xi32, #tpu.memory_space<vmem>>
      %dma_start3A_600 = tpu.memref_squeeze %dma_start3A_599 : memref<1x256xi32, #tpu.memory_space<vmem>> -> memref<256xi32, #tpu.memory_space<vmem>>
      %dma_start3A_601 = tpu.memref_slice %arg33[%run_scoped3A_29, %mul3A_2] : memref<16x4096xi32, #tpu.memory_space<vmem_shared>> -> memref<1x256xi32, #tpu.memory_space<vmem_shared>>
      %dma_start3A_602 = tpu.memref_squeeze %dma_start3A_601 : memref<1x256xi32, #tpu.memory_space<vmem_shared>> -> memref<256xi32, #tpu.memory_space<vmem_shared>>
      %dma_start3A_603 = arith.constant 0 : i32
      %dma_start3A_604 = tpu.memref_slice %arg20[%run_scoped3A_30, %dma_start3A_603] : memref<16x256xi32, #tpu.memory_space<vmem>> -> memref<1x256xi32, #tpu.memory_space<vmem>>
      %dma_start3A_605 = tpu.memref_squeeze %dma_start3A_604 : memref<1x256xi32, #tpu.memory_space<vmem>> -> memref<256xi32, #tpu.memory_space<vmem>>
      %dma_start3A_606 = tpu.memref_slice %arg33[%run_scoped3A_29, %mul3A_2] : memref<16x4096xi32, #tpu.memory_space<vmem_shared>> -> memref<1x256xi32, #tpu.memory_space<vmem_shared>>
      %dma_start3A_607 = tpu.memref_squeeze %dma_start3A_606 : memref<1x256xi32, #tpu.memory_space<vmem_shared>> -> memref<256xi32, #tpu.memory_space<vmem_shared>>
      tpu.enqueue_dma source(%dma_start3A_607 : memref<256xi32, #tpu.memory_space<vmem_shared>>) target(%dma_start3A_605 : memref<256xi32, #tpu.memory_space<vmem>>) target_semaphore(%run_scoped3A_597 : memref<!tpu.dma_semaphore, #tpu.memory_space<semaphore_mem>>)
      %dma_wait3A_608 = arith.constant 0 : i32
      %dma_wait3A_609 = tpu.memref_slice %arg20[%run_scoped3A_30, %dma_wait3A_608] : memref<16x256xi32, #tpu.memory_space<vmem>> -> memref<1x256xi32, #tpu.memory_space<vmem>>
      %dma_wait3A_610 = tpu.memref_squeeze %dma_wait3A_609 : memref<1x256xi32, #tpu.memory_space<vmem>> -> memref<256xi32, #tpu.memory_space<vmem>>
      %dma_wait3A_611 = tpu.memref_slice %arg33[%run_scoped3A_29, %mul3A_2] : memref<16x4096xi32, #tpu.memory_space<vmem_shared>> -> memref<1x256xi32, #tpu.memory_space<vmem_shared>>
      %dma_wait3A_612 = tpu.memref_squeeze %dma_wait3A_611 : memref<1x256xi32, #tpu.memory_space<vmem_shared>> -> memref<256xi32, #tpu.memory_space<vmem_shared>>
      %dma_wait3A_613 = arith.constant 0 : i32
      %dma_wait3A_614 = tpu.memref_slice %arg20[%run_scoped3A_30, %dma_wait3A_613] : memref<16x256xi32, #tpu.memory_space<vmem>> -> memref<1x256xi32, #tpu.memory_space<vmem>>
      %dma_wait3A_615 = tpu.memref_squeeze %dma_wait3A_614 : memref<1x256xi32, #tpu.memory_space<vmem>> -> memref<256xi32, #tpu.memory_space<vmem>>
      %dma_wait3A_616 = tpu.memref_slice %arg33[%run_scoped3A_29, %mul3A_2] : memref<16x4096xi32, #tpu.memory_space<vmem_shared>> -> memref<1x256xi32, #tpu.memory_space<vmem_shared>>
      %dma_wait3A_617 = tpu.memref_squeeze %dma_wait3A_616 : memref<1x256xi32, #tpu.memory_space<vmem_shared>> -> memref<256xi32, #tpu.memory_space<vmem_shared>>
      tpu.wait_dma2 semaphore(%run_scoped3A_597 : memref<!tpu.dma_semaphore, #tpu.memory_space<semaphore_mem>>) src(%dma_wait3A_617 : memref<256xi32, #tpu.memory_space<vmem_shared>>) dst(%dma_wait3A_615 : memref<256xi32, #tpu.memory_space<vmem>>)
      tpu.yield
    }) : () -> ()
    %run_scoped3A_31 = arith.constant 5 : i32
    %run_scoped3A_32 = arith.constant 5 : i32
    "tpu.region"() ({
      %run_scoped3A_597 = tpu.sem_alloc : memref<!tpu.dma_semaphore, #tpu.memory_space<semaphore_mem>>
      %dma_start3A_598 = arith.constant 0 : i32
      %dma_start3A_599 = tpu.memref_slice %arg20[%run_scoped3A_32, %dma_start3A_598] : memref<16x256xi32, #tpu.memory_space<vmem>> -> memref<1x256xi32, #tpu.memory_space<vmem>>
      %dma_start3A_600 = tpu.memref_squeeze %dma_start3A_599 : memref<1x256xi32, #tpu.memory_space<vmem>> -> memref<256xi32, #tpu.memory_space<vmem>>
      %dma_start3A_601 = tpu.memref_slice %arg33[%run_scoped3A_31, %mul3A_2] : memref<16x4096xi32, #tpu.memory_space<vmem_shared>> -> memref<1x256xi32, #tpu.memory_space<vmem_shared>>
      %dma_start3A_602 = tpu.memref_squeeze %dma_start3A_601 : memref<1x256xi32, #tpu.memory_space<vmem_shared>> -> memref<256xi32, #tpu.memory_space<vmem_shared>>
      %dma_start3A_603 = arith.constant 0 : i32
      %dma_start3A_604 = tpu.memref_slice %arg20[%run_scoped3A_32, %dma_start3A_603] : memref<16x256xi32, #tpu.memory_space<vmem>> -> memref<1x256xi32, #tpu.memory_space<vmem>>
      %dma_start3A_605 = tpu.memref_squeeze %dma_start3A_604 : memref<1x256xi32, #tpu.memory_space<vmem>> -> memref<256xi32, #tpu.memory_space<vmem>>
      %dma_start3A_606 = tpu.memref_slice %arg33[%run_scoped3A_31, %mul3A_2] : memref<16x4096xi32, #tpu.memory_space<vmem_shared>> -> memref<1x256xi32, #tpu.memory_space<vmem_shared>>
      %dma_start3A_607 = tpu.memref_squeeze %dma_start3A_606 : memref<1x256xi32, #tpu.memory_space<vmem_shared>> -> memref<256xi32, #tpu.memory_space<vmem_shared>>
      tpu.enqueue_dma source(%dma_start3A_607 : memref<256xi32, #tpu.memory_space<vmem_shared>>) target(%dma_start3A_605 : memref<256xi32, #tpu.memory_space<vmem>>) target_semaphore(%run_scoped3A_597 : memref<!tpu.dma_semaphore, #tpu.memory_space<semaphore_mem>>)
      %dma_wait3A_608 = arith.constant 0 : i32
      %dma_wait3A_609 = tpu.memref_slice %arg20[%run_scoped3A_32, %dma_wait3A_608] : memref<16x256xi32, #tpu.memory_space<vmem>> -> memref<1x256xi32, #tpu.memory_space<vmem>>
      %dma_wait3A_610 = tpu.memref_squeeze %dma_wait3A_609 : memref<1x256xi32, #tpu.memory_space<vmem>> -> memref<256xi32, #tpu.memory_space<vmem>>
      %dma_wait3A_611 = tpu.memref_slice %arg33[%run_scoped3A_31, %mul3A_2] : memref<16x4096xi32, #tpu.memory_space<vmem_shared>> -> memref<1x256xi32, #tpu.memory_space<vmem_shared>>
      %dma_wait3A_612 = tpu.memref_squeeze %dma_wait3A_611 : memref<1x256xi32, #tpu.memory_space<vmem_shared>> -> memref<256xi32, #tpu.memory_space<vmem_shared>>
      %dma_wait3A_613 = arith.constant 0 : i32
      %dma_wait3A_614 = tpu.memref_slice %arg20[%run_scoped3A_32, %dma_wait3A_613] : memref<16x256xi32, #tpu.memory_space<vmem>> -> memref<1x256xi32, #tpu.memory_space<vmem>>
      %dma_wait3A_615 = tpu.memref_squeeze %dma_wait3A_614 : memref<1x256xi32, #tpu.memory_space<vmem>> -> memref<256xi32, #tpu.memory_space<vmem>>
      %dma_wait3A_616 = tpu.memref_slice %arg33[%run_scoped3A_31, %mul3A_2] : memref<16x4096xi32, #tpu.memory_space<vmem_shared>> -> memref<1x256xi32, #tpu.memory_space<vmem_shared>>
      %dma_wait3A_617 = tpu.memref_squeeze %dma_wait3A_616 : memref<1x256xi32, #tpu.memory_space<vmem_shared>> -> memref<256xi32, #tpu.memory_space<vmem_shared>>
      tpu.wait_dma2 semaphore(%run_scoped3A_597 : memref<!tpu.dma_semaphore, #tpu.memory_space<semaphore_mem>>) src(%dma_wait3A_617 : memref<256xi32, #tpu.memory_space<vmem_shared>>) dst(%dma_wait3A_615 : memref<256xi32, #tpu.memory_space<vmem>>)
      tpu.yield
    }) : () -> ()
    %run_scoped3A_33 = arith.constant 6 : i32
    %run_scoped3A_34 = arith.constant 6 : i32
    "tpu.region"() ({
      %run_scoped3A_597 = tpu.sem_alloc : memref<!tpu.dma_semaphore, #tpu.memory_space<semaphore_mem>>
      %dma_start3A_598 = arith.constant 0 : i32
      %dma_start3A_599 = tpu.memref_slice %arg20[%run_scoped3A_34, %dma_start3A_598] : memref<16x256xi32, #tpu.memory_space<vmem>> -> memref<1x256xi32, #tpu.memory_space<vmem>>
      %dma_start3A_600 = tpu.memref_squeeze %dma_start3A_599 : memref<1x256xi32, #tpu.memory_space<vmem>> -> memref<256xi32, #tpu.memory_space<vmem>>
      %dma_start3A_601 = tpu.memref_slice %arg33[%run_scoped3A_33, %mul3A_2] : memref<16x4096xi32, #tpu.memory_space<vmem_shared>> -> memref<1x256xi32, #tpu.memory_space<vmem_shared>>
      %dma_start3A_602 = tpu.memref_squeeze %dma_start3A_601 : memref<1x256xi32, #tpu.memory_space<vmem_shared>> -> memref<256xi32, #tpu.memory_space<vmem_shared>>
      %dma_start3A_603 = arith.constant 0 : i32
      %dma_start3A_604 = tpu.memref_slice %arg20[%run_scoped3A_34, %dma_start3A_603] : memref<16x256xi32, #tpu.memory_space<vmem>> -> memref<1x256xi32, #tpu.memory_space<vmem>>
      %dma_start3A_605 = tpu.memref_squeeze %dma_start3A_604 : memref<1x256xi32, #tpu.memory_space<vmem>> -> memref<256xi32, #tpu.memory_space<vmem>>
      %dma_start3A_606 = tpu.memref_slice %arg33[%run_scoped3A_33, %mul3A_2] : memref<16x4096xi32, #tpu.memory_space<vmem_shared>> -> memref<1x256xi32, #tpu.memory_space<vmem_shared>>
      %dma_start3A_607 = tpu.memref_squeeze %dma_start3A_606 : memref<1x256xi32, #tpu.memory_space<vmem_shared>> -> memref<256xi32, #tpu.memory_space<vmem_shared>>
      tpu.enqueue_dma source(%dma_start3A_607 : memref<256xi32, #tpu.memory_space<vmem_shared>>) target(%dma_start3A_605 : memref<256xi32, #tpu.memory_space<vmem>>) target_semaphore(%run_scoped3A_597 : memref<!tpu.dma_semaphore, #tpu.memory_space<semaphore_mem>>)
      %dma_wait3A_608 = arith.constant 0 : i32
      %dma_wait3A_609 = tpu.memref_slice %arg20[%run_scoped3A_34, %dma_wait3A_608] : memref<16x256xi32, #tpu.memory_space<vmem>> -> memref<1x256xi32, #tpu.memory_space<vmem>>
      %dma_wait3A_610 = tpu.memref_squeeze %dma_wait3A_609 : memref<1x256xi32, #tpu.memory_space<vmem>> -> memref<256xi32, #tpu.memory_space<vmem>>
      %dma_wait3A_611 = tpu.memref_slice %arg33[%run_scoped3A_33, %mul3A_2] : memref<16x4096xi32, #tpu.memory_space<vmem_shared>> -> memref<1x256xi32, #tpu.memory_space<vmem_shared>>
      %dma_wait3A_612 = tpu.memref_squeeze %dma_wait3A_611 : memref<1x256xi32, #tpu.memory_space<vmem_shared>> -> memref<256xi32, #tpu.memory_space<vmem_shared>>
      %dma_wait3A_613 = arith.constant 0 : i32
      %dma_wait3A_614 = tpu.memref_slice %arg20[%run_scoped3A_34, %dma_wait3A_613] : memref<16x256xi32, #tpu.memory_space<vmem>> -> memref<1x256xi32, #tpu.memory_space<vmem>>
      %dma_wait3A_615 = tpu.memref_squeeze %dma_wait3A_614 : memref<1x256xi32, #tpu.memory_space<vmem>> -> memref<256xi32, #tpu.memory_space<vmem>>
      %dma_wait3A_616 = tpu.memref_slice %arg33[%run_scoped3A_33, %mul3A_2] : memref<16x4096xi32, #tpu.memory_space<vmem_shared>> -> memref<1x256xi32, #tpu.memory_space<vmem_shared>>
      %dma_wait3A_617 = tpu.memref_squeeze %dma_wait3A_616 : memref<1x256xi32, #tpu.memory_space<vmem_shared>> -> memref<256xi32, #tpu.memory_space<vmem_shared>>
      tpu.wait_dma2 semaphore(%run_scoped3A_597 : memref<!tpu.dma_semaphore, #tpu.memory_space<semaphore_mem>>) src(%dma_wait3A_617 : memref<256xi32, #tpu.memory_space<vmem_shared>>) dst(%dma_wait3A_615 : memref<256xi32, #tpu.memory_space<vmem>>)
      tpu.yield
    }) : () -> ()
    %run_scoped3A_35 = arith.constant 7 : i32
    %run_scoped3A_36 = arith.constant 7 : i32
    "tpu.region"() ({
      %run_scoped3A_597 = tpu.sem_alloc : memref<!tpu.dma_semaphore, #tpu.memory_space<semaphore_mem>>
      %dma_start3A_598 = arith.constant 0 : i32
      %dma_start3A_599 = tpu.memref_slice %arg20[%run_scoped3A_36, %dma_start3A_598] : memref<16x256xi32, #tpu.memory_space<vmem>> -> memref<1x256xi32, #tpu.memory_space<vmem>>
      %dma_start3A_600 = tpu.memref_squeeze %dma_start3A_599 : memref<1x256xi32, #tpu.memory_space<vmem>> -> memref<256xi32, #tpu.memory_space<vmem>>
      %dma_start3A_601 = tpu.memref_slice %arg33[%run_scoped3A_35, %mul3A_2] : memref<16x4096xi32, #tpu.memory_space<vmem_shared>> -> memref<1x256xi32, #tpu.memory_space<vmem_shared>>
      %dma_start3A_602 = tpu.memref_squeeze %dma_start3A_601 : memref<1x256xi32, #tpu.memory_space<vmem_shared>> -> memref<256xi32, #tpu.memory_space<vmem_shared>>
      %dma_start3A_603 = arith.constant 0 : i32
      %dma_start3A_604 = tpu.memref_slice %arg20[%run_scoped3A_36, %dma_start3A_603] : memref<16x256xi32, #tpu.memory_space<vmem>> -> memref<1x256xi32, #tpu.memory_space<vmem>>
      %dma_start3A_605 = tpu.memref_squeeze %dma_start3A_604 : memref<1x256xi32, #tpu.memory_space<vmem>> -> memref<256xi32, #tpu.memory_space<vmem>>
      %dma_start3A_606 = tpu.memref_slice %arg33[%run_scoped3A_35, %mul3A_2] : memref<16x4096xi32, #tpu.memory_space<vmem_shared>> -> memref<1x256xi32, #tpu.memory_space<vmem_shared>>
      %dma_start3A_607 = tpu.memref_squeeze %dma_start3A_606 : memref<1x256xi32, #tpu.memory_space<vmem_shared>> -> memref<256xi32, #tpu.memory_space<vmem_shared>>
      tpu.enqueue_dma source(%dma_start3A_607 : memref<256xi32, #tpu.memory_space<vmem_shared>>) target(%dma_start3A_605 : memref<256xi32, #tpu.memory_space<vmem>>) target_semaphore(%run_scoped3A_597 : memref<!tpu.dma_semaphore, #tpu.memory_space<semaphore_mem>>)
      %dma_wait3A_608 = arith.constant 0 : i32
      %dma_wait3A_609 = tpu.memref_slice %arg20[%run_scoped3A_36, %dma_wait3A_608] : memref<16x256xi32, #tpu.memory_space<vmem>> -> memref<1x256xi32, #tpu.memory_space<vmem>>
      %dma_wait3A_610 = tpu.memref_squeeze %dma_wait3A_609 : memref<1x256xi32, #tpu.memory_space<vmem>> -> memref<256xi32, #tpu.memory_space<vmem>>
      %dma_wait3A_611 = tpu.memref_slice %arg33[%run_scoped3A_35, %mul3A_2] : memref<16x4096xi32, #tpu.memory_space<vmem_shared>> -> memref<1x256xi32, #tpu.memory_space<vmem_shared>>
      %dma_wait3A_612 = tpu.memref_squeeze %dma_wait3A_611 : memref<1x256xi32, #tpu.memory_space<vmem_shared>> -> memref<256xi32, #tpu.memory_space<vmem_shared>>
      %dma_wait3A_613 = arith.constant 0 : i32
      %dma_wait3A_614 = tpu.memref_slice %arg20[%run_scoped3A_36, %dma_wait3A_613] : memref<16x256xi32, #tpu.memory_space<vmem>> -> memref<1x256xi32, #tpu.memory_space<vmem>>
      %dma_wait3A_615 = tpu.memref_squeeze %dma_wait3A_614 : memref<1x256xi32, #tpu.memory_space<vmem>> -> memref<256xi32, #tpu.memory_space<vmem>>
      %dma_wait3A_616 = tpu.memref_slice %arg33[%run_scoped3A_35, %mul3A_2] : memref<16x4096xi32, #tpu.memory_space<vmem_shared>> -> memref<1x256xi32, #tpu.memory_space<vmem_shared>>
      %dma_wait3A_617 = tpu.memref_squeeze %dma_wait3A_616 : memref<1x256xi32, #tpu.memory_space<vmem_shared>> -> memref<256xi32, #tpu.memory_space<vmem_shared>>
      tpu.wait_dma2 semaphore(%run_scoped3A_597 : memref<!tpu.dma_semaphore, #tpu.memory_space<semaphore_mem>>) src(%dma_wait3A_617 : memref<256xi32, #tpu.memory_space<vmem_shared>>) dst(%dma_wait3A_615 : memref<256xi32, #tpu.memory_space<vmem>>)
      tpu.yield
    }) : () -> ()
    %run_scoped3A_37 = arith.constant 8 : i32
    %run_scoped3A_38 = arith.constant 8 : i32
    "tpu.region"() ({
      %run_scoped3A_597 = tpu.sem_alloc : memref<!tpu.dma_semaphore, #tpu.memory_space<semaphore_mem>>
      %dma_start3A_598 = arith.constant 0 : i32
      %dma_start3A_599 = tpu.memref_slice %arg20[%run_scoped3A_38, %dma_start3A_598] : memref<16x256xi32, #tpu.memory_space<vmem>> -> memref<1x256xi32, #tpu.memory_space<vmem>>
      %dma_start3A_600 = tpu.memref_squeeze %dma_start3A_599 : memref<1x256xi32, #tpu.memory_space<vmem>> -> memref<256xi32, #tpu.memory_space<vmem>>
      %dma_start3A_601 = tpu.memref_slice %arg33[%run_scoped3A_37, %mul3A_2] : memref<16x4096xi32, #tpu.memory_space<vmem_shared>> -> memref<1x256xi32, #tpu.memory_space<vmem_shared>>
      %dma_start3A_602 = tpu.memref_squeeze %dma_start3A_601 : memref<1x256xi32, #tpu.memory_space<vmem_shared>> -> memref<256xi32, #tpu.memory_space<vmem_shared>>
      %dma_start3A_603 = arith.constant 0 : i32
      %dma_start3A_604 = tpu.memref_slice %arg20[%run_scoped3A_38, %dma_start3A_603] : memref<16x256xi32, #tpu.memory_space<vmem>> -> memref<1x256xi32, #tpu.memory_space<vmem>>
      %dma_start3A_605 = tpu.memref_squeeze %dma_start3A_604 : memref<1x256xi32, #tpu.memory_space<vmem>> -> memref<256xi32, #tpu.memory_space<vmem>>
      %dma_start3A_606 = tpu.memref_slice %arg33[%run_scoped3A_37, %mul3A_2] : memref<16x4096xi32, #tpu.memory_space<vmem_shared>> -> memref<1x256xi32, #tpu.memory_space<vmem_shared>>
      %dma_start3A_607 = tpu.memref_squeeze %dma_start3A_606 : memref<1x256xi32, #tpu.memory_space<vmem_shared>> -> memref<256xi32, #tpu.memory_space<vmem_shared>>
      tpu.enqueue_dma source(%dma_start3A_607 : memref<256xi32, #tpu.memory_space<vmem_shared>>) target(%dma_start3A_605 : memref<256xi32, #tpu.memory_space<vmem>>) target_semaphore(%run_scoped3A_597 : memref<!tpu.dma_semaphore, #tpu.memory_space<semaphore_mem>>)
      %dma_wait3A_608 = arith.constant 0 : i32
      %dma_wait3A_609 = tpu.memref_slice %arg20[%run_scoped3A_38, %dma_wait3A_608] : memref<16x256xi32, #tpu.memory_space<vmem>> -> memref<1x256xi32, #tpu.memory_space<vmem>>
      %dma_wait3A_610 = tpu.memref_squeeze %dma_wait3A_609 : memref<1x256xi32, #tpu.memory_space<vmem>> -> memref<256xi32, #tpu.memory_space<vmem>>
      %dma_wait3A_611 = tpu.memref_slice %arg33[%run_scoped3A_37, %mul3A_2] : memref<16x4096xi32, #tpu.memory_space<vmem_shared>> -> memref<1x256xi32, #tpu.memory_space<vmem_shared>>
      %dma_wait3A_612 = tpu.memref_squeeze %dma_wait3A_611 : memref<1x256xi32, #tpu.memory_space<vmem_shared>> -> memref<256xi32, #tpu.memory_space<vmem_shared>>
      %dma_wait3A_613 = arith.constant 0 : i32
      %dma_wait3A_614 = tpu.memref_slice %arg20[%run_scoped3A_38, %dma_wait3A_613] : memref<16x256xi32, #tpu.memory_space<vmem>> -> memref<1x256xi32, #tpu.memory_space<vmem>>
      %dma_wait3A_615 = tpu.memref_squeeze %dma_wait3A_614 : memref<1x256xi32, #tpu.memory_space<vmem>> -> memref<256xi32, #tpu.memory_space<vmem>>
      %dma_wait3A_616 = tpu.memref_slice %arg33[%run_scoped3A_37, %mul3A_2] : memref<16x4096xi32, #tpu.memory_space<vmem_shared>> -> memref<1x256xi32, #tpu.memory_space<vmem_shared>>
      %dma_wait3A_617 = tpu.memref_squeeze %dma_wait3A_616 : memref<1x256xi32, #tpu.memory_space<vmem_shared>> -> memref<256xi32, #tpu.memory_space<vmem_shared>>
      tpu.wait_dma2 semaphore(%run_scoped3A_597 : memref<!tpu.dma_semaphore, #tpu.memory_space<semaphore_mem>>) src(%dma_wait3A_617 : memref<256xi32, #tpu.memory_space<vmem_shared>>) dst(%dma_wait3A_615 : memref<256xi32, #tpu.memory_space<vmem>>)
      tpu.yield
    }) : () -> ()
    %run_scoped3A_39 = arith.constant 9 : i32
    %run_scoped3A_40 = arith.constant 9 : i32
    "tpu.region"() ({
      %run_scoped3A_597 = tpu.sem_alloc : memref<!tpu.dma_semaphore, #tpu.memory_space<semaphore_mem>>
      %dma_start3A_598 = arith.constant 0 : i32
      %dma_start3A_599 = tpu.memref_slice %arg20[%run_scoped3A_40, %dma_start3A_598] : memref<16x256xi32, #tpu.memory_space<vmem>> -> memref<1x256xi32, #tpu.memory_space<vmem>>
      %dma_start3A_600 = tpu.memref_squeeze %dma_start3A_599 : memref<1x256xi32, #tpu.memory_space<vmem>> -> memref<256xi32, #tpu.memory_space<vmem>>
      %dma_start3A_601 = tpu.memref_slice %arg33[%run_scoped3A_39, %mul3A_2] : memref<16x4096xi32, #tpu.memory_space<vmem_shared>> -> memref<1x256xi32, #tpu.memory_space<vmem_shared>>
      %dma_start3A_602 = tpu.memref_squeeze %dma_start3A_601 : memref<1x256xi32, #tpu.memory_space<vmem_shared>> -> memref<256xi32, #tpu.memory_space<vmem_shared>>
      %dma_start3A_603 = arith.constant 0 : i32
      %dma_start3A_604 = tpu.memref_slice %arg20[%run_scoped3A_40, %dma_start3A_603] : memref<16x256xi32, #tpu.memory_space<vmem>> -> memref<1x256xi32, #tpu.memory_space<vmem>>
      %dma_start3A_605 = tpu.memref_squeeze %dma_start3A_604 : memref<1x256xi32, #tpu.memory_space<vmem>> -> memref<256xi32, #tpu.memory_space<vmem>>
      %dma_start3A_606 = tpu.memref_slice %arg33[%run_scoped3A_39, %mul3A_2] : memref<16x4096xi32, #tpu.memory_space<vmem_shared>> -> memref<1x256xi32, #tpu.memory_space<vmem_shared>>
      %dma_start3A_607 = tpu.memref_squeeze %dma_start3A_606 : memref<1x256xi32, #tpu.memory_space<vmem_shared>> -> memref<256xi32, #tpu.memory_space<vmem_shared>>
      tpu.enqueue_dma source(%dma_start3A_607 : memref<256xi32, #tpu.memory_space<vmem_shared>>) target(%dma_start3A_605 : memref<256xi32, #tpu.memory_space<vmem>>) target_semaphore(%run_scoped3A_597 : memref<!tpu.dma_semaphore, #tpu.memory_space<semaphore_mem>>)
      %dma_wait3A_608 = arith.constant 0 : i32
      %dma_wait3A_609 = tpu.memref_slice %arg20[%run_scoped3A_40, %dma_wait3A_608] : memref<16x256xi32, #tpu.memory_space<vmem>> -> memref<1x256xi32, #tpu.memory_space<vmem>>
      %dma_wait3A_610 = tpu.memref_squeeze %dma_wait3A_609 : memref<1x256xi32, #tpu.memory_space<vmem>> -> memref<256xi32, #tpu.memory_space<vmem>>
      %dma_wait3A_611 = tpu.memref_slice %arg33[%run_scoped3A_39, %mul3A_2] : memref<16x4096xi32, #tpu.memory_space<vmem_shared>> -> memref<1x256xi32, #tpu.memory_space<vmem_shared>>
      %dma_wait3A_612 = tpu.memref_squeeze %dma_wait3A_611 : memref<1x256xi32, #tpu.memory_space<vmem_shared>> -> memref<256xi32, #tpu.memory_space<vmem_shared>>
      %dma_wait3A_613 = arith.constant 0 : i32
      %dma_wait3A_614 = tpu.memref_slice %arg20[%run_scoped3A_40, %dma_wait3A_613] : memref<16x256xi32, #tpu.memory_space<vmem>> -> memref<1x256xi32, #tpu.memory_space<vmem>>
      %dma_wait3A_615 = tpu.memref_squeeze %dma_wait3A_614 : memref<1x256xi32, #tpu.memory_space<vmem>> -> memref<256xi32, #tpu.memory_space<vmem>>
      %dma_wait3A_616 = tpu.memref_slice %arg33[%run_scoped3A_39, %mul3A_2] : memref<16x4096xi32, #tpu.memory_space<vmem_shared>> -> memref<1x256xi32, #tpu.memory_space<vmem_shared>>
      %dma_wait3A_617 = tpu.memref_squeeze %dma_wait3A_616 : memref<1x256xi32, #tpu.memory_space<vmem_shared>> -> memref<256xi32, #tpu.memory_space<vmem_shared>>
      tpu.wait_dma2 semaphore(%run_scoped3A_597 : memref<!tpu.dma_semaphore, #tpu.memory_space<semaphore_mem>>) src(%dma_wait3A_617 : memref<256xi32, #tpu.memory_space<vmem_shared>>) dst(%dma_wait3A_615 : memref<256xi32, #tpu.memory_space<vmem>>)
      tpu.yield
    }) : () -> ()
    %run_scoped3A_41 = arith.constant 10 : i32
    %run_scoped3A_42 = arith.constant 10 : i32
    "tpu.region"() ({
      %run_scoped3A_597 = tpu.sem_alloc : memref<!tpu.dma_semaphore, #tpu.memory_space<semaphore_mem>>
      %dma_start3A_598 = arith.constant 0 : i32
      %dma_start3A_599 = tpu.memref_slice %arg20[%run_scoped3A_42, %dma_start3A_598] : memref<16x256xi32, #tpu.memory_space<vmem>> -> memref<1x256xi32, #tpu.memory_space<vmem>>
      %dma_start3A_600 = tpu.memref_squeeze %dma_start3A_599 : memref<1x256xi32, #tpu.memory_space<vmem>> -> memref<256xi32, #tpu.memory_space<vmem>>
      %dma_start3A_601 = tpu.memref_slice %arg33[%run_scoped3A_41, %mul3A_2] : memref<16x4096xi32, #tpu.memory_space<vmem_shared>> -> memref<1x256xi32, #tpu.memory_space<vmem_shared>>
      %dma_start3A_602 = tpu.memref_squeeze %dma_start3A_601 : memref<1x256xi32, #tpu.memory_space<vmem_shared>> -> memref<256xi32, #tpu.memory_space<vmem_shared>>
      %dma_start3A_603 = arith.constant 0 : i32
      %dma_start3A_604 = tpu.memref_slice %arg20[%run_scoped3A_42, %dma_start3A_603] : memref<16x256xi32, #tpu.memory_space<vmem>> -> memref<1x256xi32, #tpu.memory_space<vmem>>
      %dma_start3A_605 = tpu.memref_squeeze %dma_start3A_604 : memref<1x256xi32, #tpu.memory_space<vmem>> -> memref<256xi32, #tpu.memory_space<vmem>>
      %dma_start3A_606 = tpu.memref_slice %arg33[%run_scoped3A_41, %mul3A_2] : memref<16x4096xi32, #tpu.memory_space<vmem_shared>> -> memref<1x256xi32, #tpu.memory_space<vmem_shared>>
      %dma_start3A_607 = tpu.memref_squeeze %dma_start3A_606 : memref<1x256xi32, #tpu.memory_space<vmem_shared>> -> memref<256xi32, #tpu.memory_space<vmem_shared>>
      tpu.enqueue_dma source(%dma_start3A_607 : memref<256xi32, #tpu.memory_space<vmem_shared>>) target(%dma_start3A_605 : memref<256xi32, #tpu.memory_space<vmem>>) target_semaphore(%run_scoped3A_597 : memref<!tpu.dma_semaphore, #tpu.memory_space<semaphore_mem>>)
      %dma_wait3A_608 = arith.constant 0 : i32
      %dma_wait3A_609 = tpu.memref_slice %arg20[%run_scoped3A_42, %dma_wait3A_608] : memref<16x256xi32, #tpu.memory_space<vmem>> -> memref<1x256xi32, #tpu.memory_space<vmem>>
      %dma_wait3A_610 = tpu.memref_squeeze %dma_wait3A_609 : memref<1x256xi32, #tpu.memory_space<vmem>> -> memref<256xi32, #tpu.memory_space<vmem>>
      %dma_wait3A_611 = tpu.memref_slice %arg33[%run_scoped3A_41, %mul3A_2] : memref<16x4096xi32, #tpu.memory_space<vmem_shared>> -> memref<1x256xi32, #tpu.memory_space<vmem_shared>>
      %dma_wait3A_612 = tpu.memref_squeeze %dma_wait3A_611 : memref<1x256xi32, #tpu.memory_space<vmem_shared>> -> memref<256xi32, #tpu.memory_space<vmem_shared>>
      %dma_wait3A_613 = arith.constant 0 : i32
      %dma_wait3A_614 = tpu.memref_slice %arg20[%run_scoped3A_42, %dma_wait3A_613] : memref<16x256xi32, #tpu.memory_space<vmem>> -> memref<1x256xi32, #tpu.memory_space<vmem>>
      %dma_wait3A_615 = tpu.memref_squeeze %dma_wait3A_614 : memref<1x256xi32, #tpu.memory_space<vmem>> -> memref<256xi32, #tpu.memory_space<vmem>>
      %dma_wait3A_616 = tpu.memref_slice %arg33[%run_scoped3A_41, %mul3A_2] : memref<16x4096xi32, #tpu.memory_space<vmem_shared>> -> memref<1x256xi32, #tpu.memory_space<vmem_shared>>
      %dma_wait3A_617 = tpu.memref_squeeze %dma_wait3A_616 : memref<1x256xi32, #tpu.memory_space<vmem_shared>> -> memref<256xi32, #tpu.memory_space<vmem_shared>>
      tpu.wait_dma2 semaphore(%run_scoped3A_597 : memref<!tpu.dma_semaphore, #tpu.memory_space<semaphore_mem>>) src(%dma_wait3A_617 : memref<256xi32, #tpu.memory_space<vmem_shared>>) dst(%dma_wait3A_615 : memref<256xi32, #tpu.memory_space<vmem>>)
      tpu.yield
    }) : () -> ()
    %run_scoped3A_43 = arith.constant 11 : i32
    %run_scoped3A_44 = arith.constant 11 : i32
    "tpu.region"() ({
      %run_scoped3A_597 = tpu.sem_alloc : memref<!tpu.dma_semaphore, #tpu.memory_space<semaphore_mem>>
      %dma_start3A_598 = arith.constant 0 : i32
      %dma_start3A_599 = tpu.memref_slice %arg20[%run_scoped3A_44, %dma_start3A_598] : memref<16x256xi32, #tpu.memory_space<vmem>> -> memref<1x256xi32, #tpu.memory_space<vmem>>
      %dma_start3A_600 = tpu.memref_squeeze %dma_start3A_599 : memref<1x256xi32, #tpu.memory_space<vmem>> -> memref<256xi32, #tpu.memory_space<vmem>>
      %dma_start3A_601 = tpu.memref_slice %arg33[%run_scoped3A_43, %mul3A_2] : memref<16x4096xi32, #tpu.memory_space<vmem_shared>> -> memref<1x256xi32, #tpu.memory_space<vmem_shared>>
      %dma_start3A_602 = tpu.memref_squeeze %dma_start3A_601 : memref<1x256xi32, #tpu.memory_space<vmem_shared>> -> memref<256xi32, #tpu.memory_space<vmem_shared>>
      %dma_start3A_603 = arith.constant 0 : i32
      %dma_start3A_604 = tpu.memref_slice %arg20[%run_scoped3A_44, %dma_start3A_603] : memref<16x256xi32, #tpu.memory_space<vmem>> -> memref<1x256xi32, #tpu.memory_space<vmem>>
      %dma_start3A_605 = tpu.memref_squeeze %dma_start3A_604 : memref<1x256xi32, #tpu.memory_space<vmem>> -> memref<256xi32, #tpu.memory_space<vmem>>
      %dma_start3A_606 = tpu.memref_slice %arg33[%run_scoped3A_43, %mul3A_2] : memref<16x4096xi32, #tpu.memory_space<vmem_shared>> -> memref<1x256xi32, #tpu.memory_space<vmem_shared>>
      %dma_start3A_607 = tpu.memref_squeeze %dma_start3A_606 : memref<1x256xi32, #tpu.memory_space<vmem_shared>> -> memref<256xi32, #tpu.memory_space<vmem_shared>>
      tpu.enqueue_dma source(%dma_start3A_607 : memref<256xi32, #tpu.memory_space<vmem_shared>>) target(%dma_start3A_605 : memref<256xi32, #tpu.memory_space<vmem>>) target_semaphore(%run_scoped3A_597 : memref<!tpu.dma_semaphore, #tpu.memory_space<semaphore_mem>>)
      %dma_wait3A_608 = arith.constant 0 : i32
      %dma_wait3A_609 = tpu.memref_slice %arg20[%run_scoped3A_44, %dma_wait3A_608] : memref<16x256xi32, #tpu.memory_space<vmem>> -> memref<1x256xi32, #tpu.memory_space<vmem>>
      %dma_wait3A_610 = tpu.memref_squeeze %dma_wait3A_609 : memref<1x256xi32, #tpu.memory_space<vmem>> -> memref<256xi32, #tpu.memory_space<vmem>>
      %dma_wait3A_611 = tpu.memref_slice %arg33[%run_scoped3A_43, %mul3A_2] : memref<16x4096xi32, #tpu.memory_space<vmem_shared>> -> memref<1x256xi32, #tpu.memory_space<vmem_shared>>
      %dma_wait3A_612 = tpu.memref_squeeze %dma_wait3A_611 : memref<1x256xi32, #tpu.memory_space<vmem_shared>> -> memref<256xi32, #tpu.memory_space<vmem_shared>>
      %dma_wait3A_613 = arith.constant 0 : i32
      %dma_wait3A_614 = tpu.memref_slice %arg20[%run_scoped3A_44, %dma_wait3A_613] : memref<16x256xi32, #tpu.memory_space<vmem>> -> memref<1x256xi32, #tpu.memory_space<vmem>>
      %dma_wait3A_615 = tpu.memref_squeeze %dma_wait3A_614 : memref<1x256xi32, #tpu.memory_space<vmem>> -> memref<256xi32, #tpu.memory_space<vmem>>
      %dma_wait3A_616 = tpu.memref_slice %arg33[%run_scoped3A_43, %mul3A_2] : memref<16x4096xi32, #tpu.memory_space<vmem_shared>> -> memref<1x256xi32, #tpu.memory_space<vmem_shared>>
      %dma_wait3A_617 = tpu.memref_squeeze %dma_wait3A_616 : memref<1x256xi32, #tpu.memory_space<vmem_shared>> -> memref<256xi32, #tpu.memory_space<vmem_shared>>
      tpu.wait_dma2 semaphore(%run_scoped3A_597 : memref<!tpu.dma_semaphore, #tpu.memory_space<semaphore_mem>>) src(%dma_wait3A_617 : memref<256xi32, #tpu.memory_space<vmem_shared>>) dst(%dma_wait3A_615 : memref<256xi32, #tpu.memory_space<vmem>>)
      tpu.yield
    }) : () -> ()
    %run_scoped3A_45 = arith.constant 12 : i32
    %run_scoped3A_46 = arith.constant 12 : i32
    "tpu.region"() ({
      %run_scoped3A_597 = tpu.sem_alloc : memref<!tpu.dma_semaphore, #tpu.memory_space<semaphore_mem>>
      %dma_start3A_598 = arith.constant 0 : i32
      %dma_start3A_599 = tpu.memref_slice %arg20[%run_scoped3A_46, %dma_start3A_598] : memref<16x256xi32, #tpu.memory_space<vmem>> -> memref<1x256xi32, #tpu.memory_space<vmem>>
      %dma_start3A_600 = tpu.memref_squeeze %dma_start3A_599 : memref<1x256xi32, #tpu.memory_space<vmem>> -> memref<256xi32, #tpu.memory_space<vmem>>
      %dma_start3A_601 = tpu.memref_slice %arg33[%run_scoped3A_45, %mul3A_2] : memref<16x4096xi32, #tpu.memory_space<vmem_shared>> -> memref<1x256xi32, #tpu.memory_space<vmem_shared>>
      %dma_start3A_602 = tpu.memref_squeeze %dma_start3A_601 : memref<1x256xi32, #tpu.memory_space<vmem_shared>> -> memref<256xi32, #tpu.memory_space<vmem_shared>>
      %dma_start3A_603 = arith.constant 0 : i32
      %dma_start3A_604 = tpu.memref_slice %arg20[%run_scoped3A_46, %dma_start3A_603] : memref<16x256xi32, #tpu.memory_space<vmem>> -> memref<1x256xi32, #tpu.memory_space<vmem>>
      %dma_start3A_605 = tpu.memref_squeeze %dma_start3A_604 : memref<1x256xi32, #tpu.memory_space<vmem>> -> memref<256xi32, #tpu.memory_space<vmem>>
      %dma_start3A_606 = tpu.memref_slice %arg33[%run_scoped3A_45, %mul3A_2] : memref<16x4096xi32, #tpu.memory_space<vmem_shared>> -> memref<1x256xi32, #tpu.memory_space<vmem_shared>>
      %dma_start3A_607 = tpu.memref_squeeze %dma_start3A_606 : memref<1x256xi32, #tpu.memory_space<vmem_shared>> -> memref<256xi32, #tpu.memory_space<vmem_shared>>
      tpu.enqueue_dma source(%dma_start3A_607 : memref<256xi32, #tpu.memory_space<vmem_shared>>) target(%dma_start3A_605 : memref<256xi32, #tpu.memory_space<vmem>>) target_semaphore(%run_scoped3A_597 : memref<!tpu.dma_semaphore, #tpu.memory_space<semaphore_mem>>)
      %dma_wait3A_608 = arith.constant 0 : i32
      %dma_wait3A_609 = tpu.memref_slice %arg20[%run_scoped3A_46, %dma_wait3A_608] : memref<16x256xi32, #tpu.memory_space<vmem>> -> memref<1x256xi32, #tpu.memory_space<vmem>>
      %dma_wait3A_610 = tpu.memref_squeeze %dma_wait3A_609 : memref<1x256xi32, #tpu.memory_space<vmem>> -> memref<256xi32, #tpu.memory_space<vmem>>
      %dma_wait3A_611 = tpu.memref_slice %arg33[%run_scoped3A_45, %mul3A_2] : memref<16x4096xi32, #tpu.memory_space<vmem_shared>> -> memref<1x256xi32, #tpu.memory_space<vmem_shared>>
      %dma_wait3A_612 = tpu.memref_squeeze %dma_wait3A_611 : memref<1x256xi32, #tpu.memory_space<vmem_shared>> -> memref<256xi32, #tpu.memory_space<vmem_shared>>
      %dma_wait3A_613 = arith.constant 0 : i32
      %dma_wait3A_614 = tpu.memref_slice %arg20[%run_scoped3A_46, %dma_wait3A_613] : memref<16x256xi32, #tpu.memory_space<vmem>> -> memref<1x256xi32, #tpu.memory_space<vmem>>
      %dma_wait3A_615 = tpu.memref_squeeze %dma_wait3A_614 : memref<1x256xi32, #tpu.memory_space<vmem>> -> memref<256xi32, #tpu.memory_space<vmem>>
      %dma_wait3A_616 = tpu.memref_slice %arg33[%run_scoped3A_45, %mul3A_2] : memref<16x4096xi32, #tpu.memory_space<vmem_shared>> -> memref<1x256xi32, #tpu.memory_space<vmem_shared>>
      %dma_wait3A_617 = tpu.memref_squeeze %dma_wait3A_616 : memref<1x256xi32, #tpu.memory_space<vmem_shared>> -> memref<256xi32, #tpu.memory_space<vmem_shared>>
      tpu.wait_dma2 semaphore(%run_scoped3A_597 : memref<!tpu.dma_semaphore, #tpu.memory_space<semaphore_mem>>) src(%dma_wait3A_617 : memref<256xi32, #tpu.memory_space<vmem_shared>>) dst(%dma_wait3A_615 : memref<256xi32, #tpu.memory_space<vmem>>)
      tpu.yield
    }) : () -> ()
    %run_scoped3A_47 = arith.constant 13 : i32
    %run_scoped3A_48 = arith.constant 13 : i32
    "tpu.region"() ({
      %run_scoped3A_597 = tpu.sem_alloc : memref<!tpu.dma_semaphore, #tpu.memory_space<semaphore_mem>>
      %dma_start3A_598 = arith.constant 0 : i32
      %dma_start3A_599 = tpu.memref_slice %arg20[%run_scoped3A_48, %dma_start3A_598] : memref<16x256xi32, #tpu.memory_space<vmem>> -> memref<1x256xi32, #tpu.memory_space<vmem>>
      %dma_start3A_600 = tpu.memref_squeeze %dma_start3A_599 : memref<1x256xi32, #tpu.memory_space<vmem>> -> memref<256xi32, #tpu.memory_space<vmem>>
      %dma_start3A_601 = tpu.memref_slice %arg33[%run_scoped3A_47, %mul3A_2] : memref<16x4096xi32, #tpu.memory_space<vmem_shared>> -> memref<1x256xi32, #tpu.memory_space<vmem_shared>>
      %dma_start3A_602 = tpu.memref_squeeze %dma_start3A_601 : memref<1x256xi32, #tpu.memory_space<vmem_shared>> -> memref<256xi32, #tpu.memory_space<vmem_shared>>
      %dma_start3A_603 = arith.constant 0 : i32
      %dma_start3A_604 = tpu.memref_slice %arg20[%run_scoped3A_48, %dma_start3A_603] : memref<16x256xi32, #tpu.memory_space<vmem>> -> memref<1x256xi32, #tpu.memory_space<vmem>>
      %dma_start3A_605 = tpu.memref_squeeze %dma_start3A_604 : memref<1x256xi32, #tpu.memory_space<vmem>> -> memref<256xi32, #tpu.memory_space<vmem>>
      %dma_start3A_606 = tpu.memref_slice %arg33[%run_scoped3A_47, %mul3A_2] : memref<16x4096xi32, #tpu.memory_space<vmem_shared>> -> memref<1x256xi32, #tpu.memory_space<vmem_shared>>
      %dma_start3A_607 = tpu.memref_squeeze %dma_start3A_606 : memref<1x256xi32, #tpu.memory_space<vmem_shared>> -> memref<256xi32, #tpu.memory_space<vmem_shared>>
      tpu.enqueue_dma source(%dma_start3A_607 : memref<256xi32, #tpu.memory_space<vmem_shared>>) target(%dma_start3A_605 : memref<256xi32, #tpu.memory_space<vmem>>) target_semaphore(%run_scoped3A_597 : memref<!tpu.dma_semaphore, #tpu.memory_space<semaphore_mem>>)
      %dma_wait3A_608 = arith.constant 0 : i32
      %dma_wait3A_609 = tpu.memref_slice %arg20[%run_scoped3A_48, %dma_wait3A_608] : memref<16x256xi32, #tpu.memory_space<vmem>> -> memref<1x256xi32, #tpu.memory_space<vmem>>
      %dma_wait3A_610 = tpu.memref_squeeze %dma_wait3A_609 : memref<1x256xi32, #tpu.memory_space<vmem>> -> memref<256xi32, #tpu.memory_space<vmem>>
      %dma_wait3A_611 = tpu.memref_slice %arg33[%run_scoped3A_47, %mul3A_2] : memref<16x4096xi32, #tpu.memory_space<vmem_shared>> -> memref<1x256xi32, #tpu.memory_space<vmem_shared>>
      %dma_wait3A_612 = tpu.memref_squeeze %dma_wait3A_611 : memref<1x256xi32, #tpu.memory_space<vmem_shared>> -> memref<256xi32, #tpu.memory_space<vmem_shared>>
      %dma_wait3A_613 = arith.constant 0 : i32
      %dma_wait3A_614 = tpu.memref_slice %arg20[%run_scoped3A_48, %dma_wait3A_613] : memref<16x256xi32, #tpu.memory_space<vmem>> -> memref<1x256xi32, #tpu.memory_space<vmem>>
      %dma_wait3A_615 = tpu.memref_squeeze %dma_wait3A_614 : memref<1x256xi32, #tpu.memory_space<vmem>> -> memref<256xi32, #tpu.memory_space<vmem>>
      %dma_wait3A_616 = tpu.memref_slice %arg33[%run_scoped3A_47, %mul3A_2] : memref<16x4096xi32, #tpu.memory_space<vmem_shared>> -> memref<1x256xi32, #tpu.memory_space<vmem_shared>>
      %dma_wait3A_617 = tpu.memref_squeeze %dma_wait3A_616 : memref<1x256xi32, #tpu.memory_space<vmem_shared>> -> memref<256xi32, #tpu.memory_space<vmem_shared>>
      tpu.wait_dma2 semaphore(%run_scoped3A_597 : memref<!tpu.dma_semaphore, #tpu.memory_space<semaphore_mem>>) src(%dma_wait3A_617 : memref<256xi32, #tpu.memory_space<vmem_shared>>) dst(%dma_wait3A_615 : memref<256xi32, #tpu.memory_space<vmem>>)
      tpu.yield
    }) : () -> ()
    %run_scoped3A_49 = arith.constant 14 : i32
    %run_scoped3A_50 = arith.constant 14 : i32
    "tpu.region"() ({
      %run_scoped3A_597 = tpu.sem_alloc : memref<!tpu.dma_semaphore, #tpu.memory_space<semaphore_mem>>
      %dma_start3A_598 = arith.constant 0 : i32
      %dma_start3A_599 = tpu.memref_slice %arg20[%run_scoped3A_50, %dma_start3A_598] : memref<16x256xi32, #tpu.memory_space<vmem>> -> memref<1x256xi32, #tpu.memory_space<vmem>>
      %dma_start3A_600 = tpu.memref_squeeze %dma_start3A_599 : memref<1x256xi32, #tpu.memory_space<vmem>> -> memref<256xi32, #tpu.memory_space<vmem>>
      %dma_start3A_601 = tpu.memref_slice %arg33[%run_scoped3A_49, %mul3A_2] : memref<16x4096xi32, #tpu.memory_space<vmem_shared>> -> memref<1x256xi32, #tpu.memory_space<vmem_shared>>
      %dma_start3A_602 = tpu.memref_squeeze %dma_start3A_601 : memref<1x256xi32, #tpu.memory_space<vmem_shared>> -> memref<256xi32, #tpu.memory_space<vmem_shared>>
      %dma_start3A_603 = arith.constant 0 : i32
      %dma_start3A_604 = tpu.memref_slice %arg20[%run_scoped3A_50, %dma_start3A_603] : memref<16x256xi32, #tpu.memory_space<vmem>> -> memref<1x256xi32, #tpu.memory_space<vmem>>
      %dma_start3A_605 = tpu.memref_squeeze %dma_start3A_604 : memref<1x256xi32, #tpu.memory_space<vmem>> -> memref<256xi32, #tpu.memory_space<vmem>>
      %dma_start3A_606 = tpu.memref_slice %arg33[%run_scoped3A_49, %mul3A_2] : memref<16x4096xi32, #tpu.memory_space<vmem_shared>> -> memref<1x256xi32, #tpu.memory_space<vmem_shared>>
      %dma_start3A_607 = tpu.memref_squeeze %dma_start3A_606 : memref<1x256xi32, #tpu.memory_space<vmem_shared>> -> memref<256xi32, #tpu.memory_space<vmem_shared>>
      tpu.enqueue_dma source(%dma_start3A_607 : memref<256xi32, #tpu.memory_space<vmem_shared>>) target(%dma_start3A_605 : memref<256xi32, #tpu.memory_space<vmem>>) target_semaphore(%run_scoped3A_597 : memref<!tpu.dma_semaphore, #tpu.memory_space<semaphore_mem>>)
      %dma_wait3A_608 = arith.constant 0 : i32
      %dma_wait3A_609 = tpu.memref_slice %arg20[%run_scoped3A_50, %dma_wait3A_608] : memref<16x256xi32, #tpu.memory_space<vmem>> -> memref<1x256xi32, #tpu.memory_space<vmem>>
      %dma_wait3A_610 = tpu.memref_squeeze %dma_wait3A_609 : memref<1x256xi32, #tpu.memory_space<vmem>> -> memref<256xi32, #tpu.memory_space<vmem>>
      %dma_wait3A_611 = tpu.memref_slice %arg33[%run_scoped3A_49, %mul3A_2] : memref<16x4096xi32, #tpu.memory_space<vmem_shared>> -> memref<1x256xi32, #tpu.memory_space<vmem_shared>>
      %dma_wait3A_612 = tpu.memref_squeeze %dma_wait3A_611 : memref<1x256xi32, #tpu.memory_space<vmem_shared>> -> memref<256xi32, #tpu.memory_space<vmem_shared>>
      %dma_wait3A_613 = arith.constant 0 : i32
      %dma_wait3A_614 = tpu.memref_slice %arg20[%run_scoped3A_50, %dma_wait3A_613] : memref<16x256xi32, #tpu.memory_space<vmem>> -> memref<1x256xi32, #tpu.memory_space<vmem>>
      %dma_wait3A_615 = tpu.memref_squeeze %dma_wait3A_614 : memref<1x256xi32, #tpu.memory_space<vmem>> -> memref<256xi32, #tpu.memory_space<vmem>>
      %dma_wait3A_616 = tpu.memref_slice %arg33[%run_scoped3A_49, %mul3A_2] : memref<16x4096xi32, #tpu.memory_space<vmem_shared>> -> memref<1x256xi32, #tpu.memory_space<vmem_shared>>
      %dma_wait3A_617 = tpu.memref_squeeze %dma_wait3A_616 : memref<1x256xi32, #tpu.memory_space<vmem_shared>> -> memref<256xi32, #tpu.memory_space<vmem_shared>>
      tpu.wait_dma2 semaphore(%run_scoped3A_597 : memref<!tpu.dma_semaphore, #tpu.memory_space<semaphore_mem>>) src(%dma_wait3A_617 : memref<256xi32, #tpu.memory_space<vmem_shared>>) dst(%dma_wait3A_615 : memref<256xi32, #tpu.memory_space<vmem>>)
      tpu.yield
    }) : () -> ()
    %run_scoped3A_51 = arith.constant 15 : i32
    %run_scoped3A_52 = arith.constant 15 : i32
    "tpu.region"() ({
      %run_scoped3A_597 = tpu.sem_alloc : memref<!tpu.dma_semaphore, #tpu.memory_space<semaphore_mem>>
      %dma_start3A_598 = arith.constant 0 : i32
      %dma_start3A_599 = tpu.memref_slice %arg20[%run_scoped3A_52, %dma_start3A_598] : memref<16x256xi32, #tpu.memory_space<vmem>> -> memref<1x256xi32, #tpu.memory_space<vmem>>
      %dma_start3A_600 = tpu.memref_squeeze %dma_start3A_599 : memref<1x256xi32, #tpu.memory_space<vmem>> -> memref<256xi32, #tpu.memory_space<vmem>>
      %dma_start3A_601 = tpu.memref_slice %arg33[%run_scoped3A_51, %mul3A_2] : memref<16x4096xi32, #tpu.memory_space<vmem_shared>> -> memref<1x256xi32, #tpu.memory_space<vmem_shared>>
      %dma_start3A_602 = tpu.memref_squeeze %dma_start3A_601 : memref<1x256xi32, #tpu.memory_space<vmem_shared>> -> memref<256xi32, #tpu.memory_space<vmem_shared>>
      %dma_start3A_603 = arith.constant 0 : i32
      %dma_start3A_604 = tpu.memref_slice %arg20[%run_scoped3A_52, %dma_start3A_603] : memref<16x256xi32, #tpu.memory_space<vmem>> -> memref<1x256xi32, #tpu.memory_space<vmem>>
      %dma_start3A_605 = tpu.memref_squeeze %dma_start3A_604 : memref<1x256xi32, #tpu.memory_space<vmem>> -> memref<256xi32, #tpu.memory_space<vmem>>
      %dma_start3A_606 = tpu.memref_slice %arg33[%run_scoped3A_51, %mul3A_2] : memref<16x4096xi32, #tpu.memory_space<vmem_shared>> -> memref<1x256xi32, #tpu.memory_space<vmem_shared>>
      %dma_start3A_607 = tpu.memref_squeeze %dma_start3A_606 : memref<1x256xi32, #tpu.memory_space<vmem_shared>> -> memref<256xi32, #tpu.memory_space<vmem_shared>>
      tpu.enqueue_dma source(%dma_start3A_607 : memref<256xi32, #tpu.memory_space<vmem_shared>>) target(%dma_start3A_605 : memref<256xi32, #tpu.memory_space<vmem>>) target_semaphore(%run_scoped3A_597 : memref<!tpu.dma_semaphore, #tpu.memory_space<semaphore_mem>>)
      %dma_wait3A_608 = arith.constant 0 : i32
      %dma_wait3A_609 = tpu.memref_slice %arg20[%run_scoped3A_52, %dma_wait3A_608] : memref<16x256xi32, #tpu.memory_space<vmem>> -> memref<1x256xi32, #tpu.memory_space<vmem>>
      %dma_wait3A_610 = tpu.memref_squeeze %dma_wait3A_609 : memref<1x256xi32, #tpu.memory_space<vmem>> -> memref<256xi32, #tpu.memory_space<vmem>>
      %dma_wait3A_611 = tpu.memref_slice %arg33[%run_scoped3A_51, %mul3A_2] : memref<16x4096xi32, #tpu.memory_space<vmem_shared>> -> memref<1x256xi32, #tpu.memory_space<vmem_shared>>
      %dma_wait3A_612 = tpu.memref_squeeze %dma_wait3A_611 : memref<1x256xi32, #tpu.memory_space<vmem_shared>> -> memref<256xi32, #tpu.memory_space<vmem_shared>>
      %dma_wait3A_613 = arith.constant 0 : i32
      %dma_wait3A_614 = tpu.memref_slice %arg20[%run_scoped3A_52, %dma_wait3A_613] : memref<16x256xi32, #tpu.memory_space<vmem>> -> memref<1x256xi32, #tpu.memory_space<vmem>>
      %dma_wait3A_615 = tpu.memref_squeeze %dma_wait3A_614 : memref<1x256xi32, #tpu.memory_space<vmem>> -> memref<256xi32, #tpu.memory_space<vmem>>
      %dma_wait3A_616 = tpu.memref_slice %arg33[%run_scoped3A_51, %mul3A_2] : memref<16x4096xi32, #tpu.memory_space<vmem_shared>> -> memref<1x256xi32, #tpu.memory_space<vmem_shared>>
      %dma_wait3A_617 = tpu.memref_squeeze %dma_wait3A_616 : memref<1x256xi32, #tpu.memory_space<vmem_shared>> -> memref<256xi32, #tpu.memory_space<vmem_shared>>
      tpu.wait_dma2 semaphore(%run_scoped3A_597 : memref<!tpu.dma_semaphore, #tpu.memory_space<semaphore_mem>>) src(%dma_wait3A_617 : memref<256xi32, #tpu.memory_space<vmem_shared>>) dst(%dma_wait3A_615 : memref<256xi32, #tpu.memory_space<vmem>>)
      tpu.yield
    }) : () -> ()
    "tpu.region"() ({
      %run_scoped3A_597 = tpu.sem_alloc : memref<!tpu.dma_semaphore, #tpu.memory_space<semaphore_mem>>
      tpu.enqueue_dma source(%arg34 : memref<16x16xi32, #tpu.memory_space<vmem_shared>>) target(%arg32 : memref<16x16xi32, #tpu.memory_space<vmem>>) target_semaphore(%run_scoped3A_597 : memref<!tpu.dma_semaphore, #tpu.memory_space<semaphore_mem>>)
      tpu.wait_dma2 semaphore(%run_scoped3A_597 : memref<!tpu.dma_semaphore, #tpu.memory_space<semaphore_mem>>) src(%arg34 : memref<16x16xi32, #tpu.memory_space<vmem_shared>>) dst(%arg32 : memref<16x16xi32, #tpu.memory_space<vmem>>)
      tpu.yield
    }) : () -> ()
    %get3A = arith.constant 0 : i32
    %get3A_53 = arith.index_cast %get3A : i32 to index
    %get3A_54 = arith.constant 0 : index
    %get3A_55 = tpu.vector_load %arg32[%get3A_53, %get3A_54] {strides = array<i32>} : memref<16x16xi32, #tpu.memory_space<vmem>>, vector<16xi32>,
    %reduce_max3A = arith.constant true
    %reduce_max3A_56 = vector.broadcast %reduce_max3A : i1 to vector<16xi1>
    %reduce_max3A_57 = arith.constant -2147483648 : i32
    %reduce_max3A_58 = vector.broadcast %reduce_max3A_57 : i32 to vector<16xi32>
    %reduce_max3A_59 = arith.xori %get3A_55, %reduce_max3A_58 : vector<16xi32>
    %reduce_max3A_60 = tpu.scan <max>, %reduce_max3A_59 masked %reduce_max3A_56 : vector<16xi32>, vector<16xi1> -> vector<16xi32>
    %reduce_max3A_61 = arith.xori %reduce_max3A_60, %reduce_max3A_58 : vector<16xi32>
    %reduce_max3A_62 = vector.extract %reduce_max3A_61[15] : i32 from vector<16xi32>
    %add3A_63 = arith.constant 0 : i32
    %add3A_64 = arith.addi %add3A_63, %reduce_max3A_62 : i32
    %get3A_65 = arith.constant 1 : i32
    %get3A_66 = arith.index_cast %get3A_65 : i32 to index
    %get3A_67 = arith.constant 0 : index
    %get3A_68 = tpu.vector_load %arg32[%get3A_66, %get3A_67] {strides = array<i32>} : memref<16x16xi32, #tpu.memory_space<vmem>>, vector<16xi32>,
    %reduce_max3A_69 = arith.constant true
    %reduce_max3A_70 = vector.broadcast %reduce_max3A_69 : i1 to vector<16xi1>
    %reduce_max3A_71 = arith.constant -2147483648 : i32
    %reduce_max3A_72 = vector.broadcast %reduce_max3A_71 : i32 to vector<16xi32>
    %reduce_max3A_73 = arith.xori %get3A_68, %reduce_max3A_72 : vector<16xi32>
    %reduce_max3A_74 = tpu.scan <max>, %reduce_max3A_73 masked %reduce_max3A_70 : vector<16xi32>, vector<16xi1> -> vector<16xi32>
    %reduce_max3A_75 = arith.xori %reduce_max3A_74, %reduce_max3A_72 : vector<16xi32>
    %reduce_max3A_76 = vector.extract %reduce_max3A_75[15] : i32 from vector<16xi32>
    %add3A_77 = arith.addi %add3A_64, %reduce_max3A_76 : i32
    %get3A_78 = arith.constant 2 : i32
    %get3A_79 = arith.index_cast %get3A_78 : i32 to index
    %get3A_80 = arith.constant 0 : index
    %get3A_81 = tpu.vector_load %arg32[%get3A_79, %get3A_80] {strides = array<i32>} : memref<16x16xi32, #tpu.memory_space<vmem>>, vector<16xi32>,
    %reduce_max3A_82 = arith.constant true
    %reduce_max3A_83 = vector.broadcast %reduce_max3A_82 : i1 to vector<16xi1>
    %reduce_max3A_84 = arith.constant -2147483648 : i32
    %reduce_max3A_85 = vector.broadcast %reduce_max3A_84 : i32 to vector<16xi32>
    %reduce_max3A_86 = arith.xori %get3A_81, %reduce_max3A_85 : vector<16xi32>
    %reduce_max3A_87 = tpu.scan <max>, %reduce_max3A_86 masked %reduce_max3A_83 : vector<16xi32>, vector<16xi1> -> vector<16xi32>
    %reduce_max3A_88 = arith.xori %reduce_max3A_87, %reduce_max3A_85 : vector<16xi32>
    %reduce_max3A_89 = vector.extract %reduce_max3A_88[15] : i32 from vector<16xi32>
    %add3A_90 = arith.addi %add3A_77, %reduce_max3A_89 : i32
    %get3A_91 = arith.constant 3 : i32
    %get3A_92 = arith.index_cast %get3A_91 : i32 to index
    %get3A_93 = arith.constant 0 : index
    %get3A_94 = tpu.vector_load %arg32[%get3A_92, %get3A_93] {strides = array<i32>} : memref<16x16xi32, #tpu.memory_space<vmem>>, vector<16xi32>,
    %reduce_max3A_95 = arith.constant true
    %reduce_max3A_96 = vector.broadcast %reduce_max3A_95 : i1 to vector<16xi1>
    %reduce_max3A_97 = arith.constant -2147483648 : i32
    %reduce_max3A_98 = vector.broadcast %reduce_max3A_97 : i32 to vector<16xi32>
    %reduce_max3A_99 = arith.xori %get3A_94, %reduce_max3A_98 : vector<16xi32>
    %reduce_max3A_100 = tpu.scan <max>, %reduce_max3A_99 masked %reduce_max3A_96 : vector<16xi32>, vector<16xi1> -> vector<16xi32>
    %reduce_max3A_101 = arith.xori %reduce_max3A_100, %reduce_max3A_98 : vector<16xi32>
    %reduce_max3A_102 = vector.extract %reduce_max3A_101[15] : i32 from vector<16xi32>
    %add3A_103 = arith.addi %add3A_90, %reduce_max3A_102 : i32
    %get3A_104 = arith.constant 4 : i32
    %get3A_105 = arith.index_cast %get3A_104 : i32 to index
    %get3A_106 = arith.constant 0 : index
    %get3A_107 = tpu.vector_load %arg32[%get3A_105, %get3A_106] {strides = array<i32>} : memref<16x16xi32, #tpu.memory_space<vmem>>, vector<16xi32>,
    %reduce_max3A_108 = arith.constant true
    %reduce_max3A_109 = vector.broadcast %reduce_max3A_108 : i1 to vector<16xi1>
    %reduce_max3A_110 = arith.constant -2147483648 : i32
    %reduce_max3A_111 = vector.broadcast %reduce_max3A_110 : i32 to vector<16xi32>
    %reduce_max3A_112 = arith.xori %get3A_107, %reduce_max3A_111 : vector<16xi32>
    %reduce_max3A_113 = tpu.scan <max>, %reduce_max3A_112 masked %reduce_max3A_109 : vector<16xi32>, vector<16xi1> -> vector<16xi32>
    %reduce_max3A_114 = arith.xori %reduce_max3A_113, %reduce_max3A_111 : vector<16xi32>
    %reduce_max3A_115 = vector.extract %reduce_max3A_114[15] : i32 from vector<16xi32>
    %add3A_116 = arith.addi %add3A_103, %reduce_max3A_115 : i32
    %get3A_117 = arith.constant 5 : i32
    %get3A_118 = arith.index_cast %get3A_117 : i32 to index
    %get3A_119 = arith.constant 0 : index
    %get3A_120 = tpu.vector_load %arg32[%get3A_118, %get3A_119] {strides = array<i32>} : memref<16x16xi32, #tpu.memory_space<vmem>>, vector<16xi32>,
    %reduce_max3A_121 = arith.constant true
    %reduce_max3A_122 = vector.broadcast %reduce_max3A_121 : i1 to vector<16xi1>
    %reduce_max3A_123 = arith.constant -2147483648 : i32
    %reduce_max3A_124 = vector.broadcast %reduce_max3A_123 : i32 to vector<16xi32>
    %reduce_max3A_125 = arith.xori %get3A_120, %reduce_max3A_124 : vector<16xi32>
    %reduce_max3A_126 = tpu.scan <max>, %reduce_max3A_125 masked %reduce_max3A_122 : vector<16xi32>, vector<16xi1> -> vector<16xi32>
    %reduce_max3A_127 = arith.xori %reduce_max3A_126, %reduce_max3A_124 : vector<16xi32>
    %reduce_max3A_128 = vector.extract %reduce_max3A_127[15] : i32 from vector<16xi32>
    %add3A_129 = arith.addi %add3A_116, %reduce_max3A_128 : i32
    %get3A_130 = arith.constant 6 : i32
    %get3A_131 = arith.index_cast %get3A_130 : i32 to index
    %get3A_132 = arith.constant 0 : index
    %get3A_133 = tpu.vector_load %arg32[%get3A_131, %get3A_132] {strides = array<i32>} : memref<16x16xi32, #tpu.memory_space<vmem>>, vector<16xi32>,
    %reduce_max3A_134 = arith.constant true
    %reduce_max3A_135 = vector.broadcast %reduce_max3A_134 : i1 to vector<16xi1>
    %reduce_max3A_136 = arith.constant -2147483648 : i32
    %reduce_max3A_137 = vector.broadcast %reduce_max3A_136 : i32 to vector<16xi32>
    %reduce_max3A_138 = arith.xori %get3A_133, %reduce_max3A_137 : vector<16xi32>
    %reduce_max3A_139 = tpu.scan <max>, %reduce_max3A_138 masked %reduce_max3A_135 : vector<16xi32>, vector<16xi1> -> vector<16xi32>
    %reduce_max3A_140 = arith.xori %reduce_max3A_139, %reduce_max3A_137 : vector<16xi32>
    %reduce_max3A_141 = vector.extract %reduce_max3A_140[15] : i32 from vector<16xi32>
    %add3A_142 = arith.addi %add3A_129, %reduce_max3A_141 : i32
    %get3A_143 = arith.constant 7 : i32
    %get3A_144 = arith.index_cast %get3A_143 : i32 to index
    %get3A_145 = arith.constant 0 : index
    %get3A_146 = tpu.vector_load %arg32[%get3A_144, %get3A_145] {strides = array<i32>} : memref<16x16xi32, #tpu.memory_space<vmem>>, vector<16xi32>,
    %reduce_max3A_147 = arith.constant true
    %reduce_max3A_148 = vector.broadcast %reduce_max3A_147 : i1 to vector<16xi1>
    %reduce_max3A_149 = arith.constant -2147483648 : i32
    %reduce_max3A_150 = vector.broadcast %reduce_max3A_149 : i32 to vector<16xi32>
    %reduce_max3A_151 = arith.xori %get3A_146, %reduce_max3A_150 : vector<16xi32>
    %reduce_max3A_152 = tpu.scan <max>, %reduce_max3A_151 masked %reduce_max3A_148 : vector<16xi32>, vector<16xi1> -> vector<16xi32>
    %reduce_max3A_153 = arith.xori %reduce_max3A_152, %reduce_max3A_150 : vector<16xi32>
    %reduce_max3A_154 = vector.extract %reduce_max3A_153[15] : i32 from vector<16xi32>
    %add3A_155 = arith.addi %add3A_142, %reduce_max3A_154 : i32
    %get3A_156 = arith.constant 8 : i32
    %get3A_157 = arith.index_cast %get3A_156 : i32 to index
    %get3A_158 = arith.constant 0 : index
    %get3A_159 = tpu.vector_load %arg32[%get3A_157, %get3A_158] {strides = array<i32>} : memref<16x16xi32, #tpu.memory_space<vmem>>, vector<16xi32>,
    %reduce_max3A_160 = arith.constant true
    %reduce_max3A_161 = vector.broadcast %reduce_max3A_160 : i1 to vector<16xi1>
    %reduce_max3A_162 = arith.constant -2147483648 : i32
    %reduce_max3A_163 = vector.broadcast %reduce_max3A_162 : i32 to vector<16xi32>
    %reduce_max3A_164 = arith.xori %get3A_159, %reduce_max3A_163 : vector<16xi32>
    %reduce_max3A_165 = tpu.scan <max>, %reduce_max3A_164 masked %reduce_max3A_161 : vector<16xi32>, vector<16xi1> -> vector<16xi32>
    %reduce_max3A_166 = arith.xori %reduce_max3A_165, %reduce_max3A_163 : vector<16xi32>
    %reduce_max3A_167 = vector.extract %reduce_max3A_166[15] : i32 from vector<16xi32>
    %add3A_168 = arith.addi %add3A_155, %reduce_max3A_167 : i32
    %get3A_169 = arith.constant 9 : i32
    %get3A_170 = arith.index_cast %get3A_169 : i32 to index
    %get3A_171 = arith.constant 0 : index
    %get3A_172 = tpu.vector_load %arg32[%get3A_170, %get3A_171] {strides = array<i32>} : memref<16x16xi32, #tpu.memory_space<vmem>>, vector<16xi32>,
    %reduce_max3A_173 = arith.constant true
    %reduce_max3A_174 = vector.broadcast %reduce_max3A_173 : i1 to vector<16xi1>
    %reduce_max3A_175 = arith.constant -2147483648 : i32
    %reduce_max3A_176 = vector.broadcast %reduce_max3A_175 : i32 to vector<16xi32>
    %reduce_max3A_177 = arith.xori %get3A_172, %reduce_max3A_176 : vector<16xi32>
    %reduce_max3A_178 = tpu.scan <max>, %reduce_max3A_177 masked %reduce_max3A_174 : vector<16xi32>, vector<16xi1> -> vector<16xi32>
    %reduce_max3A_179 = arith.xori %reduce_max3A_178, %reduce_max3A_176 : vector<16xi32>
    %reduce_max3A_180 = vector.extract %reduce_max3A_179[15] : i32 from vector<16xi32>
    %add3A_181 = arith.addi %add3A_168, %reduce_max3A_180 : i32
    %get3A_182 = arith.constant 10 : i32
    %get3A_183 = arith.index_cast %get3A_182 : i32 to index
    %get3A_184 = arith.constant 0 : index
    %get3A_185 = tpu.vector_load %arg32[%get3A_183, %get3A_184] {strides = array<i32>} : memref<16x16xi32, #tpu.memory_space<vmem>>, vector<16xi32>,
    %reduce_max3A_186 = arith.constant true
    %reduce_max3A_187 = vector.broadcast %reduce_max3A_186 : i1 to vector<16xi1>
    %reduce_max3A_188 = arith.constant -2147483648 : i32
    %reduce_max3A_189 = vector.broadcast %reduce_max3A_188 : i32 to vector<16xi32>
    %reduce_max3A_190 = arith.xori %get3A_185, %reduce_max3A_189 : vector<16xi32>
    %reduce_max3A_191 = tpu.scan <max>, %reduce_max3A_190 masked %reduce_max3A_187 : vector<16xi32>, vector<16xi1> -> vector<16xi32>
    %reduce_max3A_192 = arith.xori %reduce_max3A_191, %reduce_max3A_189 : vector<16xi32>
    %reduce_max3A_193 = vector.extract %reduce_max3A_192[15] : i32 from vector<16xi32>
    %add3A_194 = arith.addi %add3A_181, %reduce_max3A_193 : i32
    %get3A_195 = arith.constant 11 : i32
    %get3A_196 = arith.index_cast %get3A_195 : i32 to index
    %get3A_197 = arith.constant 0 : index
    %get3A_198 = tpu.vector_load %arg32[%get3A_196, %get3A_197] {strides = array<i32>} : memref<16x16xi32, #tpu.memory_space<vmem>>, vector<16xi32>,
    %reduce_max3A_199 = arith.constant true
    %reduce_max3A_200 = vector.broadcast %reduce_max3A_199 : i1 to vector<16xi1>
    %reduce_max3A_201 = arith.constant -2147483648 : i32
    %reduce_max3A_202 = vector.broadcast %reduce_max3A_201 : i32 to vector<16xi32>
    %reduce_max3A_203 = arith.xori %get3A_198, %reduce_max3A_202 : vector<16xi32>
    %reduce_max3A_204 = tpu.scan <max>, %reduce_max3A_203 masked %reduce_max3A_200 : vector<16xi32>, vector<16xi1> -> vector<16xi32>
    %reduce_max3A_205 = arith.xori %reduce_max3A_204, %reduce_max3A_202 : vector<16xi32>
    %reduce_max3A_206 = vector.extract %reduce_max3A_205[15] : i32 from vector<16xi32>
    %add3A_207 = arith.addi %add3A_194, %reduce_max3A_206 : i32
    %get3A_208 = arith.constant 12 : i32
    %get3A_209 = arith.index_cast %get3A_208 : i32 to index
    %get3A_210 = arith.constant 0 : index
    %get3A_211 = tpu.vector_load %arg32[%get3A_209, %get3A_210] {strides = array<i32>} : memref<16x16xi32, #tpu.memory_space<vmem>>, vector<16xi32>,
    %reduce_max3A_212 = arith.constant true
    %reduce_max3A_213 = vector.broadcast %reduce_max3A_212 : i1 to vector<16xi1>
    %reduce_max3A_214 = arith.constant -2147483648 : i32
    %reduce_max3A_215 = vector.broadcast %reduce_max3A_214 : i32 to vector<16xi32>
    %reduce_max3A_216 = arith.xori %get3A_211, %reduce_max3A_215 : vector<16xi32>
    %reduce_max3A_217 = tpu.scan <max>, %reduce_max3A_216 masked %reduce_max3A_213 : vector<16xi32>, vector<16xi1> -> vector<16xi32>
    %reduce_max3A_218 = arith.xori %reduce_max3A_217, %reduce_max3A_215 : vector<16xi32>
    %reduce_max3A_219 = vector.extract %reduce_max3A_218[15] : i32 from vector<16xi32>
    %add3A_220 = arith.addi %add3A_207, %reduce_max3A_219 : i32
    %get3A_221 = arith.constant 13 : i32
    %get3A_222 = arith.index_cast %get3A_221 : i32 to index
    %get3A_223 = arith.constant 0 : index
    %get3A_224 = tpu.vector_load %arg32[%get3A_222, %get3A_223] {strides = array<i32>} : memref<16x16xi32, #tpu.memory_space<vmem>>, vector<16xi32>,
    %reduce_max3A_225 = arith.constant true
    %reduce_max3A_226 = vector.broadcast %reduce_max3A_225 : i1 to vector<16xi1>
    %reduce_max3A_227 = arith.constant -2147483648 : i32
    %reduce_max3A_228 = vector.broadcast %reduce_max3A_227 : i32 to vector<16xi32>
    %reduce_max3A_229 = arith.xori %get3A_224, %reduce_max3A_228 : vector<16xi32>
    %reduce_max3A_230 = tpu.scan <max>, %reduce_max3A_229 masked %reduce_max3A_226 : vector<16xi32>, vector<16xi1> -> vector<16xi32>
    %reduce_max3A_231 = arith.xori %reduce_max3A_230, %reduce_max3A_228 : vector<16xi32>
    %reduce_max3A_232 = vector.extract %reduce_max3A_231[15] : i32 from vector<16xi32>
    %add3A_233 = arith.addi %add3A_220, %reduce_max3A_232 : i32
    %get3A_234 = arith.constant 14 : i32
    %get3A_235 = arith.index_cast %get3A_234 : i32 to index
    %get3A_236 = arith.constant 0 : index
    %get3A_237 = tpu.vector_load %arg32[%get3A_235, %get3A_236] {strides = array<i32>} : memref<16x16xi32, #tpu.memory_space<vmem>>, vector<16xi32>,
    %reduce_max3A_238 = arith.constant true
    %reduce_max3A_239 = vector.broadcast %reduce_max3A_238 : i1 to vector<16xi1>
    %reduce_max3A_240 = arith.constant -2147483648 : i32
    %reduce_max3A_241 = vector.broadcast %reduce_max3A_240 : i32 to vector<16xi32>
    %reduce_max3A_242 = arith.xori %get3A_237, %reduce_max3A_241 : vector<16xi32>
    %reduce_max3A_243 = tpu.scan <max>, %reduce_max3A_242 masked %reduce_max3A_239 : vector<16xi32>, vector<16xi1> -> vector<16xi32>
    %reduce_max3A_244 = arith.xori %reduce_max3A_243, %reduce_max3A_241 : vector<16xi32>
    %reduce_max3A_245 = vector.extract %reduce_max3A_244[15] : i32 from vector<16xi32>
    %add3A_246 = arith.addi %add3A_233, %reduce_max3A_245 : i32
    %get3A_247 = arith.constant 15 : i32
    %get3A_248 = arith.index_cast %get3A_247 : i32 to index
    %get3A_249 = arith.constant 0 : index
    %get3A_250 = tpu.vector_load %arg32[%get3A_248, %get3A_249] {strides = array<i32>} : memref<16x16xi32, #tpu.memory_space<vmem>>, vector<16xi32>,
    %reduce_max3A_251 = arith.constant true
    %reduce_max3A_252 = vector.broadcast %reduce_max3A_251 : i1 to vector<16xi1>
    %reduce_max3A_253 = arith.constant -2147483648 : i32
    %reduce_max3A_254 = vector.broadcast %reduce_max3A_253 : i32 to vector<16xi32>
    %reduce_max3A_255 = arith.xori %get3A_250, %reduce_max3A_254 : vector<16xi32>
    %reduce_max3A_256 = tpu.scan <max>, %reduce_max3A_255 masked %reduce_max3A_252 : vector<16xi32>, vector<16xi1> -> vector<16xi32>
    %reduce_max3A_257 = arith.xori %reduce_max3A_256, %reduce_max3A_254 : vector<16xi32>
    %reduce_max3A_258 = vector.extract %reduce_max3A_257[15] : i32 from vector<16xi32>
    %add3A_259 = arith.addi %add3A_246, %reduce_max3A_258 : i32
    %scan3A_260 = arith.constant 0 : i32
    %scan3A_261 = arith.constant 0 : i32
    %scan3A_262 = arith.constant 16 : i32
    %scan3A_263 = arith.addi %scan3A_261, %scan3A_262 : i32
    %scan3A_264 = arith.constant 1 : i32
    %scan3A_265 = scf.for %scan3A_597 = %scan3A_261 to %scan3A_263 step %scan3A_264 iter_args(%scan3A_598 = %scan3A_260) -> (i32)  : i32 {
      %mul3A_599 = arith.constant 16 : i32
      %mul3A_600 = arith.muli %scan3A_597, %mul3A_599 : i32
      %multiple_of3A = tpu.assume_multiple %mul3A_600, 16 : i32
      %get3A_601 = arith.constant 0 : i32
      %get3A_602 = arith.index_cast %get3A_601 : i32 to index
      %get3A_603 = arith.index_cast %multiple_of3A : i32 to index
      %get3A_604 = tpu.vector_load %arg20[%get3A_602, %get3A_603] {strides = array<i32>} : memref<16x256xi32, #tpu.memory_space<vmem>>, vector<16xi32>,
      %get3A_605 = arith.constant 1 : i32
      %get3A_606 = arith.index_cast %get3A_605 : i32 to index
      %get3A_607 = arith.index_cast %multiple_of3A : i32 to index
      %get3A_608 = tpu.vector_load %arg20[%get3A_606, %get3A_607] {strides = array<i32>} : memref<16x256xi32, #tpu.memory_space<vmem>>, vector<16xi32>,
      %or3A = arith.ori %get3A_604, %get3A_608 : vector<16xi32>
      %get3A_609 = arith.constant 2 : i32
      %get3A_610 = arith.index_cast %get3A_609 : i32 to index
      %get3A_611 = arith.index_cast %multiple_of3A : i32 to index
      %get3A_612 = tpu.vector_load %arg20[%get3A_610, %get3A_611] {strides = array<i32>} : memref<16x256xi32, #tpu.memory_space<vmem>>, vector<16xi32>,
      %or3A_613 = arith.ori %or3A, %get3A_612 : vector<16xi32>
      %get3A_614 = arith.constant 3 : i32
      %get3A_615 = arith.index_cast %get3A_614 : i32 to index
      %get3A_616 = arith.index_cast %multiple_of3A : i32 to index
      %get3A_617 = tpu.vector_load %arg20[%get3A_615, %get3A_616] {strides = array<i32>} : memref<16x256xi32, #tpu.memory_space<vmem>>, vector<16xi32>,
      %or3A_618 = arith.ori %or3A_613, %get3A_617 : vector<16xi32>
      %get3A_619 = arith.constant 4 : i32
      %get3A_620 = arith.index_cast %get3A_619 : i32 to index
      %get3A_621 = arith.index_cast %multiple_of3A : i32 to index
      %get3A_622 = tpu.vector_load %arg20[%get3A_620, %get3A_621] {strides = array<i32>} : memref<16x256xi32, #tpu.memory_space<vmem>>, vector<16xi32>,
      %or3A_623 = arith.ori %or3A_618, %get3A_622 : vector<16xi32>
      %get3A_624 = arith.constant 5 : i32
      %get3A_625 = arith.index_cast %get3A_624 : i32 to index
      %get3A_626 = arith.index_cast %multiple_of3A : i32 to index
      %get3A_627 = tpu.vector_load %arg20[%get3A_625, %get3A_626] {strides = array<i32>} : memref<16x256xi32, #tpu.memory_space<vmem>>, vector<16xi32>,
      %or3A_628 = arith.ori %or3A_623, %get3A_627 : vector<16xi32>
      %get3A_629 = arith.constant 6 : i32
      %get3A_630 = arith.index_cast %get3A_629 : i32 to index
      %get3A_631 = arith.index_cast %multiple_of3A : i32 to index
      %get3A_632 = tpu.vector_load %arg20[%get3A_630, %get3A_631] {strides = array<i32>} : memref<16x256xi32, #tpu.memory_space<vmem>>, vector<16xi32>,
      %or3A_633 = arith.ori %or3A_628, %get3A_632 : vector<16xi32>
      %get3A_634 = arith.constant 7 : i32
      %get3A_635 = arith.index_cast %get3A_634 : i32 to index
      %get3A_636 = arith.index_cast %multiple_of3A : i32 to index
      %get3A_637 = tpu.vector_load %arg20[%get3A_635, %get3A_636] {strides = array<i32>} : memref<16x256xi32, #tpu.memory_space<vmem>>, vector<16xi32>,
      %or3A_638 = arith.ori %or3A_633, %get3A_637 : vector<16xi32>
      %get3A_639 = arith.constant 8 : i32
      %get3A_640 = arith.index_cast %get3A_639 : i32 to index
      %get3A_641 = arith.index_cast %multiple_of3A : i32 to index
      %get3A_642 = tpu.vector_load %arg20[%get3A_640, %get3A_641] {strides = array<i32>} : memref<16x256xi32, #tpu.memory_space<vmem>>, vector<16xi32>,
      %or3A_643 = arith.ori %or3A_638, %get3A_642 : vector<16xi32>
      %get3A_644 = arith.constant 9 : i32
      %get3A_645 = arith.index_cast %get3A_644 : i32 to index
      %get3A_646 = arith.index_cast %multiple_of3A : i32 to index
      %get3A_647 = tpu.vector_load %arg20[%get3A_645, %get3A_646] {strides = array<i32>} : memref<16x256xi32, #tpu.memory_space<vmem>>, vector<16xi32>,
      %or3A_648 = arith.ori %or3A_643, %get3A_647 : vector<16xi32>
      %get3A_649 = arith.constant 10 : i32
      %get3A_650 = arith.index_cast %get3A_649 : i32 to index
      %get3A_651 = arith.index_cast %multiple_of3A : i32 to index
      %get3A_652 = tpu.vector_load %arg20[%get3A_650, %get3A_651] {strides = array<i32>} : memref<16x256xi32, #tpu.memory_space<vmem>>, vector<16xi32>,
      %or3A_653 = arith.ori %or3A_648, %get3A_652 : vector<16xi32>
      %get3A_654 = arith.constant 11 : i32
      %get3A_655 = arith.index_cast %get3A_654 : i32 to index
      %get3A_656 = arith.index_cast %multiple_of3A : i32 to index
      %get3A_657 = tpu.vector_load %arg20[%get3A_655, %get3A_656] {strides = array<i32>} : memref<16x256xi32, #tpu.memory_space<vmem>>, vector<16xi32>,
      %or3A_658 = arith.ori %or3A_653, %get3A_657 : vector<16xi32>
      %get3A_659 = arith.constant 12 : i32
      %get3A_660 = arith.index_cast %get3A_659 : i32 to index
      %get3A_661 = arith.index_cast %multiple_of3A : i32 to index
      %get3A_662 = tpu.vector_load %arg20[%get3A_660, %get3A_661] {strides = array<i32>} : memref<16x256xi32, #tpu.memory_space<vmem>>, vector<16xi32>,
      %or3A_663 = arith.ori %or3A_658, %get3A_662 : vector<16xi32>
      %get3A_664 = arith.constant 13 : i32
      %get3A_665 = arith.index_cast %get3A_664 : i32 to index
      %get3A_666 = arith.index_cast %multiple_of3A : i32 to index
      %get3A_667 = tpu.vector_load %arg20[%get3A_665, %get3A_666] {strides = array<i32>} : memref<16x256xi32, #tpu.memory_space<vmem>>, vector<16xi32>,
      %or3A_668 = arith.ori %or3A_663, %get3A_667 : vector<16xi32>
      %get3A_669 = arith.constant 14 : i32
      %get3A_670 = arith.index_cast %get3A_669 : i32 to index
      %get3A_671 = arith.index_cast %multiple_of3A : i32 to index
      %get3A_672 = tpu.vector_load %arg20[%get3A_670, %get3A_671] {strides = array<i32>} : memref<16x256xi32, #tpu.memory_space<vmem>>, vector<16xi32>,
      %or3A_673 = arith.ori %or3A_668, %get3A_672 : vector<16xi32>
      %get3A_674 = arith.constant 15 : i32
      %get3A_675 = arith.index_cast %get3A_674 : i32 to index
      %get3A_676 = arith.index_cast %multiple_of3A : i32 to index
      %get3A_677 = tpu.vector_load %arg20[%get3A_675, %get3A_676] {strides = array<i32>} : memref<16x256xi32, #tpu.memory_space<vmem>>, vector<16xi32>,
      %or3A_678 = arith.ori %or3A_673, %get3A_677 : vector<16xi32>
      %get3A_679 = arith.index_cast %multiple_of3A : i32 to index
      %get3A_680 = tpu.vector_load %arg18[%get3A_679] {strides = array<i32>} : memref<256xf32, #tpu.memory_space<vmem>>, vector<16xf32>,
      %convert_element_type3A = arith.fptosi %get3A_680 : vector<16xf32> to vector<16xi32>
      %gt3A = arith.constant 0 : i32
      %gt3A_681 = vector.broadcast %gt3A : i32 to vector<16xi32>
      %gt3A_682 = arith.cmpi sgt, %or3A_678, %gt3A_681 : vector<16xi32>
      %jit3A_683 = arith.constant 0 : i32
      %broadcast_in_dim3A_684 = vector.broadcast %jit3A_683 : i32 to vector<16xi32>
      %select_n3A_685 = arith.select %gt3A_682, %broadcast_in_dim3A_684, %convert_element_type3A : vector<16xi1>, vector<16xi32>
      %swap3A_686 = arith.index_cast %multiple_of3A : i32 to index
      %swap3A_687 = tpu.vector_load %arg19[%swap3A_686] {strides = array<i32>} : memref<256xi32, #tpu.memory_space<vmem>>, vector<16xi32>,
      tpu.vector_store %arg19[%swap3A_686], %select_n3A_685 {strides = array<i32>} : memref<256xi32, #tpu.memory_space<vmem>>, vector<16xi32>,
      %reduce_sum3A = arith.constant true
      %reduce_sum3A_688 = vector.broadcast %reduce_sum3A : i1 to vector<16xi1>
      %reduce_sum3A_689 = tpu.scan <sum>, %select_n3A_685 masked %reduce_sum3A_688 : vector<16xi32>, vector<16xi1> -> vector<16xi32>
      %reduce_sum3A_690 = vector.extract %reduce_sum3A_689[15] : i32 from vector<16xi32>
      %add3A_691 = arith.addi %scan3A_598, %reduce_sum3A_690 : i32
      scf.yield %add3A_691 : i32
    }
    %scan3A_266 = arith.constant 16 : i32
    %broadcast_in_dim3A_267 = arith.constant 0 : i32
    %broadcast_in_dim3A_268 = vector.broadcast %broadcast_in_dim3A_267 : i32 to vector<16xi32>
    %add3A_269 = vector.broadcast %scan3A_265 : i32 to vector<16xi32>
    %add3A_270 = arith.addi %broadcast_in_dim3A_268, %add3A_269 : vector<16xi32>
    %swap3A_271 = arith.constant 0 : index
    %swap3A_272 = tpu.vector_load %arg31[%swap3A_271] {strides = array<i32>} : memref<16xi32, #tpu.memory_space<vmem>>, vector<16xi32>,
    tpu.vector_store %arg31[%swap3A_271], %add3A_270 {strides = array<i32>} : memref<16xi32, #tpu.memory_space<vmem>>, vector<16xi32>,
    "tpu.region"() ({
      %run_scoped3A_597 = tpu.sem_alloc : memref<!tpu.dma_semaphore, #tpu.memory_space<semaphore_mem>>
      %dma_start3A_598 = arith.constant 0 : i32
      %dma_start3A_599 = tpu.memref_slice %arg35[%arg1, %dma_start3A_598] : memref<16x16xi32, #tpu.memory_space<vmem_shared>> -> memref<1x16xi32, #tpu.memory_space<vmem_shared>>
      %dma_start3A_600 = tpu.memref_squeeze %dma_start3A_599 : memref<1x16xi32, #tpu.memory_space<vmem_shared>> -> memref<16xi32, #tpu.memory_space<vmem_shared>>
      %dma_start3A_601 = arith.constant 0 : i32
      %dma_start3A_602 = tpu.memref_slice %arg35[%arg1, %dma_start3A_601] : memref<16x16xi32, #tpu.memory_space<vmem_shared>> -> memref<1x16xi32, #tpu.memory_space<vmem_shared>>
      %dma_start3A_603 = tpu.memref_squeeze %dma_start3A_602 : memref<1x16xi32, #tpu.memory_space<vmem_shared>> -> memref<16xi32, #tpu.memory_space<vmem_shared>>
      tpu.enqueue_dma source(%arg31 : memref<16xi32, #tpu.memory_space<vmem>>) target(%dma_start3A_603 : memref<16xi32, #tpu.memory_space<vmem_shared>>) target_semaphore(%run_scoped3A_597 : memref<!tpu.dma_semaphore, #tpu.memory_space<semaphore_mem>>)
      %dma_wait3A_604 = arith.constant 0 : i32
      %dma_wait3A_605 = tpu.memref_slice %arg35[%arg1, %dma_wait3A_604] : memref<16x16xi32, #tpu.memory_space<vmem_shared>> -> memref<1x16xi32, #tpu.memory_space<vmem_shared>>
      %dma_wait3A_606 = tpu.memref_squeeze %dma_wait3A_605 : memref<1x16xi32, #tpu.memory_space<vmem_shared>> -> memref<16xi32, #tpu.memory_space<vmem_shared>>
      %dma_wait3A_607 = arith.constant 0 : i32
      %dma_wait3A_608 = tpu.memref_slice %arg35[%arg1, %dma_wait3A_607] : memref<16x16xi32, #tpu.memory_space<vmem_shared>> -> memref<1x16xi32, #tpu.memory_space<vmem_shared>>
      %dma_wait3A_609 = tpu.memref_squeeze %dma_wait3A_608 : memref<1x16xi32, #tpu.memory_space<vmem_shared>> -> memref<16xi32, #tpu.memory_space<vmem_shared>>
      tpu.wait_dma2 semaphore(%run_scoped3A_597 : memref<!tpu.dma_semaphore, #tpu.memory_space<semaphore_mem>>) src(%arg31 : memref<16xi32, #tpu.memory_space<vmem>>) dst(%dma_wait3A_609 : memref<16xi32, #tpu.memory_space<vmem_shared>>)
      tpu.yield
    }) : () -> ()
    %barrier3A_273 = arith.constant 0 : index
    tpu.barrier barrier_id(%barrier3A_273)
    "tpu.region"() ({
      %run_scoped3A_597 = tpu.sem_alloc : memref<!tpu.dma_semaphore, #tpu.memory_space<semaphore_mem>>
      tpu.enqueue_dma source(%arg35 : memref<16x16xi32, #tpu.memory_space<vmem_shared>>) target(%arg32 : memref<16x16xi32, #tpu.memory_space<vmem>>) target_semaphore(%run_scoped3A_597 : memref<!tpu.dma_semaphore, #tpu.memory_space<semaphore_mem>>)
      tpu.wait_dma2 semaphore(%run_scoped3A_597 : memref<!tpu.dma_semaphore, #tpu.memory_space<semaphore_mem>>) src(%arg35 : memref<16x16xi32, #tpu.memory_space<vmem_shared>>) dst(%arg32 : memref<16x16xi32, #tpu.memory_space<vmem>>)
      tpu.yield
    }) : () -> ()
    %get3A_274 = arith.constant 0 : i32
    %get3A_275 = arith.index_cast %get3A_274 : i32 to index
    %get3A_276 = arith.constant 0 : index
    %get3A_277 = tpu.vector_load %arg32[%get3A_275, %get3A_276] {strides = array<i32>} : memref<16x16xi32, #tpu.memory_space<vmem>>, vector<16xi32>,
    %reduce_max3A_278 = arith.constant true
    %reduce_max3A_279 = vector.broadcast %reduce_max3A_278 : i1 to vector<16xi1>
    %reduce_max3A_280 = arith.constant -2147483648 : i32
    %reduce_max3A_281 = vector.broadcast %reduce_max3A_280 : i32 to vector<16xi32>
    %reduce_max3A_282 = arith.xori %get3A_277, %reduce_max3A_281 : vector<16xi32>
    %reduce_max3A_283 = tpu.scan <max>, %reduce_max3A_282 masked %reduce_max3A_279 : vector<16xi32>, vector<16xi1> -> vector<16xi32>
    %reduce_max3A_284 = arith.xori %reduce_max3A_283, %reduce_max3A_281 : vector<16xi32>
    %reduce_max3A_285 = vector.extract %reduce_max3A_284[15] : i32 from vector<16xi32>
    %lt3A = arith.constant 0 : i32
    %lt3A_286 = arith.cmpi slt, %lt3A, %arg1 : i32
    %jit3A = arith.constant 0 : i32
    %select_n3A = arith.select %lt3A_286, %reduce_max3A_285, %jit3A : i32
    %add3A_287 = arith.constant 0 : i32
    %add3A_288 = arith.addi %add3A_287, %select_n3A : i32
    %add3A_289 = arith.constant 0 : i32
    %add3A_290 = arith.addi %add3A_289, %reduce_max3A_285 : i32
    %get3A_291 = arith.constant 1 : i32
    %get3A_292 = arith.index_cast %get3A_291 : i32 to index
    %get3A_293 = arith.constant 0 : index
    %get3A_294 = tpu.vector_load %arg32[%get3A_292, %get3A_293] {strides = array<i32>} : memref<16x16xi32, #tpu.memory_space<vmem>>, vector<16xi32>,
    %reduce_max3A_295 = arith.constant true
    %reduce_max3A_296 = vector.broadcast %reduce_max3A_295 : i1 to vector<16xi1>
    %reduce_max3A_297 = arith.constant -2147483648 : i32
    %reduce_max3A_298 = vector.broadcast %reduce_max3A_297 : i32 to vector<16xi32>
    %reduce_max3A_299 = arith.xori %get3A_294, %reduce_max3A_298 : vector<16xi32>
    %reduce_max3A_300 = tpu.scan <max>, %reduce_max3A_299 masked %reduce_max3A_296 : vector<16xi32>, vector<16xi1> -> vector<16xi32>
    %reduce_max3A_301 = arith.xori %reduce_max3A_300, %reduce_max3A_298 : vector<16xi32>
    %reduce_max3A_302 = vector.extract %reduce_max3A_301[15] : i32 from vector<16xi32>
    %lt3A_303 = arith.constant 1 : i32
    %lt3A_304 = arith.cmpi slt, %lt3A_303, %arg1 : i32
    %jit3A_305 = arith.constant 0 : i32
    %select_n3A_306 = arith.select %lt3A_304, %reduce_max3A_302, %jit3A_305 : i32
    %add3A_307 = arith.addi %add3A_288, %select_n3A_306 : i32
    %add3A_308 = arith.addi %add3A_290, %reduce_max3A_302 : i32
    %get3A_309 = arith.constant 2 : i32
    %get3A_310 = arith.index_cast %get3A_309 : i32 to index
    %get3A_311 = arith.constant 0 : index
    %get3A_312 = tpu.vector_load %arg32[%get3A_310, %get3A_311] {strides = array<i32>} : memref<16x16xi32, #tpu.memory_space<vmem>>, vector<16xi32>,
    %reduce_max3A_313 = arith.constant true
    %reduce_max3A_314 = vector.broadcast %reduce_max3A_313 : i1 to vector<16xi1>
    %reduce_max3A_315 = arith.constant -2147483648 : i32
    %reduce_max3A_316 = vector.broadcast %reduce_max3A_315 : i32 to vector<16xi32>
    %reduce_max3A_317 = arith.xori %get3A_312, %reduce_max3A_316 : vector<16xi32>
    %reduce_max3A_318 = tpu.scan <max>, %reduce_max3A_317 masked %reduce_max3A_314 : vector<16xi32>, vector<16xi1> -> vector<16xi32>
    %reduce_max3A_319 = arith.xori %reduce_max3A_318, %reduce_max3A_316 : vector<16xi32>
    %reduce_max3A_320 = vector.extract %reduce_max3A_319[15] : i32 from vector<16xi32>
    %lt3A_321 = arith.constant 2 : i32
    %lt3A_322 = arith.cmpi slt, %lt3A_321, %arg1 : i32
    %jit3A_323 = arith.constant 0 : i32
    %select_n3A_324 = arith.select %lt3A_322, %reduce_max3A_320, %jit3A_323 : i32
    %add3A_325 = arith.addi %add3A_307, %select_n3A_324 : i32
    %add3A_326 = arith.addi %add3A_308, %reduce_max3A_320 : i32
    %get3A_327 = arith.constant 3 : i32
    %get3A_328 = arith.index_cast %get3A_327 : i32 to index
    %get3A_329 = arith.constant 0 : index
    %get3A_330 = tpu.vector_load %arg32[%get3A_328, %get3A_329] {strides = array<i32>} : memref<16x16xi32, #tpu.memory_space<vmem>>, vector<16xi32>,
    %reduce_max3A_331 = arith.constant true
    %reduce_max3A_332 = vector.broadcast %reduce_max3A_331 : i1 to vector<16xi1>
    %reduce_max3A_333 = arith.constant -2147483648 : i32
    %reduce_max3A_334 = vector.broadcast %reduce_max3A_333 : i32 to vector<16xi32>
    %reduce_max3A_335 = arith.xori %get3A_330, %reduce_max3A_334 : vector<16xi32>
    %reduce_max3A_336 = tpu.scan <max>, %reduce_max3A_335 masked %reduce_max3A_332 : vector<16xi32>, vector<16xi1> -> vector<16xi32>
    %reduce_max3A_337 = arith.xori %reduce_max3A_336, %reduce_max3A_334 : vector<16xi32>
    %reduce_max3A_338 = vector.extract %reduce_max3A_337[15] : i32 from vector<16xi32>
    %lt3A_339 = arith.constant 3 : i32
    %lt3A_340 = arith.cmpi slt, %lt3A_339, %arg1 : i32
    %jit3A_341 = arith.constant 0 : i32
    %select_n3A_342 = arith.select %lt3A_340, %reduce_max3A_338, %jit3A_341 : i32
    %add3A_343 = arith.addi %add3A_325, %select_n3A_342 : i32
    %add3A_344 = arith.addi %add3A_326, %reduce_max3A_338 : i32
    %get3A_345 = arith.constant 4 : i32
    %get3A_346 = arith.index_cast %get3A_345 : i32 to index
    %get3A_347 = arith.constant 0 : index
    %get3A_348 = tpu.vector_load %arg32[%get3A_346, %get3A_347] {strides = array<i32>} : memref<16x16xi32, #tpu.memory_space<vmem>>, vector<16xi32>,
    %reduce_max3A_349 = arith.constant true
    %reduce_max3A_350 = vector.broadcast %reduce_max3A_349 : i1 to vector<16xi1>
    %reduce_max3A_351 = arith.constant -2147483648 : i32
    %reduce_max3A_352 = vector.broadcast %reduce_max3A_351 : i32 to vector<16xi32>
    %reduce_max3A_353 = arith.xori %get3A_348, %reduce_max3A_352 : vector<16xi32>
    %reduce_max3A_354 = tpu.scan <max>, %reduce_max3A_353 masked %reduce_max3A_350 : vector<16xi32>, vector<16xi1> -> vector<16xi32>
    %reduce_max3A_355 = arith.xori %reduce_max3A_354, %reduce_max3A_352 : vector<16xi32>
    %reduce_max3A_356 = vector.extract %reduce_max3A_355[15] : i32 from vector<16xi32>
    %lt3A_357 = arith.constant 4 : i32
    %lt3A_358 = arith.cmpi slt, %lt3A_357, %arg1 : i32
    %jit3A_359 = arith.constant 0 : i32
    %select_n3A_360 = arith.select %lt3A_358, %reduce_max3A_356, %jit3A_359 : i32
    %add3A_361 = arith.addi %add3A_343, %select_n3A_360 : i32
    %add3A_362 = arith.addi %add3A_344, %reduce_max3A_356 : i32
    %get3A_363 = arith.constant 5 : i32
    %get3A_364 = arith.index_cast %get3A_363 : i32 to index
    %get3A_365 = arith.constant 0 : index
    %get3A_366 = tpu.vector_load %arg32[%get3A_364, %get3A_365] {strides = array<i32>} : memref<16x16xi32, #tpu.memory_space<vmem>>, vector<16xi32>,
    %reduce_max3A_367 = arith.constant true
    %reduce_max3A_368 = vector.broadcast %reduce_max3A_367 : i1 to vector<16xi1>
    %reduce_max3A_369 = arith.constant -2147483648 : i32
    %reduce_max3A_370 = vector.broadcast %reduce_max3A_369 : i32 to vector<16xi32>
    %reduce_max3A_371 = arith.xori %get3A_366, %reduce_max3A_370 : vector<16xi32>
    %reduce_max3A_372 = tpu.scan <max>, %reduce_max3A_371 masked %reduce_max3A_368 : vector<16xi32>, vector<16xi1> -> vector<16xi32>
    %reduce_max3A_373 = arith.xori %reduce_max3A_372, %reduce_max3A_370 : vector<16xi32>
    %reduce_max3A_374 = vector.extract %reduce_max3A_373[15] : i32 from vector<16xi32>
    %lt3A_375 = arith.constant 5 : i32
    %lt3A_376 = arith.cmpi slt, %lt3A_375, %arg1 : i32
    %jit3A_377 = arith.constant 0 : i32
    %select_n3A_378 = arith.select %lt3A_376, %reduce_max3A_374, %jit3A_377 : i32
    %add3A_379 = arith.addi %add3A_361, %select_n3A_378 : i32
    %add3A_380 = arith.addi %add3A_362, %reduce_max3A_374 : i32
    %get3A_381 = arith.constant 6 : i32
    %get3A_382 = arith.index_cast %get3A_381 : i32 to index
    %get3A_383 = arith.constant 0 : index
    %get3A_384 = tpu.vector_load %arg32[%get3A_382, %get3A_383] {strides = array<i32>} : memref<16x16xi32, #tpu.memory_space<vmem>>, vector<16xi32>,
    %reduce_max3A_385 = arith.constant true
    %reduce_max3A_386 = vector.broadcast %reduce_max3A_385 : i1 to vector<16xi1>
    %reduce_max3A_387 = arith.constant -2147483648 : i32
    %reduce_max3A_388 = vector.broadcast %reduce_max3A_387 : i32 to vector<16xi32>
    %reduce_max3A_389 = arith.xori %get3A_384, %reduce_max3A_388 : vector<16xi32>
    %reduce_max3A_390 = tpu.scan <max>, %reduce_max3A_389 masked %reduce_max3A_386 : vector<16xi32>, vector<16xi1> -> vector<16xi32>
    %reduce_max3A_391 = arith.xori %reduce_max3A_390, %reduce_max3A_388 : vector<16xi32>
    %reduce_max3A_392 = vector.extract %reduce_max3A_391[15] : i32 from vector<16xi32>
    %lt3A_393 = arith.constant 6 : i32
    %lt3A_394 = arith.cmpi slt, %lt3A_393, %arg1 : i32
    %jit3A_395 = arith.constant 0 : i32
    %select_n3A_396 = arith.select %lt3A_394, %reduce_max3A_392, %jit3A_395 : i32
    %add3A_397 = arith.addi %add3A_379, %select_n3A_396 : i32
    %add3A_398 = arith.addi %add3A_380, %reduce_max3A_392 : i32
    %get3A_399 = arith.constant 7 : i32
    %get3A_400 = arith.index_cast %get3A_399 : i32 to index
    %get3A_401 = arith.constant 0 : index
    %get3A_402 = tpu.vector_load %arg32[%get3A_400, %get3A_401] {strides = array<i32>} : memref<16x16xi32, #tpu.memory_space<vmem>>, vector<16xi32>,
    %reduce_max3A_403 = arith.constant true
    %reduce_max3A_404 = vector.broadcast %reduce_max3A_403 : i1 to vector<16xi1>
    %reduce_max3A_405 = arith.constant -2147483648 : i32
    %reduce_max3A_406 = vector.broadcast %reduce_max3A_405 : i32 to vector<16xi32>
    %reduce_max3A_407 = arith.xori %get3A_402, %reduce_max3A_406 : vector<16xi32>
    %reduce_max3A_408 = tpu.scan <max>, %reduce_max3A_407 masked %reduce_max3A_404 : vector<16xi32>, vector<16xi1> -> vector<16xi32>
    %reduce_max3A_409 = arith.xori %reduce_max3A_408, %reduce_max3A_406 : vector<16xi32>
    %reduce_max3A_410 = vector.extract %reduce_max3A_409[15] : i32 from vector<16xi32>
    %lt3A_411 = arith.constant 7 : i32
    %lt3A_412 = arith.cmpi slt, %lt3A_411, %arg1 : i32
    %jit3A_413 = arith.constant 0 : i32
    %select_n3A_414 = arith.select %lt3A_412, %reduce_max3A_410, %jit3A_413 : i32
    %add3A_415 = arith.addi %add3A_397, %select_n3A_414 : i32
    %add3A_416 = arith.addi %add3A_398, %reduce_max3A_410 : i32
    %get3A_417 = arith.constant 8 : i32
    %get3A_418 = arith.index_cast %get3A_417 : i32 to index
    %get3A_419 = arith.constant 0 : index
    %get3A_420 = tpu.vector_load %arg32[%get3A_418, %get3A_419] {strides = array<i32>} : memref<16x16xi32, #tpu.memory_space<vmem>>, vector<16xi32>,
    %reduce_max3A_421 = arith.constant true
    %reduce_max3A_422 = vector.broadcast %reduce_max3A_421 : i1 to vector<16xi1>
    %reduce_max3A_423 = arith.constant -2147483648 : i32
    %reduce_max3A_424 = vector.broadcast %reduce_max3A_423 : i32 to vector<16xi32>
    %reduce_max3A_425 = arith.xori %get3A_420, %reduce_max3A_424 : vector<16xi32>
    %reduce_max3A_426 = tpu.scan <max>, %reduce_max3A_425 masked %reduce_max3A_422 : vector<16xi32>, vector<16xi1> -> vector<16xi32>
    %reduce_max3A_427 = arith.xori %reduce_max3A_426, %reduce_max3A_424 : vector<16xi32>
    %reduce_max3A_428 = vector.extract %reduce_max3A_427[15] : i32 from vector<16xi32>
    %lt3A_429 = arith.constant 8 : i32
    %lt3A_430 = arith.cmpi slt, %lt3A_429, %arg1 : i32
    %jit3A_431 = arith.constant 0 : i32
    %select_n3A_432 = arith.select %lt3A_430, %reduce_max3A_428, %jit3A_431 : i32
    %add3A_433 = arith.addi %add3A_415, %select_n3A_432 : i32
    %add3A_434 = arith.addi %add3A_416, %reduce_max3A_428 : i32
    %get3A_435 = arith.constant 9 : i32
    %get3A_436 = arith.index_cast %get3A_435 : i32 to index
    %get3A_437 = arith.constant 0 : index
    %get3A_438 = tpu.vector_load %arg32[%get3A_436, %get3A_437] {strides = array<i32>} : memref<16x16xi32, #tpu.memory_space<vmem>>, vector<16xi32>,
    %reduce_max3A_439 = arith.constant true
    %reduce_max3A_440 = vector.broadcast %reduce_max3A_439 : i1 to vector<16xi1>
    %reduce_max3A_441 = arith.constant -2147483648 : i32
    %reduce_max3A_442 = vector.broadcast %reduce_max3A_441 : i32 to vector<16xi32>
    %reduce_max3A_443 = arith.xori %get3A_438, %reduce_max3A_442 : vector<16xi32>
    %reduce_max3A_444 = tpu.scan <max>, %reduce_max3A_443 masked %reduce_max3A_440 : vector<16xi32>, vector<16xi1> -> vector<16xi32>
    %reduce_max3A_445 = arith.xori %reduce_max3A_444, %reduce_max3A_442 : vector<16xi32>
    %reduce_max3A_446 = vector.extract %reduce_max3A_445[15] : i32 from vector<16xi32>
    %lt3A_447 = arith.constant 9 : i32
    %lt3A_448 = arith.cmpi slt, %lt3A_447, %arg1 : i32
    %jit3A_449 = arith.constant 0 : i32
    %select_n3A_450 = arith.select %lt3A_448, %reduce_max3A_446, %jit3A_449 : i32
    %add3A_451 = arith.addi %add3A_433, %select_n3A_450 : i32
    %add3A_452 = arith.addi %add3A_434, %reduce_max3A_446 : i32
    %get3A_453 = arith.constant 10 : i32
    %get3A_454 = arith.index_cast %get3A_453 : i32 to index
    %get3A_455 = arith.constant 0 : index
    %get3A_456 = tpu.vector_load %arg32[%get3A_454, %get3A_455] {strides = array<i32>} : memref<16x16xi32, #tpu.memory_space<vmem>>, vector<16xi32>,
    %reduce_max3A_457 = arith.constant true
    %reduce_max3A_458 = vector.broadcast %reduce_max3A_457 : i1 to vector<16xi1>
    %reduce_max3A_459 = arith.constant -2147483648 : i32
    %reduce_max3A_460 = vector.broadcast %reduce_max3A_459 : i32 to vector<16xi32>
    %reduce_max3A_461 = arith.xori %get3A_456, %reduce_max3A_460 : vector<16xi32>
    %reduce_max3A_462 = tpu.scan <max>, %reduce_max3A_461 masked %reduce_max3A_458 : vector<16xi32>, vector<16xi1> -> vector<16xi32>
    %reduce_max3A_463 = arith.xori %reduce_max3A_462, %reduce_max3A_460 : vector<16xi32>
    %reduce_max3A_464 = vector.extract %reduce_max3A_463[15] : i32 from vector<16xi32>
    %lt3A_465 = arith.constant 10 : i32
    %lt3A_466 = arith.cmpi slt, %lt3A_465, %arg1 : i32
    %jit3A_467 = arith.constant 0 : i32
    %select_n3A_468 = arith.select %lt3A_466, %reduce_max3A_464, %jit3A_467 : i32
    %add3A_469 = arith.addi %add3A_451, %select_n3A_468 : i32
    %add3A_470 = arith.addi %add3A_452, %reduce_max3A_464 : i32
    %get3A_471 = arith.constant 11 : i32
    %get3A_472 = arith.index_cast %get3A_471 : i32 to index
    %get3A_473 = arith.constant 0 : index
    %get3A_474 = tpu.vector_load %arg32[%get3A_472, %get3A_473] {strides = array<i32>} : memref<16x16xi32, #tpu.memory_space<vmem>>, vector<16xi32>,
    %reduce_max3A_475 = arith.constant true
    %reduce_max3A_476 = vector.broadcast %reduce_max3A_475 : i1 to vector<16xi1>
    %reduce_max3A_477 = arith.constant -2147483648 : i32
    %reduce_max3A_478 = vector.broadcast %reduce_max3A_477 : i32 to vector<16xi32>
    %reduce_max3A_479 = arith.xori %get3A_474, %reduce_max3A_478 : vector<16xi32>
    %reduce_max3A_480 = tpu.scan <max>, %reduce_max3A_479 masked %reduce_max3A_476 : vector<16xi32>, vector<16xi1> -> vector<16xi32>
    %reduce_max3A_481 = arith.xori %reduce_max3A_480, %reduce_max3A_478 : vector<16xi32>
    %reduce_max3A_482 = vector.extract %reduce_max3A_481[15] : i32 from vector<16xi32>
    %lt3A_483 = arith.constant 11 : i32
    %lt3A_484 = arith.cmpi slt, %lt3A_483, %arg1 : i32
    %jit3A_485 = arith.constant 0 : i32
    %select_n3A_486 = arith.select %lt3A_484, %reduce_max3A_482, %jit3A_485 : i32
    %add3A_487 = arith.addi %add3A_469, %select_n3A_486 : i32
    %add3A_488 = arith.addi %add3A_470, %reduce_max3A_482 : i32
    %get3A_489 = arith.constant 12 : i32
    %get3A_490 = arith.index_cast %get3A_489 : i32 to index
    %get3A_491 = arith.constant 0 : index
    %get3A_492 = tpu.vector_load %arg32[%get3A_490, %get3A_491] {strides = array<i32>} : memref<16x16xi32, #tpu.memory_space<vmem>>, vector<16xi32>,
    %reduce_max3A_493 = arith.constant true
    %reduce_max3A_494 = vector.broadcast %reduce_max3A_493 : i1 to vector<16xi1>
    %reduce_max3A_495 = arith.constant -2147483648 : i32
    %reduce_max3A_496 = vector.broadcast %reduce_max3A_495 : i32 to vector<16xi32>
    %reduce_max3A_497 = arith.xori %get3A_492, %reduce_max3A_496 : vector<16xi32>
    %reduce_max3A_498 = tpu.scan <max>, %reduce_max3A_497 masked %reduce_max3A_494 : vector<16xi32>, vector<16xi1> -> vector<16xi32>
    %reduce_max3A_499 = arith.xori %reduce_max3A_498, %reduce_max3A_496 : vector<16xi32>
    %reduce_max3A_500 = vector.extract %reduce_max3A_499[15] : i32 from vector<16xi32>
    %lt3A_501 = arith.constant 12 : i32
    %lt3A_502 = arith.cmpi slt, %lt3A_501, %arg1 : i32
    %jit3A_503 = arith.constant 0 : i32
    %select_n3A_504 = arith.select %lt3A_502, %reduce_max3A_500, %jit3A_503 : i32
    %add3A_505 = arith.addi %add3A_487, %select_n3A_504 : i32
    %add3A_506 = arith.addi %add3A_488, %reduce_max3A_500 : i32
    %get3A_507 = arith.constant 13 : i32
    %get3A_508 = arith.index_cast %get3A_507 : i32 to index
    %get3A_509 = arith.constant 0 : index
    %get3A_510 = tpu.vector_load %arg32[%get3A_508, %get3A_509] {strides = array<i32>} : memref<16x16xi32, #tpu.memory_space<vmem>>, vector<16xi32>,
    %reduce_max3A_511 = arith.constant true
    %reduce_max3A_512 = vector.broadcast %reduce_max3A_511 : i1 to vector<16xi1>
    %reduce_max3A_513 = arith.constant -2147483648 : i32
    %reduce_max3A_514 = vector.broadcast %reduce_max3A_513 : i32 to vector<16xi32>
    %reduce_max3A_515 = arith.xori %get3A_510, %reduce_max3A_514 : vector<16xi32>
    %reduce_max3A_516 = tpu.scan <max>, %reduce_max3A_515 masked %reduce_max3A_512 : vector<16xi32>, vector<16xi1> -> vector<16xi32>
    %reduce_max3A_517 = arith.xori %reduce_max3A_516, %reduce_max3A_514 : vector<16xi32>
    %reduce_max3A_518 = vector.extract %reduce_max3A_517[15] : i32 from vector<16xi32>
    %lt3A_519 = arith.constant 13 : i32
    %lt3A_520 = arith.cmpi slt, %lt3A_519, %arg1 : i32
    %jit3A_521 = arith.constant 0 : i32
    %select_n3A_522 = arith.select %lt3A_520, %reduce_max3A_518, %jit3A_521 : i32
    %add3A_523 = arith.addi %add3A_505, %select_n3A_522 : i32
    %add3A_524 = arith.addi %add3A_506, %reduce_max3A_518 : i32
    %get3A_525 = arith.constant 14 : i32
    %get3A_526 = arith.index_cast %get3A_525 : i32 to index
    %get3A_527 = arith.constant 0 : index
    %get3A_528 = tpu.vector_load %arg32[%get3A_526, %get3A_527] {strides = array<i32>} : memref<16x16xi32, #tpu.memory_space<vmem>>, vector<16xi32>,
    %reduce_max3A_529 = arith.constant true
    %reduce_max3A_530 = vector.broadcast %reduce_max3A_529 : i1 to vector<16xi1>
    %reduce_max3A_531 = arith.constant -2147483648 : i32
    %reduce_max3A_532 = vector.broadcast %reduce_max3A_531 : i32 to vector<16xi32>
    %reduce_max3A_533 = arith.xori %get3A_528, %reduce_max3A_532 : vector<16xi32>
    %reduce_max3A_534 = tpu.scan <max>, %reduce_max3A_533 masked %reduce_max3A_530 : vector<16xi32>, vector<16xi1> -> vector<16xi32>
    %reduce_max3A_535 = arith.xori %reduce_max3A_534, %reduce_max3A_532 : vector<16xi32>
    %reduce_max3A_536 = vector.extract %reduce_max3A_535[15] : i32 from vector<16xi32>
    %lt3A_537 = arith.constant 14 : i32
    %lt3A_538 = arith.cmpi slt, %lt3A_537, %arg1 : i32
    %jit3A_539 = arith.constant 0 : i32
    %select_n3A_540 = arith.select %lt3A_538, %reduce_max3A_536, %jit3A_539 : i32
    %add3A_541 = arith.addi %add3A_523, %select_n3A_540 : i32
    %add3A_542 = arith.addi %add3A_524, %reduce_max3A_536 : i32
    %get3A_543 = arith.constant 15 : i32
    %get3A_544 = arith.index_cast %get3A_543 : i32 to index
    %get3A_545 = arith.constant 0 : index
    %get3A_546 = tpu.vector_load %arg32[%get3A_544, %get3A_545] {strides = array<i32>} : memref<16x16xi32, #tpu.memory_space<vmem>>, vector<16xi32>,
    %reduce_max3A_547 = arith.constant true
    %reduce_max3A_548 = vector.broadcast %reduce_max3A_547 : i1 to vector<16xi1>
    %reduce_max3A_549 = arith.constant -2147483648 : i32
    %reduce_max3A_550 = vector.broadcast %reduce_max3A_549 : i32 to vector<16xi32>
    %reduce_max3A_551 = arith.xori %get3A_546, %reduce_max3A_550 : vector<16xi32>
    %reduce_max3A_552 = tpu.scan <max>, %reduce_max3A_551 masked %reduce_max3A_548 : vector<16xi32>, vector<16xi1> -> vector<16xi32>
    %reduce_max3A_553 = arith.xori %reduce_max3A_552, %reduce_max3A_550 : vector<16xi32>
    %reduce_max3A_554 = vector.extract %reduce_max3A_553[15] : i32 from vector<16xi32>
    %lt3A_555 = arith.constant 15 : i32
    %lt3A_556 = arith.cmpi slt, %lt3A_555, %arg1 : i32
    %jit3A_557 = arith.constant 0 : i32
    %select_n3A_558 = arith.select %lt3A_556, %reduce_max3A_554, %jit3A_557 : i32
    %add3A_559 = arith.addi %add3A_541, %select_n3A_558 : i32
    %add3A_560 = arith.addi %add3A_542, %reduce_max3A_554 : i32
    %sub3A = arith.constant 16384 : i32
    %sub3A_561 = arith.subi %sub3A, %add3A_259 : i32
    %sub3A_562 = arith.constant 1 : i32
    %sub3A_563 = arith.subi %sub3A_561, %sub3A_562 : i32
    %jit3A_564 = arith.constant 0 : i32
    %max3A = arith.maxsi %jit3A_564, %add3A_560 : i32
    %min3A = arith.minsi %sub3A_563, %max3A : i32
    %scan3A_565 = arith.constant 0 : i32
    %scan3A_566 = arith.constant 16 : i32
    %scan3A_567 = arith.addi %scan3A_565, %scan3A_566 : i32
    %scan3A_568 = arith.constant 1 : i32
    %scan3A_569 = scf.for %scan3A_597 = %scan3A_565 to %scan3A_567 step %scan3A_568 iter_args(%scan3A_598 = %add3A_559) -> (i32)  : i32 {
      %mul3A_599 = arith.constant 16 : i32
      %mul3A_600 = arith.muli %scan3A_597, %mul3A_599 : i32
      %multiple_of3A = tpu.assume_multiple %mul3A_600, 16 : i32
      %get3A_601 = arith.index_cast %multiple_of3A : i32 to index
      %get3A_602 = tpu.vector_load %arg19[%get3A_601] {strides = array<i32>} : memref<256xi32, #tpu.memory_space<vmem>>, vector<16xi32>,
      %broadcast_in_dim3A_603 = arith.constant true
      %broadcast_in_dim3A_604 = vector.broadcast %broadcast_in_dim3A_603 : i1 to vector<16xi1>
      %masked_cumsum3A = tpu.scan <sum>, %get3A_602 masked %broadcast_in_dim3A_604 : vector<16xi32>, vector<16xi1> -> vector<16xi32>
      %add3A_605 = vector.broadcast %scan3A_598 : i32 to vector<16xi32>
      %add3A_606 = arith.addi %masked_cumsum3A, %add3A_605 : vector<16xi32>
      %add3A_607 = arith.addi %mul3A_2, %multiple_of3A : i32
      %add3A_608 = vector.broadcast %add3A_607 : i32 to vector<16xi32>
      %add3A_609 = arith.addi %add3A_608, %iota3A : vector<16xi32>
      %gt3A = arith.constant 0 : i32
      %gt3A_610 = vector.broadcast %gt3A : i32 to vector<16xi32>
      %gt3A_611 = arith.cmpi sgt, %get3A_602, %gt3A_610 : vector<16xi32>
      %le3A = vector.broadcast %min3A : i32 to vector<16xi32>
      %le3A_612 = arith.cmpi sle, %add3A_606, %le3A : vector<16xi32>
      %and3A = arith.andi %gt3A_611, %le3A_612 : vector<16xi1>
      %add3A_613 = vector.broadcast %add3A_259 : i32 to vector<16xi32>
      %add3A_614 = arith.addi %add3A_613, %add3A_606 : vector<16xi32>
      %sub3A_615 = arith.constant 1 : i32
      %sub3A_616 = vector.broadcast %sub3A_615 : i32 to vector<16xi32>
      %sub3A_617 = arith.subi %add3A_614, %sub3A_616 : vector<16xi32>
      %add3A_618 = arith.constant 16384 : i32
      %add3A_619 = arith.addi %add3A_618, %arg1 : i32
      %broadcast_in_dim3A_620 = vector.broadcast %add3A_619 : i32 to vector<16xi32>
      %select_n3A_621 = arith.select %and3A, %sub3A_617, %broadcast_in_dim3A_620 : vector<16xi1>, vector<16xi32>
      %swap3A_622 = arith.index_cast %multiple_of3A : i32 to index
      %swap3A_623 = tpu.vector_load %arg21[%swap3A_622] {strides = array<i32>} : memref<256xi32, #tpu.memory_space<vmem>>, vector<16xi32>,
      tpu.vector_store %arg21[%swap3A_622], %select_n3A_621 {strides = array<i32>} : memref<256xi32, #tpu.memory_space<vmem>>, vector<16xi32>,
      %add3A_624 = arith.addi %mul3A_2, %multiple_of3A : i32
      %multiple_of3A_625 = tpu.assume_multiple %add3A_624, 16 : i32
      %get3A_626 = arith.index_cast %multiple_of3A_625 : i32 to index
      %get3A_627 = tpu.vector_load %arg13[%get3A_626] {strides = array<i32>} : memref<4096xi32, #tpu.memory_space<vmem>>, vector<16xi32>,
      %add3A_628 = vector.broadcast %multiple_of3A : i32 to vector<16xi32>
      %add3A_629 = arith.addi %add3A_628, %iota3A : vector<16xi32>
      tpu.vector_store_idx %arg22[%add3A_629, %broadcast_in_dim3A_3], %add3A_609 : memref<256x16xi32, #tpu.memory_space<vmem>>[vector<16xi32>, vector<16xi32>], vector<16xi32>,
      tpu.vector_store_idx %arg23[%add3A_629, %broadcast_in_dim3A_3], %get3A_627 : memref<256x16xi32, #tpu.memory_space<vmem>>[vector<16xi32>, vector<16xi32>], vector<16xi32>,
      %reduce_sum3A = arith.constant true
      %reduce_sum3A_630 = vector.broadcast %reduce_sum3A : i1 to vector<16xi1>
      %reduce_sum3A_631 = tpu.scan <sum>, %get3A_602 masked %reduce_sum3A_630 : vector<16xi32>, vector<16xi1> -> vector<16xi32>
      %reduce_sum3A_632 = vector.extract %reduce_sum3A_631[15] : i32 from vector<16xi32>
      %add3A_633 = arith.addi %scan3A_598, %reduce_sum3A_632 : i32
      scf.yield %add3A_633 : i32
    }
    %scan3A_570 = arith.constant 16 : i32
    %dma_start3A = arith.constant 0 : i32
    %dma_start3A_571 = arith.constant 0 : i32
    %dma_start3A_572 = tpu.memref_slice %arg36[%dma_start3A, %dma_start3A_571] : memref<16400x16xi32, #tpu.memory_space<vmem_shared>> -> memref<16400x16xi32, #tpu.memory_space<vmem_shared>>
    tpu.enqueue_indirect_dma source(%arg22 : memref<256x16xi32, #tpu.memory_space<vmem>>) target(%dma_start3A_572 : memref<16400x16xi32, #tpu.memory_space<vmem_shared>>) offsets(%arg21 : memref<256xi32, #tpu.memory_space<vmem>>) semaphore(%arg38 : memref<!tpu.dma_semaphore, #tpu.memory_space<semaphore_mem>>)
    %dma_wait3A = arith.constant 0 : i32
    %dma_wait3A_573 = arith.constant 0 : i32
    %dma_wait3A_574 = tpu.memref_slice %arg36[%dma_wait3A, %dma_wait3A_573] : memref<16400x16xi32, #tpu.memory_space<vmem_shared>> -> memref<16400x16xi32, #tpu.memory_space<vmem_shared>>
    tpu.wait_indirect_dma semaphore(%arg38 : memref<!tpu.dma_semaphore, #tpu.memory_space<semaphore_mem>>) src(%arg22 : memref<256x16xi32, #tpu.memory_space<vmem>>) dst(%dma_wait3A_574 : memref<16400x16xi32, #tpu.memory_space<vmem_shared>>)
    %dma_start3A_575 = arith.constant 0 : i32
    %dma_start3A_576 = arith.constant 0 : i32
    %dma_start3A_577 = tpu.memref_slice %arg37[%dma_start3A_575, %dma_start3A_576] : memref<16400x16xi32, #tpu.memory_space<vmem_shared>> -> memref<16400x16xi32, #tpu.memory_space<vmem_shared>>
    tpu.enqueue_indirect_dma source(%arg23 : memref<256x16xi32, #tpu.memory_space<vmem>>) target(%dma_start3A_577 : memref<16400x16xi32, #tpu.memory_space<vmem_shared>>) offsets(%arg21 : memref<256xi32, #tpu.memory_space<vmem>>) semaphore(%arg38 : memref<!tpu.dma_semaphore, #tpu.memory_space<semaphore_mem>>)
    %dma_wait3A_578 = arith.constant 0 : i32
    %dma_wait3A_579 = arith.constant 0 : i32
    %dma_wait3A_580 = tpu.memref_slice %arg37[%dma_wait3A_578, %dma_wait3A_579] : memref<16400x16xi32, #tpu.memory_space<vmem_shared>> -> memref<16400x16xi32, #tpu.memory_space<vmem_shared>>
    tpu.wait_indirect_dma semaphore(%arg38 : memref<!tpu.dma_semaphore, #tpu.memory_space<semaphore_mem>>) src(%arg23 : memref<256x16xi32, #tpu.memory_space<vmem>>) dst(%dma_wait3A_580 : memref<16400x16xi32, #tpu.memory_space<vmem_shared>>)
    %barrier3A_581 = arith.constant 0 : index
    tpu.barrier barrier_id(%barrier3A_581)
    "tpu.region"() ({
      %run_scoped3A_597 = tpu.sem_alloc : memref<!tpu.dma_semaphore, #tpu.memory_space<semaphore_mem>>
      %dma_start3A_598 = arith.constant 0 : i32
      %dma_start3A_599 = tpu.memref_slice %arg36[%mul3A_0, %dma_start3A_598] : memref<16400x16xi32, #tpu.memory_space<vmem_shared>> -> memref<1024x16xi32, #tpu.memory_space<vmem_shared>>
      %dma_start3A_600 = arith.constant 0 : i32
      %dma_start3A_601 = tpu.memref_slice %arg36[%mul3A_0, %dma_start3A_600] : memref<16400x16xi32, #tpu.memory_space<vmem_shared>> -> memref<1024x16xi32, #tpu.memory_space<vmem_shared>>
      tpu.enqueue_dma source(%dma_start3A_601 : memref<1024x16xi32, #tpu.memory_space<vmem_shared>>) target(%arg24 : memref<1024x16xi32, #tpu.memory_space<vmem>>) target_semaphore(%run_scoped3A_597 : memref<!tpu.dma_semaphore, #tpu.memory_space<semaphore_mem>>)
      %dma_wait3A_602 = arith.constant 0 : i32
      %dma_wait3A_603 = tpu.memref_slice %arg36[%mul3A_0, %dma_wait3A_602] : memref<16400x16xi32, #tpu.memory_space<vmem_shared>> -> memref<1024x16xi32, #tpu.memory_space<vmem_shared>>
      %dma_wait3A_604 = arith.constant 0 : i32
      %dma_wait3A_605 = tpu.memref_slice %arg36[%mul3A_0, %dma_wait3A_604] : memref<16400x16xi32, #tpu.memory_space<vmem_shared>> -> memref<1024x16xi32, #tpu.memory_space<vmem_shared>>
      tpu.wait_dma2 semaphore(%run_scoped3A_597 : memref<!tpu.dma_semaphore, #tpu.memory_space<semaphore_mem>>) src(%dma_wait3A_605 : memref<1024x16xi32, #tpu.memory_space<vmem_shared>>) dst(%arg24 : memref<1024x16xi32, #tpu.memory_space<vmem>>)
      tpu.yield
    }) : () -> ()
    "tpu.region"() ({
      %run_scoped3A_597 = tpu.sem_alloc : memref<!tpu.dma_semaphore, #tpu.memory_space<semaphore_mem>>
      %dma_start3A_598 = arith.constant 0 : i32
      %dma_start3A_599 = tpu.memref_slice %arg37[%mul3A_0, %dma_start3A_598] : memref<16400x16xi32, #tpu.memory_space<vmem_shared>> -> memref<1024x16xi32, #tpu.memory_space<vmem_shared>>
      %dma_start3A_600 = arith.constant 0 : i32
      %dma_start3A_601 = tpu.memref_slice %arg37[%mul3A_0, %dma_start3A_600] : memref<16400x16xi32, #tpu.memory_space<vmem_shared>> -> memref<1024x16xi32, #tpu.memory_space<vmem_shared>>
      tpu.enqueue_dma source(%dma_start3A_601 : memref<1024x16xi32, #tpu.memory_space<vmem_shared>>) target(%arg25 : memref<1024x16xi32, #tpu.memory_space<vmem>>) target_semaphore(%run_scoped3A_597 : memref<!tpu.dma_semaphore, #tpu.memory_space<semaphore_mem>>)
      %dma_wait3A_602 = arith.constant 0 : i32
      %dma_wait3A_603 = tpu.memref_slice %arg37[%mul3A_0, %dma_wait3A_602] : memref<16400x16xi32, #tpu.memory_space<vmem_shared>> -> memref<1024x16xi32, #tpu.memory_space<vmem_shared>>
      %dma_wait3A_604 = arith.constant 0 : i32
      %dma_wait3A_605 = tpu.memref_slice %arg37[%mul3A_0, %dma_wait3A_604] : memref<16400x16xi32, #tpu.memory_space<vmem_shared>> -> memref<1024x16xi32, #tpu.memory_space<vmem_shared>>
      tpu.wait_dma2 semaphore(%run_scoped3A_597 : memref<!tpu.dma_semaphore, #tpu.memory_space<semaphore_mem>>) src(%dma_wait3A_605 : memref<1024x16xi32, #tpu.memory_space<vmem_shared>>) dst(%arg25 : memref<1024x16xi32, #tpu.memory_space<vmem>>)
      tpu.yield
    }) : () -> ()
    %add3A_582 = arith.addi %add3A_259, %min3A : i32
    %scan3A_583 = arith.constant 0 : i32
    %scan3A_584 = arith.constant 0 : i32
    %scan3A_585 = arith.constant 64 : i32
    %scan3A_586 = arith.addi %scan3A_584, %scan3A_585 : i32
    %scan3A_587 = arith.constant 1 : i32
    scf.for %scan3A_597 = %scan3A_584 to %scan3A_586 step %scan3A_587  : i32 {
      %mul3A_598 = arith.constant 16 : i32
      %mul3A_599 = arith.muli %scan3A_597, %mul3A_598 : i32
      %multiple_of3A = tpu.assume_multiple %mul3A_599, 16 : i32
      %add3A_600 = arith.addi %mul3A_0, %multiple_of3A : i32
      %add3A_601 = vector.broadcast %add3A_600 : i32 to vector<16xi32>
      %add3A_602 = arith.addi %add3A_601, %iota3A : vector<16xi32>
      %add3A_603 = vector.broadcast %multiple_of3A : i32 to vector<16xi32>
      %add3A_604 = arith.addi %add3A_603, %iota3A : vector<16xi32>
      %gather3A = tpu.vector_load_idx %arg24[%add3A_604, %broadcast_in_dim3A_3] : memref<1024x16xi32, #tpu.memory_space<vmem>>[vector<16xi32>, vector<16xi32>], vector<16xi32>,
      %gather3A_605 = tpu.vector_load_idx %arg25[%add3A_604, %broadcast_in_dim3A_3] : memref<1024x16xi32, #tpu.memory_space<vmem>>[vector<16xi32>, vector<16xi32>], vector<16xi32>,
      %get3A_606 = arith.index_cast %multiple_of3A : i32 to index
      %get3A_607 = tpu.vector_load %arg15[%get3A_606] {strides = array<i32>} : memref<1024xi32, #tpu.memory_space<vmem>>, vector<16xi32>,
      %get3A_608 = arith.index_cast %multiple_of3A : i32 to index
      %get3A_609 = tpu.vector_load %arg16[%get3A_608] {strides = array<i32>} : memref<1024xi32, #tpu.memory_space<vmem>>, vector<16xi32>,
      %ge3A = vector.broadcast %add3A_259 : i32 to vector<16xi32>
      %ge3A_610 = arith.cmpi sge, %add3A_602, %ge3A : vector<16xi32>
      %lt3A_611 = vector.broadcast %add3A_582 : i32 to vector<16xi32>
      %lt3A_612 = arith.cmpi slt, %add3A_602, %lt3A_611 : vector<16xi32>
      %and3A = arith.andi %ge3A_610, %lt3A_612 : vector<16xi1>
      %lt3A_613 = vector.broadcast %add3A_259 : i32 to vector<16xi32>
      %lt3A_614 = arith.cmpi slt, %add3A_602, %lt3A_613 : vector<16xi32>
      %jit3A_615 = arith.constant 4095 : i32
      %broadcast_in_dim3A_616 = vector.broadcast %jit3A_615 : i32 to vector<16xi32>
      %select_n3A_617 = arith.select %and3A, %gather3A, %broadcast_in_dim3A_616 : vector<16xi1>, vector<16xi32>
      %select_n3A_618 = arith.select %lt3A_614, %get3A_607, %select_n3A_617 : vector<16xi1>, vector<16xi32>
      %lt3A_619 = vector.broadcast %add3A_259 : i32 to vector<16xi32>
      %lt3A_620 = arith.cmpi slt, %add3A_602, %lt3A_619 : vector<16xi32>
      %jit3A_621 = arith.constant 4095 : i32
      %broadcast_in_dim3A_622 = vector.broadcast %jit3A_621 : i32 to vector<16xi32>
      %select_n3A_623 = arith.select %and3A, %gather3A_605, %broadcast_in_dim3A_622 : vector<16xi1>, vector<16xi32>
      %select_n3A_624 = arith.select %lt3A_620, %get3A_609, %select_n3A_623 : vector<16xi1>, vector<16xi32>
      %lt3A_625 = vector.broadcast %add3A_582 : i32 to vector<16xi32>
      %lt3A_626 = arith.cmpi slt, %add3A_602, %lt3A_625 : vector<16xi32>
      %ne3A = arith.constant 16383 : i32
      %ne3A_627 = vector.broadcast %ne3A : i32 to vector<16xi32>
      %ne3A_628 = arith.cmpi ne, %add3A_602, %ne3A_627 : vector<16xi32>
      %and3A_629 = arith.andi %lt3A_626, %ne3A_628 : vector<16xi1>
      %jit3A_630 = arith.constant 1.000000e+00 : f32
      %jit3A_631 = arith.constant 0.000000e+00 : f32
      %broadcast_in_dim3A_632 = vector.broadcast %jit3A_630 : f32 to vector<16xf32>
      %broadcast_in_dim3A_633 = vector.broadcast %jit3A_631 : f32 to vector<16xf32>
      %select_n3A_634 = arith.select %and3A_629, %broadcast_in_dim3A_632, %broadcast_in_dim3A_633 : vector<16xi1>, vector<16xf32>
      %swap3A_635 = arith.index_cast %multiple_of3A : i32 to index
      %swap3A_636 = tpu.vector_load %arg28[%swap3A_635] {strides = array<i32>} : memref<1024xi32, #tpu.memory_space<vmem>>, vector<16xi32>,
      tpu.vector_store %arg28[%swap3A_635], %select_n3A_618 {strides = array<i32>} : memref<1024xi32, #tpu.memory_space<vmem>>, vector<16xi32>,
      %swap3A_637 = arith.index_cast %multiple_of3A : i32 to index
      %swap3A_638 = tpu.vector_load %arg29[%swap3A_637] {strides = array<i32>} : memref<1024xi32, #tpu.memory_space<vmem>>, vector<16xi32>,
      tpu.vector_store %arg29[%swap3A_637], %select_n3A_624 {strides = array<i32>} : memref<1024xi32, #tpu.memory_space<vmem>>, vector<16xi32>,
      %swap3A_639 = arith.index_cast %multiple_of3A : i32 to index
      %swap3A_640 = tpu.vector_load %arg30[%swap3A_639] {strides = array<i32>} : memref<1024xf32, #tpu.memory_space<vmem>>, vector<16xf32>,
      tpu.vector_store %arg30[%swap3A_639], %select_n3A_634 {strides = array<i32>} : memref<1024xf32, #tpu.memory_space<vmem>>, vector<16xf32>,
    }
    %scan3A_588 = arith.constant 64 : i32
    "tpu.region"() ({
      %run_scoped3A_597 = tpu.sem_alloc : memref<!tpu.dma_semaphore, #tpu.memory_space<semaphore_mem>>
      %dma_start3A_598 = tpu.memref_slice %arg10[%mul3A_0] : memref<16384xi32, #tpu.memory_space<hbm>> -> memref<1024xi32, #tpu.memory_space<hbm>>
      %dma_start3A_599 = tpu.memref_slice %arg10[%mul3A_0] : memref<16384xi32, #tpu.memory_space<hbm>> -> memref<1024xi32, #tpu.memory_space<hbm>>
      tpu.enqueue_dma source(%arg28 : memref<1024xi32, #tpu.memory_space<vmem>>) target(%dma_start3A_599 : memref<1024xi32, #tpu.memory_space<hbm>>) target_semaphore(%run_scoped3A_597 : memref<!tpu.dma_semaphore, #tpu.memory_space<semaphore_mem>>)
      %dma_wait3A_600 = tpu.memref_slice %arg10[%mul3A_0] : memref<16384xi32, #tpu.memory_space<hbm>> -> memref<1024xi32, #tpu.memory_space<hbm>>
      %dma_wait3A_601 = tpu.memref_slice %arg10[%mul3A_0] : memref<16384xi32, #tpu.memory_space<hbm>> -> memref<1024xi32, #tpu.memory_space<hbm>>
      tpu.wait_dma2 semaphore(%run_scoped3A_597 : memref<!tpu.dma_semaphore, #tpu.memory_space<semaphore_mem>>) src(%arg28 : memref<1024xi32, #tpu.memory_space<vmem>>) dst(%dma_wait3A_601 : memref<1024xi32, #tpu.memory_space<hbm>>)
      tpu.yield
    }) : () -> ()
    "tpu.region"() ({
      %run_scoped3A_597 = tpu.sem_alloc : memref<!tpu.dma_semaphore, #tpu.memory_space<semaphore_mem>>
      %dma_start3A_598 = tpu.memref_slice %arg11[%mul3A_0] : memref<16384xi32, #tpu.memory_space<hbm>> -> memref<1024xi32, #tpu.memory_space<hbm>>
      %dma_start3A_599 = tpu.memref_slice %arg11[%mul3A_0] : memref<16384xi32, #tpu.memory_space<hbm>> -> memref<1024xi32, #tpu.memory_space<hbm>>
      tpu.enqueue_dma source(%arg29 : memref<1024xi32, #tpu.memory_space<vmem>>) target(%dma_start3A_599 : memref<1024xi32, #tpu.memory_space<hbm>>) target_semaphore(%run_scoped3A_597 : memref<!tpu.dma_semaphore, #tpu.memory_space<semaphore_mem>>)
      %dma_wait3A_600 = tpu.memref_slice %arg11[%mul3A_0] : memref<16384xi32, #tpu.memory_space<hbm>> -> memref<1024xi32, #tpu.memory_space<hbm>>
      %dma_wait3A_601 = tpu.memref_slice %arg11[%mul3A_0] : memref<16384xi32, #tpu.memory_space<hbm>> -> memref<1024xi32, #tpu.memory_space<hbm>>
      tpu.wait_dma2 semaphore(%run_scoped3A_597 : memref<!tpu.dma_semaphore, #tpu.memory_space<semaphore_mem>>) src(%arg29 : memref<1024xi32, #tpu.memory_space<vmem>>) dst(%dma_wait3A_601 : memref<1024xi32, #tpu.memory_space<hbm>>)
      tpu.yield
    }) : () -> ()
    "tpu.region"() ({
      %run_scoped3A_597 = tpu.sem_alloc : memref<!tpu.dma_semaphore, #tpu.memory_space<semaphore_mem>>
      %dma_start3A_598 = tpu.memref_slice %arg12[%mul3A_0] : memref<16384xf32, #tpu.memory_space<hbm>> -> memref<1024xf32, #tpu.memory_space<hbm>>
      %dma_start3A_599 = tpu.memref_slice %arg12[%mul3A_0] : memref<16384xf32, #tpu.memory_space<hbm>> -> memref<1024xf32, #tpu.memory_space<hbm>>
      tpu.enqueue_dma source(%arg30 : memref<1024xf32, #tpu.memory_space<vmem>>) target(%dma_start3A_599 : memref<1024xf32, #tpu.memory_space<hbm>>) target_semaphore(%run_scoped3A_597 : memref<!tpu.dma_semaphore, #tpu.memory_space<semaphore_mem>>)
      %dma_wait3A_600 = tpu.memref_slice %arg12[%mul3A_0] : memref<16384xf32, #tpu.memory_space<hbm>> -> memref<1024xf32, #tpu.memory_space<hbm>>
      %dma_wait3A_601 = tpu.memref_slice %arg12[%mul3A_0] : memref<16384xf32, #tpu.memory_space<hbm>> -> memref<1024xf32, #tpu.memory_space<hbm>>
      tpu.wait_dma2 semaphore(%run_scoped3A_597 : memref<!tpu.dma_semaphore, #tpu.memory_space<semaphore_mem>>) src(%arg30 : memref<1024xf32, #tpu.memory_space<vmem>>) dst(%dma_wait3A_601 : memref<1024xf32, #tpu.memory_space<hbm>>)
      tpu.yield
    }) : () -> ()
    %mul3A_589 = arith.constant 16 : i32
    %mul3A_590 = arith.muli %mul3A_0, %mul3A_589 : i32
    "tpu.region"() ({
      %run_scoped3A_597 = tpu.sem_alloc : memref<!tpu.dma_semaphore, #tpu.memory_space<semaphore_mem>>
      %dma_start3A_598 = tpu.memref_slice %arg7[%mul3A_590] : memref<262144xf32, #tpu.memory_space<hbm>> -> memref<16384xf32, #tpu.memory_space<hbm>>
      %dma_start3A_599 = tpu.memref_slice %arg7[%mul3A_590] : memref<262144xf32, #tpu.memory_space<hbm>> -> memref<16384xf32, #tpu.memory_space<hbm>>
      tpu.enqueue_dma source(%dma_start3A_599 : memref<16384xf32, #tpu.memory_space<hbm>>) target(%arg26 : memref<16384xf32, #tpu.memory_space<vmem>>) target_semaphore(%run_scoped3A_597 : memref<!tpu.dma_semaphore, #tpu.memory_space<semaphore_mem>>)
      %dma_wait3A_600 = tpu.memref_slice %arg7[%mul3A_590] : memref<262144xf32, #tpu.memory_space<hbm>> -> memref<16384xf32, #tpu.memory_space<hbm>>
      %dma_wait3A_601 = tpu.memref_slice %arg7[%mul3A_590] : memref<262144xf32, #tpu.memory_space<hbm>> -> memref<16384xf32, #tpu.memory_space<hbm>>
      tpu.wait_dma2 semaphore(%run_scoped3A_597 : memref<!tpu.dma_semaphore, #tpu.memory_space<semaphore_mem>>) src(%dma_wait3A_601 : memref<16384xf32, #tpu.memory_space<hbm>>) dst(%arg26 : memref<16384xf32, #tpu.memory_space<vmem>>)
      tpu.yield
    }) : () -> ()
    "tpu.region"() ({
      %run_scoped3A_597 = tpu.sem_alloc : memref<!tpu.dma_semaphore, #tpu.memory_space<semaphore_mem>>
      %dma_start3A_598 = tpu.memref_slice %arg8[%mul3A_590] : memref<262144xf32, #tpu.memory_space<hbm>> -> memref<16384xf32, #tpu.memory_space<hbm>>
      %dma_start3A_599 = tpu.memref_slice %arg8[%mul3A_590] : memref<262144xf32, #tpu.memory_space<hbm>> -> memref<16384xf32, #tpu.memory_space<hbm>>
      tpu.enqueue_dma source(%dma_start3A_599 : memref<16384xf32, #tpu.memory_space<hbm>>) target(%arg27 : memref<16384xf32, #tpu.memory_space<vmem>>) target_semaphore(%run_scoped3A_597 : memref<!tpu.dma_semaphore, #tpu.memory_space<semaphore_mem>>)
      %dma_wait3A_600 = tpu.memref_slice %arg8[%mul3A_590] : memref<262144xf32, #tpu.memory_space<hbm>> -> memref<16384xf32, #tpu.memory_space<hbm>>
      %dma_wait3A_601 = tpu.memref_slice %arg8[%mul3A_590] : memref<262144xf32, #tpu.memory_space<hbm>> -> memref<16384xf32, #tpu.memory_space<hbm>>
      tpu.wait_dma2 semaphore(%run_scoped3A_597 : memref<!tpu.dma_semaphore, #tpu.memory_space<semaphore_mem>>) src(%dma_wait3A_601 : memref<16384xf32, #tpu.memory_space<hbm>>) dst(%arg27 : memref<16384xf32, #tpu.memory_space<vmem>>)
      tpu.yield
    }) : () -> ()
    %scan3A_591 = arith.constant 0 : i32
    %scan3A_592 = arith.constant 0 : i32
    %scan3A_593 = arith.constant 1024 : i32
    %scan3A_594 = arith.addi %scan3A_592, %scan3A_593 : i32
    %scan3A_595 = arith.constant 1 : i32
    scf.for %scan3A_597 = %scan3A_592 to %scan3A_594 step %scan3A_595  : i32 {
      %add3A_598 = arith.addi %mul3A_0, %scan3A_597 : i32
      %ge3A = arith.cmpi sge, %add3A_598, %add3A_259 : i32
      %lt3A_599 = arith.cmpi slt, %add3A_598, %add3A_582 : i32
      %and3A = arith.andi %ge3A, %lt3A_599 : i1
      %jit3A_600 = arith.constant 1.000000e+00 : f32
      %jit3A_601 = arith.constant 0.000000e+00 : f32
      %select_n3A_602 = arith.select %and3A, %jit3A_600, %jit3A_601 : f32
      %mul3A_603 = arith.constant 16 : i32
      %mul3A_604 = arith.muli %scan3A_597, %mul3A_603 : i32
      %multiple_of3A = tpu.assume_multiple %mul3A_604, 16 : i32
      %get3A_605 = arith.index_cast %multiple_of3A : i32 to index
      %get3A_606 = tpu.vector_load %arg26[%get3A_605] {strides = array<i32>} : memref<16384xf32, #tpu.memory_space<vmem>>, vector<16xf32>,
      %get3A_607 = arith.index_cast %multiple_of3A : i32 to index
      %get3A_608 = tpu.vector_load %arg27[%get3A_607] {strides = array<i32>} : memref<16384xf32, #tpu.memory_space<vmem>>, vector<16xf32>,
      %mul3A_609 = vector.broadcast %select_n3A_602 : f32 to vector<16xf32>
      %mul3A_610 = arith.mulf %get3A_608, %mul3A_609 : vector<16xf32>
      %add3A_611 = arith.addf %get3A_606, %mul3A_610 : vector<16xf32>
      %swap3A_612 = arith.index_cast %multiple_of3A : i32 to index
      %swap3A_613 = tpu.vector_load %arg26[%swap3A_612] {strides = array<i32>} : memref<16384xf32, #tpu.memory_space<vmem>>, vector<16xf32>,
      tpu.vector_store %arg26[%swap3A_612], %add3A_611 {strides = array<i32>} : memref<16384xf32, #tpu.memory_space<vmem>>, vector<16xf32>,
    }
    %scan3A_596 = arith.constant 1024 : i32
    "tpu.region"() ({
      %run_scoped3A_597 = tpu.sem_alloc : memref<!tpu.dma_semaphore, #tpu.memory_space<semaphore_mem>>
      %dma_start3A_598 = tpu.memref_slice %arg9[%mul3A_590] : memref<262144xf32, #tpu.memory_space<hbm>> -> memref<16384xf32, #tpu.memory_space<hbm>>
      %dma_start3A_599 = tpu.memref_slice %arg9[%mul3A_590] : memref<262144xf32, #tpu.memory_space<hbm>> -> memref<16384xf32, #tpu.memory_space<hbm>>
      tpu.enqueue_dma source(%arg26 : memref<16384xf32, #tpu.memory_space<vmem>>) target(%dma_start3A_599 : memref<16384xf32, #tpu.memory_space<hbm>>) target_semaphore(%run_scoped3A_597 : memref<!tpu.dma_semaphore, #tpu.memory_space<semaphore_mem>>)
      %dma_wait3A_600 = tpu.memref_slice %arg9[%mul3A_590] : memref<262144xf32, #tpu.memory_space<hbm>> -> memref<16384xf32, #tpu.memory_space<hbm>>
      %dma_wait3A_601 = tpu.memref_slice %arg9[%mul3A_590] : memref<262144xf32, #tpu.memory_space<hbm>> -> memref<16384xf32, #tpu.memory_space<hbm>>
      tpu.wait_dma2 semaphore(%run_scoped3A_597 : memref<!tpu.dma_semaphore, #tpu.memory_space<semaphore_mem>>) src(%arg26 : memref<16384xf32, #tpu.memory_space<vmem>>) dst(%dma_wait3A_601 : memref<16384xf32, #tpu.memory_space<hbm>>)
      tpu.yield
    }) : () -> ()
    return
  }
}

module attributes {stable_mosaic.version = 14 : i64} {
  func.func @_scores_body(%arg0: i32, %arg1: memref<4096x128xf32, #tpu.memory_space<vmem>>, %arg2: memref<256x128xf32, #tpu.memory_space<vmem>>, %arg3: memref<128x128xf32, #tpu.memory_space<vmem>>, %arg4: memref<1x128xf32, #tpu.memory_space<vmem>>, %arg5: memref<1x4096xf32, #tpu.memory_space<vmem>>, %arg6: memref<1x4096xf32, #tpu.memory_space<vmem>>, %arg7: memref<1x128xf32, #tpu.memory_space<vmem>>, %arg8: memref<1x1xf32, #tpu.memory_space<vmem>>, %arg9: memref<1x256xf32, #tpu.memory_space<vmem>>, %arg10: memref<256x1xi32, #tpu.memory_space<vmem>>, %arg11: memref<1x256xf32, #tpu.memory_space<vmem>>, %arg12: memref<1x8x2048xf32, #tpu.memory_space<vmem>>) attributes {dimension_semantics = [#tpu.dimension_semantics<parallel>], iteration_bounds = array<i64: 16>, scalar_prefetch = 0 : i64, scratch_operands = 0 : i64, tpu.core_type = #tpu.core_type<tc>, window_params = [{pipeline_mode = #tpu.pipeline_mode<synchronous>, transform_indices = @transform_0, window_bounds = array<i64: 4096, 128>}, {transform_indices = @transform_1, window_bounds = array<i64: 256, 128>}, {pipeline_mode = #tpu.pipeline_mode<synchronous>, transform_indices = @transform_2, window_bounds = array<i64: 128, 128>}, {pipeline_mode = #tpu.pipeline_mode<synchronous>, transform_indices = @transform_3, window_bounds = array<i64: 1, 128>}, {pipeline_mode = #tpu.pipeline_mode<synchronous>, transform_indices = @transform_4, window_bounds = array<i64: 1, 4096>}, {pipeline_mode = #tpu.pipeline_mode<synchronous>, transform_indices = @transform_5, window_bounds = array<i64: 1, 4096>}, {pipeline_mode = #tpu.pipeline_mode<synchronous>, transform_indices = @transform_6, window_bounds = array<i64: 1, 128>}, {pipeline_mode = #tpu.pipeline_mode<synchronous>, transform_indices = @transform_7, window_bounds = array<i64: 1, 1>}, {transform_indices = @transform_8, window_bounds = array<i64: 1, 256>}, {transform_indices = @transform_9, window_bounds = array<i64: 256, 1>}, {transform_indices = @transform_10, window_bounds = array<i64: 1, 256>}, {transform_indices = @transform_11, window_bounds = array<i64: 1, 8, 2048>}]} {
    %get3A = arith.constant 0 : index
    %get3A_0 = arith.constant 0 : index
    %get3A_1 = vector.load %arg2[%get3A, %get3A_0] : memref<256x128xf32, #tpu.memory_space<vmem>>, vector<256x128xf32>
    %get3A_2 = arith.constant 0 : index
    %get3A_3 = arith.constant 0 : index
    %get3A_4 = vector.load %arg3[%get3A_2, %get3A_3] : memref<128x128xf32, #tpu.memory_space<vmem>>, vector<128x128xf32>
    %dot_general3A = arith.constant dense<0.000000e+00> : vector<256x128xf32>
    %dot_general3A_5 = tpu.matmul %get3A_1, %get3A_4, %dot_general3A {dimension_numbers = #tpu.dot_dimension_numbers<[1], [1], [0], [0], [0, 0, 1, 0], [], []>, transpose_lhs_hint = false} : vector<256x128xf32>, vector<128x128xf32>, vector<256x128xf32> -> vector<256x128xf32>
    %get3A_6 = arith.constant 0 : index
    %get3A_7 = arith.constant 0 : index
    %get3A_8 = vector.load %arg4[%get3A_6, %get3A_7] : memref<1x128xf32, #tpu.memory_space<vmem>>, vector<1x128xf32>
    %add3A = vector.broadcast %get3A_8 : vector<1x128xf32> to vector<256x128xf32>
    %add3A_9 = arith.addf %dot_general3A_5, %add3A : vector<256x128xf32>
    %get3A_10 = arith.constant 0 : index
    %get3A_11 = arith.constant 0 : index
    %get3A_12 = vector.load %arg1[%get3A_10, %get3A_11] : memref<4096x128xf32, #tpu.memory_space<vmem>>, vector<4096x128xf32>
    %dot_general3A_13 = arith.constant dense<0.000000e+00> : vector<256x4096xf32>
    %dot_general3A_14 = tpu.matmul %add3A_9, %get3A_12, %dot_general3A_13 {dimension_numbers = #tpu.dot_dimension_numbers<[1], [1], [0], [0], [0, 0, 1, 0], [], []>, transpose_lhs_hint = false} : vector<256x128xf32>, vector<4096x128xf32>, vector<256x4096xf32> -> vector<256x4096xf32>
    %mul3A = arith.mulf %add3A_9, %add3A_9 : vector<256x128xf32>
    %reduce_sum3A = arith.constant dense<0.000000e+00> : vector<256xf32>
    %reduce_sum3A_15 = vector.multi_reduction <add>, %mul3A, %reduce_sum3A [1] : vector<256x128xf32> to vector<256xf32>
    %broadcast_in_dim3A = vector.shape_cast %reduce_sum3A_15 : vector<256xf32> to vector<256x1xf32>
    %get3A_16 = arith.constant 0 : index
    %get3A_17 = arith.constant 0 : index
    %get3A_18 = vector.load %arg6[%get3A_16, %get3A_17] : memref<1x4096xf32, #tpu.memory_space<vmem>>, vector<1x4096xf32>
    %mul3A_19 = vector.broadcast %broadcast_in_dim3A : vector<256x1xf32> to vector<256x4096xf32>
    %mul3A_20 = vector.broadcast %get3A_18 : vector<1x4096xf32> to vector<256x4096xf32>
    %mul3A_21 = arith.mulf %mul3A_19, %mul3A_20 : vector<256x4096xf32>
    %sqrt3A = math.sqrt %mul3A_21 : vector<256x4096xf32>
    %add3A_22 = arith.constant 9.99999993E-9 : f32
    %add3A_23 = vector.broadcast %add3A_22 : f32 to vector<256x4096xf32>
    %add3A_24 = arith.addf %sqrt3A, %add3A_23 : vector<256x4096xf32>
    %div3A = arith.divf %dot_general3A_14, %add3A_24 : vector<256x4096xf32>
    %jit3A = arith.constant -1.000000e+04 : f32
    %jit3A_25 = arith.constant 1.000000e+04 : f32
    %max3A = vector.broadcast %jit3A : f32 to vector<256x4096xf32>
    %max3A_26 = arith.maximumf %max3A, %div3A : vector<256x4096xf32>
    %min3A = vector.broadcast %jit3A_25 : f32 to vector<256x4096xf32>
    %min3A_27 = arith.minimumf %min3A, %max3A_26 : vector<256x4096xf32>
    %get3A_28 = arith.constant 0 : index
    %get3A_29 = arith.constant 0 : index
    %get3A_30 = vector.load %arg5[%get3A_28, %get3A_29] : memref<1x4096xf32, #tpu.memory_space<vmem>>, vector<1x4096xf32>
    %gt3A = arith.constant 0.000000e+00 : f32
    %gt3A_31 = vector.broadcast %gt3A : f32 to vector<1x4096xf32>
    %gt3A_32 = arith.cmpf ogt, %get3A_30, %gt3A_31 : vector<1x4096xf32>
    %jit3A_33 = arith.constant -1.000000e+10 : f32
    %broadcast_in_dim3A_34 = vector.shape_cast %gt3A_32 : vector<1x4096xi1> to vector<1x4096xi1>
    %broadcast_in_dim3A_35 = vector.broadcast %broadcast_in_dim3A_34 : vector<1x4096xi1> to vector<256x4096xi1>
    %broadcast_in_dim3A_36 = vector.broadcast %jit3A_33 : f32 to vector<256x4096xf32>
    %select_n3A = arith.select %broadcast_in_dim3A_35, %min3A_27, %broadcast_in_dim3A_36 : vector<256x4096xi1>, vector<256x4096xf32>
    %iota3A = tpu.iota {dimensions = array<i32: 1>} : vector<256x4096xi32>
    %iota3A_37 = tpu.iota {dimensions = array<i32: 0>} : vector<256x4096xi32>
    %mul3A_38 = arith.constant 256 : i32
    %mul3A_39 = arith.muli %arg0, %mul3A_38 : i32
    %add3A_40 = vector.broadcast %mul3A_39 : i32 to vector<256x4096xi32>
    %add3A_41 = arith.addi %iota3A_37, %add3A_40 : vector<256x4096xi32>
    %eq3A = arith.cmpi eq, %add3A_41, %iota3A : vector<256x4096xi32>
    %jit3A_42 = arith.constant -1.000000e+10 : f32
    %broadcast_in_dim3A_43 = vector.broadcast %jit3A_42 : f32 to vector<256x4096xf32>
    %select_n3A_44 = arith.select %eq3A, %broadcast_in_dim3A_43, %select_n3A : vector<256x4096xi1>, vector<256x4096xf32>
    %mul3A_45 = arith.constant 4096 : i32
    %mul3A_46 = vector.broadcast %mul3A_45 : i32 to vector<256x4096xi32>
    %mul3A_47 = arith.muli %add3A_41, %mul3A_46 : vector<256x4096xi32>
    %add3A_48 = arith.addi %mul3A_47, %iota3A : vector<256x4096xi32>
    %broadcast_in_dim3A_49 = arith.constant 0 : i32
    %broadcast_in_dim3A_50 = vector.broadcast %broadcast_in_dim3A_49 : i32 to vector<256x4096xi32>
    %add3A_51 = arith.constant -1829035798 : i32
    %add3A_52 = vector.broadcast %add3A_51 : i32 to vector<256x4096xi32>
    %add3A_53 = arith.addi %broadcast_in_dim3A_50, %add3A_52 : vector<256x4096xi32>
    %add3A_54 = arith.constant 255383827 : i32
    %add3A_55 = vector.broadcast %add3A_54 : i32 to vector<256x4096xi32>
    %add3A_56 = arith.addi %add3A_48, %add3A_55 : vector<256x4096xi32>
    %add3A_57 = arith.addi %add3A_53, %add3A_56 : vector<256x4096xi32>
    %shift_left3A = arith.constant 13 : i32
    %shift_left3A_58 = vector.broadcast %shift_left3A : i32 to vector<256x4096xi32>
    %shift_left3A_59 = arith.shli %add3A_56, %shift_left3A_58 : vector<256x4096xi32>
    %shift_right_logical3A = arith.constant 19 : i32
    %shift_right_logical3A_60 = vector.broadcast %shift_right_logical3A : i32 to vector<256x4096xi32>
    %shift_right_logical3A_61 = arith.shrui %add3A_56, %shift_right_logical3A_60 : vector<256x4096xi32>
    %or3A = arith.ori %shift_left3A_59, %shift_right_logical3A_61 : vector<256x4096xi32>
    %xor3A = arith.xori %add3A_57, %or3A : vector<256x4096xi32>
    %add3A_62 = arith.addi %add3A_57, %xor3A : vector<256x4096xi32>
    %shift_left3A_63 = arith.constant 15 : i32
    %shift_left3A_64 = vector.broadcast %shift_left3A_63 : i32 to vector<256x4096xi32>
    %shift_left3A_65 = arith.shli %xor3A, %shift_left3A_64 : vector<256x4096xi32>
    %shift_right_logical3A_66 = arith.constant 17 : i32
    %shift_right_logical3A_67 = vector.broadcast %shift_right_logical3A_66 : i32 to vector<256x4096xi32>
    %shift_right_logical3A_68 = arith.shrui %xor3A, %shift_right_logical3A_67 : vector<256x4096xi32>
    %or3A_69 = arith.ori %shift_left3A_65, %shift_right_logical3A_68 : vector<256x4096xi32>
    %xor3A_70 = arith.xori %add3A_62, %or3A_69 : vector<256x4096xi32>
    %add3A_71 = arith.addi %add3A_62, %xor3A_70 : vector<256x4096xi32>
    %shift_left3A_72 = arith.constant 26 : i32
    %shift_left3A_73 = vector.broadcast %shift_left3A_72 : i32 to vector<256x4096xi32>
    %shift_left3A_74 = arith.shli %xor3A_70, %shift_left3A_73 : vector<256x4096xi32>
    %shift_right_logical3A_75 = arith.constant 6 : i32
    %shift_right_logical3A_76 = vector.broadcast %shift_right_logical3A_75 : i32 to vector<256x4096xi32>
    %shift_right_logical3A_77 = arith.shrui %xor3A_70, %shift_right_logical3A_76 : vector<256x4096xi32>
    %or3A_78 = arith.ori %shift_left3A_74, %shift_right_logical3A_77 : vector<256x4096xi32>
    %xor3A_79 = arith.xori %add3A_71, %or3A_78 : vector<256x4096xi32>
    %add3A_80 = arith.addi %add3A_71, %xor3A_79 : vector<256x4096xi32>
    %shift_left3A_81 = arith.constant 6 : i32
    %shift_left3A_82 = vector.broadcast %shift_left3A_81 : i32 to vector<256x4096xi32>
    %shift_left3A_83 = arith.shli %xor3A_79, %shift_left3A_82 : vector<256x4096xi32>
    %shift_right_logical3A_84 = arith.constant 26 : i32
    %shift_right_logical3A_85 = vector.broadcast %shift_right_logical3A_84 : i32 to vector<256x4096xi32>
    %shift_right_logical3A_86 = arith.shrui %xor3A_79, %shift_right_logical3A_85 : vector<256x4096xi32>
    %or3A_87 = arith.ori %shift_left3A_83, %shift_right_logical3A_86 : vector<256x4096xi32>
    %xor3A_88 = arith.xori %add3A_80, %or3A_87 : vector<256x4096xi32>
    %add3A_89 = arith.constant 255383827 : i32
    %add3A_90 = vector.broadcast %add3A_89 : i32 to vector<256x4096xi32>
    %add3A_91 = arith.addi %add3A_80, %add3A_90 : vector<256x4096xi32>
    %add3A_92 = arith.constant -2045582813 : i32
    %add3A_93 = vector.broadcast %add3A_92 : i32 to vector<256x4096xi32>
    %add3A_94 = arith.addi %xor3A_88, %add3A_93 : vector<256x4096xi32>
    %add3A_95 = arith.constant 1 : i32
    %add3A_96 = vector.broadcast %add3A_95 : i32 to vector<256x4096xi32>
    %add3A_97 = arith.addi %add3A_94, %add3A_96 : vector<256x4096xi32>
    %add3A_98 = arith.addi %add3A_91, %add3A_97 : vector<256x4096xi32>
    %shift_left3A_99 = arith.constant 17 : i32
    %shift_left3A_100 = vector.broadcast %shift_left3A_99 : i32 to vector<256x4096xi32>
    %shift_left3A_101 = arith.shli %add3A_97, %shift_left3A_100 : vector<256x4096xi32>
    %shift_right_logical3A_102 = arith.constant 15 : i32
    %shift_right_logical3A_103 = vector.broadcast %shift_right_logical3A_102 : i32 to vector<256x4096xi32>
    %shift_right_logical3A_104 = arith.shrui %add3A_97, %shift_right_logical3A_103 : vector<256x4096xi32>
    %or3A_105 = arith.ori %shift_left3A_101, %shift_right_logical3A_104 : vector<256x4096xi32>
    %xor3A_106 = arith.xori %add3A_98, %or3A_105 : vector<256x4096xi32>
    %add3A_107 = arith.addi %add3A_98, %xor3A_106 : vector<256x4096xi32>
    %shift_left3A_108 = arith.constant 29 : i32
    %shift_left3A_109 = vector.broadcast %shift_left3A_108 : i32 to vector<256x4096xi32>
    %shift_left3A_110 = arith.shli %xor3A_106, %shift_left3A_109 : vector<256x4096xi32>
    %shift_right_logical3A_111 = arith.constant 3 : i32
    %shift_right_logical3A_112 = vector.broadcast %shift_right_logical3A_111 : i32 to vector<256x4096xi32>
    %shift_right_logical3A_113 = arith.shrui %xor3A_106, %shift_right_logical3A_112 : vector<256x4096xi32>
    %or3A_114 = arith.ori %shift_left3A_110, %shift_right_logical3A_113 : vector<256x4096xi32>
    %xor3A_115 = arith.xori %add3A_107, %or3A_114 : vector<256x4096xi32>
    %add3A_116 = arith.addi %add3A_107, %xor3A_115 : vector<256x4096xi32>
    %shift_left3A_117 = arith.constant 16 : i32
    %shift_left3A_118 = vector.broadcast %shift_left3A_117 : i32 to vector<256x4096xi32>
    %shift_left3A_119 = arith.shli %xor3A_115, %shift_left3A_118 : vector<256x4096xi32>
    %shift_right_logical3A_120 = arith.constant 16 : i32
    %shift_right_logical3A_121 = vector.broadcast %shift_right_logical3A_120 : i32 to vector<256x4096xi32>
    %shift_right_logical3A_122 = arith.shrui %xor3A_115, %shift_right_logical3A_121 : vector<256x4096xi32>
    %or3A_123 = arith.ori %shift_left3A_119, %shift_right_logical3A_122 : vector<256x4096xi32>
    %xor3A_124 = arith.xori %add3A_116, %or3A_123 : vector<256x4096xi32>
    %add3A_125 = arith.addi %add3A_116, %xor3A_124 : vector<256x4096xi32>
    %shift_left3A_126 = arith.constant 24 : i32
    %shift_left3A_127 = vector.broadcast %shift_left3A_126 : i32 to vector<256x4096xi32>
    %shift_left3A_128 = arith.shli %xor3A_124, %shift_left3A_127 : vector<256x4096xi32>
    %shift_right_logical3A_129 = arith.constant 8 : i32
    %shift_right_logical3A_130 = vector.broadcast %shift_right_logical3A_129 : i32 to vector<256x4096xi32>
    %shift_right_logical3A_131 = arith.shrui %xor3A_124, %shift_right_logical3A_130 : vector<256x4096xi32>
    %or3A_132 = arith.ori %shift_left3A_128, %shift_right_logical3A_131 : vector<256x4096xi32>
    %xor3A_133 = arith.xori %add3A_125, %or3A_132 : vector<256x4096xi32>
    %add3A_134 = arith.constant -2045582813 : i32
    %add3A_135 = vector.broadcast %add3A_134 : i32 to vector<256x4096xi32>
    %add3A_136 = arith.addi %add3A_125, %add3A_135 : vector<256x4096xi32>
    %add3A_137 = arith.constant -1829035798 : i32
    %add3A_138 = vector.broadcast %add3A_137 : i32 to vector<256x4096xi32>
    %add3A_139 = arith.addi %xor3A_133, %add3A_138 : vector<256x4096xi32>
    %add3A_140 = arith.constant 2 : i32
    %add3A_141 = vector.broadcast %add3A_140 : i32 to vector<256x4096xi32>
    %add3A_142 = arith.addi %add3A_139, %add3A_141 : vector<256x4096xi32>
    %add3A_143 = arith.addi %add3A_136, %add3A_142 : vector<256x4096xi32>
    %shift_left3A_144 = arith.constant 13 : i32
    %shift_left3A_145 = vector.broadcast %shift_left3A_144 : i32 to vector<256x4096xi32>
    %shift_left3A_146 = arith.shli %add3A_142, %shift_left3A_145 : vector<256x4096xi32>
    %shift_right_logical3A_147 = arith.constant 19 : i32
    %shift_right_logical3A_148 = vector.broadcast %shift_right_logical3A_147 : i32 to vector<256x4096xi32>
    %shift_right_logical3A_149 = arith.shrui %add3A_142, %shift_right_logical3A_148 : vector<256x4096xi32>
    %or3A_150 = arith.ori %shift_left3A_146, %shift_right_logical3A_149 : vector<256x4096xi32>
    %xor3A_151 = arith.xori %add3A_143, %or3A_150 : vector<256x4096xi32>
    %add3A_152 = arith.addi %add3A_143, %xor3A_151 : vector<256x4096xi32>
    %shift_left3A_153 = arith.constant 15 : i32
    %shift_left3A_154 = vector.broadcast %shift_left3A_153 : i32 to vector<256x4096xi32>
    %shift_left3A_155 = arith.shli %xor3A_151, %shift_left3A_154 : vector<256x4096xi32>
    %shift_right_logical3A_156 = arith.constant 17 : i32
    %shift_right_logical3A_157 = vector.broadcast %shift_right_logical3A_156 : i32 to vector<256x4096xi32>
    %shift_right_logical3A_158 = arith.shrui %xor3A_151, %shift_right_logical3A_157 : vector<256x4096xi32>
    %or3A_159 = arith.ori %shift_left3A_155, %shift_right_logical3A_158 : vector<256x4096xi32>
    %xor3A_160 = arith.xori %add3A_152, %or3A_159 : vector<256x4096xi32>
    %add3A_161 = arith.addi %add3A_152, %xor3A_160 : vector<256x4096xi32>
    %shift_left3A_162 = arith.constant 26 : i32
    %shift_left3A_163 = vector.broadcast %shift_left3A_162 : i32 to vector<256x4096xi32>
    %shift_left3A_164 = arith.shli %xor3A_160, %shift_left3A_163 : vector<256x4096xi32>
    %shift_right_logical3A_165 = arith.constant 6 : i32
    %shift_right_logical3A_166 = vector.broadcast %shift_right_logical3A_165 : i32 to vector<256x4096xi32>
    %shift_right_logical3A_167 = arith.shrui %xor3A_160, %shift_right_logical3A_166 : vector<256x4096xi32>
    %or3A_168 = arith.ori %shift_left3A_164, %shift_right_logical3A_167 : vector<256x4096xi32>
    %xor3A_169 = arith.xori %add3A_161, %or3A_168 : vector<256x4096xi32>
    %add3A_170 = arith.addi %add3A_161, %xor3A_169 : vector<256x4096xi32>
    %shift_left3A_171 = arith.constant 6 : i32
    %shift_left3A_172 = vector.broadcast %shift_left3A_171 : i32 to vector<256x4096xi32>
    %shift_left3A_173 = arith.shli %xor3A_169, %shift_left3A_172 : vector<256x4096xi32>
    %shift_right_logical3A_174 = arith.constant 26 : i32
    %shift_right_logical3A_175 = vector.broadcast %shift_right_logical3A_174 : i32 to vector<256x4096xi32>
    %shift_right_logical3A_176 = arith.shrui %xor3A_169, %shift_right_logical3A_175 : vector<256x4096xi32>
    %or3A_177 = arith.ori %shift_left3A_173, %shift_right_logical3A_176 : vector<256x4096xi32>
    %xor3A_178 = arith.xori %add3A_170, %or3A_177 : vector<256x4096xi32>
    %add3A_179 = arith.constant -1829035798 : i32
    %add3A_180 = vector.broadcast %add3A_179 : i32 to vector<256x4096xi32>
    %add3A_181 = arith.addi %add3A_170, %add3A_180 : vector<256x4096xi32>
    %add3A_182 = arith.constant 255383827 : i32
    %add3A_183 = vector.broadcast %add3A_182 : i32 to vector<256x4096xi32>
    %add3A_184 = arith.addi %xor3A_178, %add3A_183 : vector<256x4096xi32>
    %add3A_185 = arith.constant 3 : i32
    %add3A_186 = vector.broadcast %add3A_185 : i32 to vector<256x4096xi32>
    %add3A_187 = arith.addi %add3A_184, %add3A_186 : vector<256x4096xi32>
    %add3A_188 = arith.addi %add3A_181, %add3A_187 : vector<256x4096xi32>
    %shift_left3A_189 = arith.constant 17 : i32
    %shift_left3A_190 = vector.broadcast %shift_left3A_189 : i32 to vector<256x4096xi32>
    %shift_left3A_191 = arith.shli %add3A_187, %shift_left3A_190 : vector<256x4096xi32>
    %shift_right_logical3A_192 = arith.constant 15 : i32
    %shift_right_logical3A_193 = vector.broadcast %shift_right_logical3A_192 : i32 to vector<256x4096xi32>
    %shift_right_logical3A_194 = arith.shrui %add3A_187, %shift_right_logical3A_193 : vector<256x4096xi32>
    %or3A_195 = arith.ori %shift_left3A_191, %shift_right_logical3A_194 : vector<256x4096xi32>
    %xor3A_196 = arith.xori %add3A_188, %or3A_195 : vector<256x4096xi32>
    %add3A_197 = arith.addi %add3A_188, %xor3A_196 : vector<256x4096xi32>
    %shift_left3A_198 = arith.constant 29 : i32
    %shift_left3A_199 = vector.broadcast %shift_left3A_198 : i32 to vector<256x4096xi32>
    %shift_left3A_200 = arith.shli %xor3A_196, %shift_left3A_199 : vector<256x4096xi32>
    %shift_right_logical3A_201 = arith.constant 3 : i32
    %shift_right_logical3A_202 = vector.broadcast %shift_right_logical3A_201 : i32 to vector<256x4096xi32>
    %shift_right_logical3A_203 = arith.shrui %xor3A_196, %shift_right_logical3A_202 : vector<256x4096xi32>
    %or3A_204 = arith.ori %shift_left3A_200, %shift_right_logical3A_203 : vector<256x4096xi32>
    %xor3A_205 = arith.xori %add3A_197, %or3A_204 : vector<256x4096xi32>
    %add3A_206 = arith.addi %add3A_197, %xor3A_205 : vector<256x4096xi32>
    %shift_left3A_207 = arith.constant 16 : i32
    %shift_left3A_208 = vector.broadcast %shift_left3A_207 : i32 to vector<256x4096xi32>
    %shift_left3A_209 = arith.shli %xor3A_205, %shift_left3A_208 : vector<256x4096xi32>
    %shift_right_logical3A_210 = arith.constant 16 : i32
    %shift_right_logical3A_211 = vector.broadcast %shift_right_logical3A_210 : i32 to vector<256x4096xi32>
    %shift_right_logical3A_212 = arith.shrui %xor3A_205, %shift_right_logical3A_211 : vector<256x4096xi32>
    %or3A_213 = arith.ori %shift_left3A_209, %shift_right_logical3A_212 : vector<256x4096xi32>
    %xor3A_214 = arith.xori %add3A_206, %or3A_213 : vector<256x4096xi32>
    %add3A_215 = arith.addi %add3A_206, %xor3A_214 : vector<256x4096xi32>
    %shift_left3A_216 = arith.constant 24 : i32
    %shift_left3A_217 = vector.broadcast %shift_left3A_216 : i32 to vector<256x4096xi32>
    %shift_left3A_218 = arith.shli %xor3A_214, %shift_left3A_217 : vector<256x4096xi32>
    %shift_right_logical3A_219 = arith.constant 8 : i32
    %shift_right_logical3A_220 = vector.broadcast %shift_right_logical3A_219 : i32 to vector<256x4096xi32>
    %shift_right_logical3A_221 = arith.shrui %xor3A_214, %shift_right_logical3A_220 : vector<256x4096xi32>
    %or3A_222 = arith.ori %shift_left3A_218, %shift_right_logical3A_221 : vector<256x4096xi32>
    %xor3A_223 = arith.xori %add3A_215, %or3A_222 : vector<256x4096xi32>
    %add3A_224 = arith.constant 255383827 : i32
    %add3A_225 = vector.broadcast %add3A_224 : i32 to vector<256x4096xi32>
    %add3A_226 = arith.addi %add3A_215, %add3A_225 : vector<256x4096xi32>
    %add3A_227 = arith.constant -2045582813 : i32
    %add3A_228 = vector.broadcast %add3A_227 : i32 to vector<256x4096xi32>
    %add3A_229 = arith.addi %xor3A_223, %add3A_228 : vector<256x4096xi32>
    %add3A_230 = arith.constant 4 : i32
    %add3A_231 = vector.broadcast %add3A_230 : i32 to vector<256x4096xi32>
    %add3A_232 = arith.addi %add3A_229, %add3A_231 : vector<256x4096xi32>
    %add3A_233 = arith.addi %add3A_226, %add3A_232 : vector<256x4096xi32>
    %shift_left3A_234 = arith.constant 13 : i32
    %shift_left3A_235 = vector.broadcast %shift_left3A_234 : i32 to vector<256x4096xi32>
    %shift_left3A_236 = arith.shli %add3A_232, %shift_left3A_235 : vector<256x4096xi32>
    %shift_right_logical3A_237 = arith.constant 19 : i32
    %shift_right_logical3A_238 = vector.broadcast %shift_right_logical3A_237 : i32 to vector<256x4096xi32>
    %shift_right_logical3A_239 = arith.shrui %add3A_232, %shift_right_logical3A_238 : vector<256x4096xi32>
    %or3A_240 = arith.ori %shift_left3A_236, %shift_right_logical3A_239 : vector<256x4096xi32>
    %xor3A_241 = arith.xori %add3A_233, %or3A_240 : vector<256x4096xi32>
    %add3A_242 = arith.addi %add3A_233, %xor3A_241 : vector<256x4096xi32>
    %shift_left3A_243 = arith.constant 15 : i32
    %shift_left3A_244 = vector.broadcast %shift_left3A_243 : i32 to vector<256x4096xi32>
    %shift_left3A_245 = arith.shli %xor3A_241, %shift_left3A_244 : vector<256x4096xi32>
    %shift_right_logical3A_246 = arith.constant 17 : i32
    %shift_right_logical3A_247 = vector.broadcast %shift_right_logical3A_246 : i32 to vector<256x4096xi32>
    %shift_right_logical3A_248 = arith.shrui %xor3A_241, %shift_right_logical3A_247 : vector<256x4096xi32>
    %or3A_249 = arith.ori %shift_left3A_245, %shift_right_logical3A_248 : vector<256x4096xi32>
    %xor3A_250 = arith.xori %add3A_242, %or3A_249 : vector<256x4096xi32>
    %add3A_251 = arith.addi %add3A_242, %xor3A_250 : vector<256x4096xi32>
    %shift_left3A_252 = arith.constant 26 : i32
    %shift_left3A_253 = vector.broadcast %shift_left3A_252 : i32 to vector<256x4096xi32>
    %shift_left3A_254 = arith.shli %xor3A_250, %shift_left3A_253 : vector<256x4096xi32>
    %shift_right_logical3A_255 = arith.constant 6 : i32
    %shift_right_logical3A_256 = vector.broadcast %shift_right_logical3A_255 : i32 to vector<256x4096xi32>
    %shift_right_logical3A_257 = arith.shrui %xor3A_250, %shift_right_logical3A_256 : vector<256x4096xi32>
    %or3A_258 = arith.ori %shift_left3A_254, %shift_right_logical3A_257 : vector<256x4096xi32>
    %xor3A_259 = arith.xori %add3A_251, %or3A_258 : vector<256x4096xi32>
    %add3A_260 = arith.addi %add3A_251, %xor3A_259 : vector<256x4096xi32>
    %shift_left3A_261 = arith.constant 6 : i32
    %shift_left3A_262 = vector.broadcast %shift_left3A_261 : i32 to vector<256x4096xi32>
    %shift_left3A_263 = arith.shli %xor3A_259, %shift_left3A_262 : vector<256x4096xi32>
    %shift_right_logical3A_264 = arith.constant 26 : i32
    %shift_right_logical3A_265 = vector.broadcast %shift_right_logical3A_264 : i32 to vector<256x4096xi32>
    %shift_right_logical3A_266 = arith.shrui %xor3A_259, %shift_right_logical3A_265 : vector<256x4096xi32>
    %or3A_267 = arith.ori %shift_left3A_263, %shift_right_logical3A_266 : vector<256x4096xi32>
    %xor3A_268 = arith.xori %add3A_260, %or3A_267 : vector<256x4096xi32>
    %add3A_269 = arith.constant -2045582813 : i32
    %add3A_270 = vector.broadcast %add3A_269 : i32 to vector<256x4096xi32>
    %add3A_271 = arith.addi %add3A_260, %add3A_270 : vector<256x4096xi32>
    %add3A_272 = arith.constant -1829035798 : i32
    %add3A_273 = vector.broadcast %add3A_272 : i32 to vector<256x4096xi32>
    %add3A_274 = arith.addi %xor3A_268, %add3A_273 : vector<256x4096xi32>
    %add3A_275 = arith.constant 5 : i32
    %add3A_276 = vector.broadcast %add3A_275 : i32 to vector<256x4096xi32>
    %add3A_277 = arith.addi %add3A_274, %add3A_276 : vector<256x4096xi32>
    %xor3A_278 = arith.xori %add3A_271, %add3A_277 : vector<256x4096xi32>
    %shift_right_logical3A_279 = arith.constant 9 : i32
    %shift_right_logical3A_280 = vector.broadcast %shift_right_logical3A_279 : i32 to vector<256x4096xi32>
    %shift_right_logical3A_281 = arith.shrui %xor3A_278, %shift_right_logical3A_280 : vector<256x4096xi32>
    %or3A_282 = arith.constant 1065353216 : i32
    %or3A_283 = vector.broadcast %or3A_282 : i32 to vector<256x4096xi32>
    %or3A_284 = arith.ori %shift_right_logical3A_281, %or3A_283 : vector<256x4096xi32>
    %bitcast_convert_type3A = tpu.bitcast %or3A_284 : vector<256x4096xi32> -> vector<256x4096xf32>
    %sub3A = arith.constant 1.000000e+00 : f32
    %sub3A_285 = vector.broadcast %sub3A : f32 to vector<256x4096xf32>
    %sub3A_286 = arith.subf %bitcast_convert_type3A, %sub3A_285 : vector<256x4096xf32>
    %mul3A_287 = arith.constant 1.000000e+00 : f32
    %mul3A_288 = vector.broadcast %mul3A_287 : f32 to vector<256x4096xf32>
    %mul3A_289 = arith.mulf %sub3A_286, %mul3A_288 : vector<256x4096xf32>
    %add3A_290 = arith.constant 1.17549435E-38 : f32
    %add3A_291 = vector.broadcast %add3A_290 : f32 to vector<256x4096xf32>
    %add3A_292 = arith.addf %mul3A_289, %add3A_291 : vector<256x4096xf32>
    %max3A_293 = arith.constant 1.17549435E-38 : f32
    %max3A_294 = vector.broadcast %max3A_293 : f32 to vector<256x4096xf32>
    %max3A_295 = arith.maximumf %max3A_294, %add3A_292 : vector<256x4096xf32>
    %log3A = math.log %max3A_295 : vector<256x4096xf32>
    %neg3A = arith.constant 0.000000e+00 : f32
    %neg3A_296 = vector.broadcast %neg3A : f32 to vector<256x4096xf32>
    %neg3A_297 = arith.subf %neg3A_296, %log3A : vector<256x4096xf32>
    %log3A_298 = math.log %neg3A_297 : vector<256x4096xf32>
    %neg3A_299 = arith.constant 0.000000e+00 : f32
    %neg3A_300 = vector.broadcast %neg3A_299 : f32 to vector<256x4096xf32>
    %neg3A_301 = arith.subf %neg3A_300, %log3A_298 : vector<256x4096xf32>
    %add3A_302 = arith.addf %select_n3A_44, %neg3A_301 : vector<256x4096xf32>
    %argmax3A = tpu.reduce_index %add3A_302 {axis = 1 : i32, kind = #tpu.reduction_kind<arg_max>} : vector<256x4096xf32> -> vector<256xi32>
    %broadcast_in_dim3A_303 = vector.shape_cast %argmax3A : vector<256xi32> to vector<256x1xi32>
    %swap3A = arith.constant 0 : index
    %swap3A_304 = arith.constant 0 : index
    %swap3A_305 = vector.load %arg10[%swap3A, %swap3A_304] : memref<256x1xi32, #tpu.memory_space<vmem>>, vector<256x1xi32>
    tpu.vector_store %arg10[%swap3A, %swap3A_304], %broadcast_in_dim3A_303 {strides = array<i32>} : memref<256x1xi32, #tpu.memory_space<vmem>>, vector<256x1xi32>,
    %get3A_306 = arith.constant 0 : index
    %get3A_307 = arith.constant 0 : index
    %get3A_308 = vector.load %arg7[%get3A_306, %get3A_307] : memref<1x128xf32, #tpu.memory_space<vmem>>, vector<1x128xf32>
    %dot_general3A_309 = arith.constant dense<0.000000e+00> : vector<1x256xf32>
    %dot_general3A_310 = tpu.matmul %get3A_308, %get3A_1, %dot_general3A_309 {dimension_numbers = #tpu.dot_dimension_numbers<[1], [1], [0], [0], [0, 0, 1, 0], [], []>, transpose_lhs_hint = false} : vector<1x128xf32>, vector<256x128xf32>, vector<1x256xf32> -> vector<1x256xf32>
    %get3A_311 = arith.constant 0 : index
    %get3A_312 = arith.constant 0 : index
    %get3A_313 = vector.load %arg8[%get3A_311, %get3A_312] : memref<1x1xf32, #tpu.memory_space<vmem>>, vector<1x1xf32>
    %add3A_314 = vector.broadcast %get3A_313 : vector<1x1xf32> to vector<1x256xf32>
    %add3A_315 = arith.addf %dot_general3A_310, %add3A_314 : vector<1x256xf32>
    %logistic3A = arith.negf %add3A_315 : vector<1x256xf32>
    %logistic3A_316 = math.exp %logistic3A : vector<1x256xf32>
    %logistic3A_317 = arith.constant 1.000000e+00 : f32
    %logistic3A_318 = vector.broadcast %logistic3A_317 : f32 to vector<1x256xf32>
    %logistic3A_319 = arith.addf %logistic3A_318, %logistic3A_316 : vector<1x256xf32>
    %logistic3A_320 = arith.divf %logistic3A_318, %logistic3A_319 : vector<1x256xf32>
    %iota3A_321 = tpu.iota {dimensions = array<i32: 1>} : vector<1x256xi32>
    %mul3A_322 = arith.constant 256 : i32
    %mul3A_323 = arith.muli %arg0, %mul3A_322 : i32
    %add3A_324 = vector.broadcast %mul3A_323 : i32 to vector<1x256xi32>
    %add3A_325 = arith.addi %iota3A_321, %add3A_324 : vector<1x256xi32>
    %broadcast_in_dim3A_326 = arith.constant 0 : i32
    %broadcast_in_dim3A_327 = vector.broadcast %broadcast_in_dim3A_326 : i32 to vector<1x256xi32>
    %add3A_328 = arith.constant 1832780943 : i32
    %add3A_329 = vector.broadcast %add3A_328 : i32 to vector<1x256xi32>
    %add3A_330 = arith.addi %broadcast_in_dim3A_327, %add3A_329 : vector<1x256xi32>
    %add3A_331 = arith.constant 270669613 : i32
    %add3A_332 = vector.broadcast %add3A_331 : i32 to vector<1x256xi32>
    %add3A_333 = arith.addi %add3A_325, %add3A_332 : vector<1x256xi32>
    %add3A_334 = arith.addi %add3A_330, %add3A_333 : vector<1x256xi32>
    %shift_left3A_335 = arith.constant 13 : i32
    %shift_left3A_336 = vector.broadcast %shift_left3A_335 : i32 to vector<1x256xi32>
    %shift_left3A_337 = arith.shli %add3A_333, %shift_left3A_336 : vector<1x256xi32>
    %shift_right_logical3A_338 = arith.constant 19 : i32
    %shift_right_logical3A_339 = vector.broadcast %shift_right_logical3A_338 : i32 to vector<1x256xi32>
    %shift_right_logical3A_340 = arith.shrui %add3A_333, %shift_right_logical3A_339 : vector<1x256xi32>
    %or3A_341 = arith.ori %shift_left3A_337, %shift_right_logical3A_340 : vector<1x256xi32>
    %xor3A_342 = arith.xori %add3A_334, %or3A_341 : vector<1x256xi32>
    %add3A_343 = arith.addi %add3A_334, %xor3A_342 : vector<1x256xi32>
    %shift_left3A_344 = arith.constant 15 : i32
    %shift_left3A_345 = vector.broadcast %shift_left3A_344 : i32 to vector<1x256xi32>
    %shift_left3A_346 = arith.shli %xor3A_342, %shift_left3A_345 : vector<1x256xi32>
    %shift_right_logical3A_347 = arith.constant 17 : i32
    %shift_right_logical3A_348 = vector.broadcast %shift_right_logical3A_347 : i32 to vector<1x256xi32>
    %shift_right_logical3A_349 = arith.shrui %xor3A_342, %shift_right_logical3A_348 : vector<1x256xi32>
    %or3A_350 = arith.ori %shift_left3A_346, %shift_right_logical3A_349 : vector<1x256xi32>
    %xor3A_351 = arith.xori %add3A_343, %or3A_350 : vector<1x256xi32>
    %add3A_352 = arith.addi %add3A_343, %xor3A_351 : vector<1x256xi32>
    %shift_left3A_353 = arith.constant 26 : i32
    %shift_left3A_354 = vector.broadcast %shift_left3A_353 : i32 to vector<1x256xi32>
    %shift_left3A_355 = arith.shli %xor3A_351, %shift_left3A_354 : vector<1x256xi32>
    %shift_right_logical3A_356 = arith.constant 6 : i32
    %shift_right_logical3A_357 = vector.broadcast %shift_right_logical3A_356 : i32 to vector<1x256xi32>
    %shift_right_logical3A_358 = arith.shrui %xor3A_351, %shift_right_logical3A_357 : vector<1x256xi32>
    %or3A_359 = arith.ori %shift_left3A_355, %shift_right_logical3A_358 : vector<1x256xi32>
    %xor3A_360 = arith.xori %add3A_352, %or3A_359 : vector<1x256xi32>
    %add3A_361 = arith.addi %add3A_352, %xor3A_360 : vector<1x256xi32>
    %shift_left3A_362 = arith.constant 6 : i32
    %shift_left3A_363 = vector.broadcast %shift_left3A_362 : i32 to vector<1x256xi32>
    %shift_left3A_364 = arith.shli %xor3A_360, %shift_left3A_363 : vector<1x256xi32>
    %shift_right_logical3A_365 = arith.constant 26 : i32
    %shift_right_logical3A_366 = vector.broadcast %shift_right_logical3A_365 : i32 to vector<1x256xi32>
    %shift_right_logical3A_367 = arith.shrui %xor3A_360, %shift_right_logical3A_366 : vector<1x256xi32>
    %or3A_368 = arith.ori %shift_left3A_364, %shift_right_logical3A_367 : vector<1x256xi32>
    %xor3A_369 = arith.xori %add3A_361, %or3A_368 : vector<1x256xi32>
    %add3A_370 = arith.constant 270669613 : i32
    %add3A_371 = vector.broadcast %add3A_370 : i32 to vector<1x256xi32>
    %add3A_372 = arith.addi %add3A_361, %add3A_371 : vector<1x256xi32>
    %add3A_373 = arith.constant 1724713080 : i32
    %add3A_374 = vector.broadcast %add3A_373 : i32 to vector<1x256xi32>
    %add3A_375 = arith.addi %xor3A_369, %add3A_374 : vector<1x256xi32>
    %add3A_376 = arith.constant 1 : i32
    %add3A_377 = vector.broadcast %add3A_376 : i32 to vector<1x256xi32>
    %add3A_378 = arith.addi %add3A_375, %add3A_377 : vector<1x256xi32>
    %add3A_379 = arith.addi %add3A_372, %add3A_378 : vector<1x256xi32>
    %shift_left3A_380 = arith.constant 17 : i32
    %shift_left3A_381 = vector.broadcast %shift_left3A_380 : i32 to vector<1x256xi32>
    %shift_left3A_382 = arith.shli %add3A_378, %shift_left3A_381 : vector<1x256xi32>
    %shift_right_logical3A_383 = arith.constant 15 : i32
    %shift_right_logical3A_384 = vector.broadcast %shift_right_logical3A_383 : i32 to vector<1x256xi32>
    %shift_right_logical3A_385 = arith.shrui %add3A_378, %shift_right_logical3A_384 : vector<1x256xi32>
    %or3A_386 = arith.ori %shift_left3A_382, %shift_right_logical3A_385 : vector<1x256xi32>
    %xor3A_387 = arith.xori %add3A_379, %or3A_386 : vector<1x256xi32>
    %add3A_388 = arith.addi %add3A_379, %xor3A_387 : vector<1x256xi32>
    %shift_left3A_389 = arith.constant 29 : i32
    %shift_left3A_390 = vector.broadcast %shift_left3A_389 : i32 to vector<1x256xi32>
    %shift_left3A_391 = arith.shli %xor3A_387, %shift_left3A_390 : vector<1x256xi32>
    %shift_right_logical3A_392 = arith.constant 3 : i32
    %shift_right_logical3A_393 = vector.broadcast %shift_right_logical3A_392 : i32 to vector<1x256xi32>
    %shift_right_logical3A_394 = arith.shrui %xor3A_387, %shift_right_logical3A_393 : vector<1x256xi32>
    %or3A_395 = arith.ori %shift_left3A_391, %shift_right_logical3A_394 : vector<1x256xi32>
    %xor3A_396 = arith.xori %add3A_388, %or3A_395 : vector<1x256xi32>
    %add3A_397 = arith.addi %add3A_388, %xor3A_396 : vector<1x256xi32>
    %shift_left3A_398 = arith.constant 16 : i32
    %shift_left3A_399 = vector.broadcast %shift_left3A_398 : i32 to vector<1x256xi32>
    %shift_left3A_400 = arith.shli %xor3A_396, %shift_left3A_399 : vector<1x256xi32>
    %shift_right_logical3A_401 = arith.constant 16 : i32
    %shift_right_logical3A_402 = vector.broadcast %shift_right_logical3A_401 : i32 to vector<1x256xi32>
    %shift_right_logical3A_403 = arith.shrui %xor3A_396, %shift_right_logical3A_402 : vector<1x256xi32>
    %or3A_404 = arith.ori %shift_left3A_400, %shift_right_logical3A_403 : vector<1x256xi32>
    %xor3A_405 = arith.xori %add3A_397, %or3A_404 : vector<1x256xi32>
    %add3A_406 = arith.addi %add3A_397, %xor3A_405 : vector<1x256xi32>
    %shift_left3A_407 = arith.constant 24 : i32
    %shift_left3A_408 = vector.broadcast %shift_left3A_407 : i32 to vector<1x256xi32>
    %shift_left3A_409 = arith.shli %xor3A_405, %shift_left3A_408 : vector<1x256xi32>
    %shift_right_logical3A_410 = arith.constant 8 : i32
    %shift_right_logical3A_411 = vector.broadcast %shift_right_logical3A_410 : i32 to vector<1x256xi32>
    %shift_right_logical3A_412 = arith.shrui %xor3A_405, %shift_right_logical3A_411 : vector<1x256xi32>
    %or3A_413 = arith.ori %shift_left3A_409, %shift_right_logical3A_412 : vector<1x256xi32>
    %xor3A_414 = arith.xori %add3A_406, %or3A_413 : vector<1x256xi32>
    %add3A_415 = arith.constant 1724713080 : i32
    %add3A_416 = vector.broadcast %add3A_415 : i32 to vector<1x256xi32>
    %add3A_417 = arith.addi %add3A_406, %add3A_416 : vector<1x256xi32>
    %add3A_418 = arith.constant 1832780943 : i32
    %add3A_419 = vector.broadcast %add3A_418 : i32 to vector<1x256xi32>
    %add3A_420 = arith.addi %xor3A_414, %add3A_419 : vector<1x256xi32>
    %add3A_421 = arith.constant 2 : i32
    %add3A_422 = vector.broadcast %add3A_421 : i32 to vector<1x256xi32>
    %add3A_423 = arith.addi %add3A_420, %add3A_422 : vector<1x256xi32>
    %add3A_424 = arith.addi %add3A_417, %add3A_423 : vector<1x256xi32>
    %shift_left3A_425 = arith.constant 13 : i32
    %shift_left3A_426 = vector.broadcast %shift_left3A_425 : i32 to vector<1x256xi32>
    %shift_left3A_427 = arith.shli %add3A_423, %shift_left3A_426 : vector<1x256xi32>
    %shift_right_logical3A_428 = arith.constant 19 : i32
    %shift_right_logical3A_429 = vector.broadcast %shift_right_logical3A_428 : i32 to vector<1x256xi32>
    %shift_right_logical3A_430 = arith.shrui %add3A_423, %shift_right_logical3A_429 : vector<1x256xi32>
    %or3A_431 = arith.ori %shift_left3A_427, %shift_right_logical3A_430 : vector<1x256xi32>
    %xor3A_432 = arith.xori %add3A_424, %or3A_431 : vector<1x256xi32>
    %add3A_433 = arith.addi %add3A_424, %xor3A_432 : vector<1x256xi32>
    %shift_left3A_434 = arith.constant 15 : i32
    %shift_left3A_435 = vector.broadcast %shift_left3A_434 : i32 to vector<1x256xi32>
    %shift_left3A_436 = arith.shli %xor3A_432, %shift_left3A_435 : vector<1x256xi32>
    %shift_right_logical3A_437 = arith.constant 17 : i32
    %shift_right_logical3A_438 = vector.broadcast %shift_right_logical3A_437 : i32 to vector<1x256xi32>
    %shift_right_logical3A_439 = arith.shrui %xor3A_432, %shift_right_logical3A_438 : vector<1x256xi32>
    %or3A_440 = arith.ori %shift_left3A_436, %shift_right_logical3A_439 : vector<1x256xi32>
    %xor3A_441 = arith.xori %add3A_433, %or3A_440 : vector<1x256xi32>
    %add3A_442 = arith.addi %add3A_433, %xor3A_441 : vector<1x256xi32>
    %shift_left3A_443 = arith.constant 26 : i32
    %shift_left3A_444 = vector.broadcast %shift_left3A_443 : i32 to vector<1x256xi32>
    %shift_left3A_445 = arith.shli %xor3A_441, %shift_left3A_444 : vector<1x256xi32>
    %shift_right_logical3A_446 = arith.constant 6 : i32
    %shift_right_logical3A_447 = vector.broadcast %shift_right_logical3A_446 : i32 to vector<1x256xi32>
    %shift_right_logical3A_448 = arith.shrui %xor3A_441, %shift_right_logical3A_447 : vector<1x256xi32>
    %or3A_449 = arith.ori %shift_left3A_445, %shift_right_logical3A_448 : vector<1x256xi32>
    %xor3A_450 = arith.xori %add3A_442, %or3A_449 : vector<1x256xi32>
    %add3A_451 = arith.addi %add3A_442, %xor3A_450 : vector<1x256xi32>
    %shift_left3A_452 = arith.constant 6 : i32
    %shift_left3A_453 = vector.broadcast %shift_left3A_452 : i32 to vector<1x256xi32>
    %shift_left3A_454 = arith.shli %xor3A_450, %shift_left3A_453 : vector<1x256xi32>
    %shift_right_logical3A_455 = arith.constant 26 : i32
    %shift_right_logical3A_456 = vector.broadcast %shift_right_logical3A_455 : i32 to vector<1x256xi32>
    %shift_right_logical3A_457 = arith.shrui %xor3A_450, %shift_right_logical3A_456 : vector<1x256xi32>
    %or3A_458 = arith.ori %shift_left3A_454, %shift_right_logical3A_457 : vector<1x256xi32>
    %xor3A_459 = arith.xori %add3A_451, %or3A_458 : vector<1x256xi32>
    %add3A_460 = arith.constant 1832780943 : i32
    %add3A_461 = vector.broadcast %add3A_460 : i32 to vector<1x256xi32>
    %add3A_462 = arith.addi %add3A_451, %add3A_461 : vector<1x256xi32>
    %add3A_463 = arith.constant 270669613 : i32
    %add3A_464 = vector.broadcast %add3A_463 : i32 to vector<1x256xi32>
    %add3A_465 = arith.addi %xor3A_459, %add3A_464 : vector<1x256xi32>
    %add3A_466 = arith.constant 3 : i32
    %add3A_467 = vector.broadcast %add3A_466 : i32 to vector<1x256xi32>
    %add3A_468 = arith.addi %add3A_465, %add3A_467 : vector<1x256xi32>
    %add3A_469 = arith.addi %add3A_462, %add3A_468 : vector<1x256xi32>
    %shift_left3A_470 = arith.constant 17 : i32
    %shift_left3A_471 = vector.broadcast %shift_left3A_470 : i32 to vector<1x256xi32>
    %shift_left3A_472 = arith.shli %add3A_468, %shift_left3A_471 : vector<1x256xi32>
    %shift_right_logical3A_473 = arith.constant 15 : i32
    %shift_right_logical3A_474 = vector.broadcast %shift_right_logical3A_473 : i32 to vector<1x256xi32>
    %shift_right_logical3A_475 = arith.shrui %add3A_468, %shift_right_logical3A_474 : vector<1x256xi32>
    %or3A_476 = arith.ori %shift_left3A_472, %shift_right_logical3A_475 : vector<1x256xi32>
    %xor3A_477 = arith.xori %add3A_469, %or3A_476 : vector<1x256xi32>
    %add3A_478 = arith.addi %add3A_469, %xor3A_477 : vector<1x256xi32>
    %shift_left3A_479 = arith.constant 29 : i32
    %shift_left3A_480 = vector.broadcast %shift_left3A_479 : i32 to vector<1x256xi32>
    %shift_left3A_481 = arith.shli %xor3A_477, %shift_left3A_480 : vector<1x256xi32>
    %shift_right_logical3A_482 = arith.constant 3 : i32
    %shift_right_logical3A_483 = vector.broadcast %shift_right_logical3A_482 : i32 to vector<1x256xi32>
    %shift_right_logical3A_484 = arith.shrui %xor3A_477, %shift_right_logical3A_483 : vector<1x256xi32>
    %or3A_485 = arith.ori %shift_left3A_481, %shift_right_logical3A_484 : vector<1x256xi32>
    %xor3A_486 = arith.xori %add3A_478, %or3A_485 : vector<1x256xi32>
    %add3A_487 = arith.addi %add3A_478, %xor3A_486 : vector<1x256xi32>
    %shift_left3A_488 = arith.constant 16 : i32
    %shift_left3A_489 = vector.broadcast %shift_left3A_488 : i32 to vector<1x256xi32>
    %shift_left3A_490 = arith.shli %xor3A_486, %shift_left3A_489 : vector<1x256xi32>
    %shift_right_logical3A_491 = arith.constant 16 : i32
    %shift_right_logical3A_492 = vector.broadcast %shift_right_logical3A_491 : i32 to vector<1x256xi32>
    %shift_right_logical3A_493 = arith.shrui %xor3A_486, %shift_right_logical3A_492 : vector<1x256xi32>
    %or3A_494 = arith.ori %shift_left3A_490, %shift_right_logical3A_493 : vector<1x256xi32>
    %xor3A_495 = arith.xori %add3A_487, %or3A_494 : vector<1x256xi32>
    %add3A_496 = arith.addi %add3A_487, %xor3A_495 : vector<1x256xi32>
    %shift_left3A_497 = arith.constant 24 : i32
    %shift_left3A_498 = vector.broadcast %shift_left3A_497 : i32 to vector<1x256xi32>
    %shift_left3A_499 = arith.shli %xor3A_495, %shift_left3A_498 : vector<1x256xi32>
    %shift_right_logical3A_500 = arith.constant 8 : i32
    %shift_right_logical3A_501 = vector.broadcast %shift_right_logical3A_500 : i32 to vector<1x256xi32>
    %shift_right_logical3A_502 = arith.shrui %xor3A_495, %shift_right_logical3A_501 : vector<1x256xi32>
    %or3A_503 = arith.ori %shift_left3A_499, %shift_right_logical3A_502 : vector<1x256xi32>
    %xor3A_504 = arith.xori %add3A_496, %or3A_503 : vector<1x256xi32>
    %add3A_505 = arith.constant 270669613 : i32
    %add3A_506 = vector.broadcast %add3A_505 : i32 to vector<1x256xi32>
    %add3A_507 = arith.addi %add3A_496, %add3A_506 : vector<1x256xi32>
    %add3A_508 = arith.constant 1724713080 : i32
    %add3A_509 = vector.broadcast %add3A_508 : i32 to vector<1x256xi32>
    %add3A_510 = arith.addi %xor3A_504, %add3A_509 : vector<1x256xi32>
    %add3A_511 = arith.constant 4 : i32
    %add3A_512 = vector.broadcast %add3A_511 : i32 to vector<1x256xi32>
    %add3A_513 = arith.addi %add3A_510, %add3A_512 : vector<1x256xi32>
    %add3A_514 = arith.addi %add3A_507, %add3A_513 : vector<1x256xi32>
    %shift_left3A_515 = arith.constant 13 : i32
    %shift_left3A_516 = vector.broadcast %shift_left3A_515 : i32 to vector<1x256xi32>
    %shift_left3A_517 = arith.shli %add3A_513, %shift_left3A_516 : vector<1x256xi32>
    %shift_right_logical3A_518 = arith.constant 19 : i32
    %shift_right_logical3A_519 = vector.broadcast %shift_right_logical3A_518 : i32 to vector<1x256xi32>
    %shift_right_logical3A_520 = arith.shrui %add3A_513, %shift_right_logical3A_519 : vector<1x256xi32>
    %or3A_521 = arith.ori %shift_left3A_517, %shift_right_logical3A_520 : vector<1x256xi32>
    %xor3A_522 = arith.xori %add3A_514, %or3A_521 : vector<1x256xi32>
    %add3A_523 = arith.addi %add3A_514, %xor3A_522 : vector<1x256xi32>
    %shift_left3A_524 = arith.constant 15 : i32
    %shift_left3A_525 = vector.broadcast %shift_left3A_524 : i32 to vector<1x256xi32>
    %shift_left3A_526 = arith.shli %xor3A_522, %shift_left3A_525 : vector<1x256xi32>
    %shift_right_logical3A_527 = arith.constant 17 : i32
    %shift_right_logical3A_528 = vector.broadcast %shift_right_logical3A_527 : i32 to vector<1x256xi32>
    %shift_right_logical3A_529 = arith.shrui %xor3A_522, %shift_right_logical3A_528 : vector<1x256xi32>
    %or3A_530 = arith.ori %shift_left3A_526, %shift_right_logical3A_529 : vector<1x256xi32>
    %xor3A_531 = arith.xori %add3A_523, %or3A_530 : vector<1x256xi32>
    %add3A_532 = arith.addi %add3A_523, %xor3A_531 : vector<1x256xi32>
    %shift_left3A_533 = arith.constant 26 : i32
    %shift_left3A_534 = vector.broadcast %shift_left3A_533 : i32 to vector<1x256xi32>
    %shift_left3A_535 = arith.shli %xor3A_531, %shift_left3A_534 : vector<1x256xi32>
    %shift_right_logical3A_536 = arith.constant 6 : i32
    %shift_right_logical3A_537 = vector.broadcast %shift_right_logical3A_536 : i32 to vector<1x256xi32>
    %shift_right_logical3A_538 = arith.shrui %xor3A_531, %shift_right_logical3A_537 : vector<1x256xi32>
    %or3A_539 = arith.ori %shift_left3A_535, %shift_right_logical3A_538 : vector<1x256xi32>
    %xor3A_540 = arith.xori %add3A_532, %or3A_539 : vector<1x256xi32>
    %add3A_541 = arith.addi %add3A_532, %xor3A_540 : vector<1x256xi32>
    %shift_left3A_542 = arith.constant 6 : i32
    %shift_left3A_543 = vector.broadcast %shift_left3A_542 : i32 to vector<1x256xi32>
    %shift_left3A_544 = arith.shli %xor3A_540, %shift_left3A_543 : vector<1x256xi32>
    %shift_right_logical3A_545 = arith.constant 26 : i32
    %shift_right_logical3A_546 = vector.broadcast %shift_right_logical3A_545 : i32 to vector<1x256xi32>
    %shift_right_logical3A_547 = arith.shrui %xor3A_540, %shift_right_logical3A_546 : vector<1x256xi32>
    %or3A_548 = arith.ori %shift_left3A_544, %shift_right_logical3A_547 : vector<1x256xi32>
    %xor3A_549 = arith.xori %add3A_541, %or3A_548 : vector<1x256xi32>
    %add3A_550 = arith.constant 1724713080 : i32
    %add3A_551 = vector.broadcast %add3A_550 : i32 to vector<1x256xi32>
    %add3A_552 = arith.addi %add3A_541, %add3A_551 : vector<1x256xi32>
    %add3A_553 = arith.constant 1832780943 : i32
    %add3A_554 = vector.broadcast %add3A_553 : i32 to vector<1x256xi32>
    %add3A_555 = arith.addi %xor3A_549, %add3A_554 : vector<1x256xi32>
    %add3A_556 = arith.constant 5 : i32
    %add3A_557 = vector.broadcast %add3A_556 : i32 to vector<1x256xi32>
    %add3A_558 = arith.addi %add3A_555, %add3A_557 : vector<1x256xi32>
    %xor3A_559 = arith.xori %add3A_552, %add3A_558 : vector<1x256xi32>
    %shift_right_logical3A_560 = arith.constant 9 : i32
    %shift_right_logical3A_561 = vector.broadcast %shift_right_logical3A_560 : i32 to vector<1x256xi32>
    %shift_right_logical3A_562 = arith.shrui %xor3A_559, %shift_right_logical3A_561 : vector<1x256xi32>
    %or3A_563 = arith.constant 1065353216 : i32
    %or3A_564 = vector.broadcast %or3A_563 : i32 to vector<1x256xi32>
    %or3A_565 = arith.ori %shift_right_logical3A_562, %or3A_564 : vector<1x256xi32>
    %bitcast_convert_type3A_566 = tpu.bitcast %or3A_565 : vector<1x256xi32> -> vector<1x256xf32>
    %sub3A_567 = arith.constant 1.000000e+00 : f32
    %sub3A_568 = vector.broadcast %sub3A_567 : f32 to vector<1x256xf32>
    %sub3A_569 = arith.subf %bitcast_convert_type3A_566, %sub3A_568 : vector<1x256xf32>
    %mul3A_570 = arith.constant 1.000000e+00 : f32
    %mul3A_571 = vector.broadcast %mul3A_570 : f32 to vector<1x256xf32>
    %mul3A_572 = arith.mulf %sub3A_569, %mul3A_571 : vector<1x256xf32>
    %add3A_573 = arith.constant 0.000000e+00 : f32
    %add3A_574 = vector.broadcast %add3A_573 : f32 to vector<1x256xf32>
    %add3A_575 = arith.addf %mul3A_572, %add3A_574 : vector<1x256xf32>
    %max3A_576 = arith.constant 0.000000e+00 : f32
    %max3A_577 = vector.broadcast %max3A_576 : f32 to vector<1x256xf32>
    %max3A_578 = arith.maximumf %max3A_577, %add3A_575 : vector<1x256xf32>
    %get3A_579 = arith.constant 0 : index
    %get3A_580 = arith.constant 0 : index
    %get3A_581 = vector.load %arg9[%get3A_579, %get3A_580] : memref<1x256xf32, #tpu.memory_space<vmem>>, vector<1x256xf32>
    %mul3A_582 = arith.mulf %logistic3A_320, %get3A_581 : vector<1x256xf32>
    %lt3A = arith.cmpf olt, %max3A_578, %mul3A_582 : vector<1x256xf32>
    %convert_element_type3A = arith.extui %lt3A : vector<1x256xi1> to vector<1x256xi32>
    %convert_element_type3A_583 = arith.sitofp %convert_element_type3A : vector<1x256xi32> to vector<1x256xf32>
    %swap3A_584 = arith.constant 0 : index
    %swap3A_585 = arith.constant 0 : index
    %swap3A_586 = vector.load %arg11[%swap3A_584, %swap3A_585] : memref<1x256xf32, #tpu.memory_space<vmem>>, vector<1x256xf32>
    tpu.vector_store %arg11[%swap3A_584, %swap3A_585], %convert_element_type3A_583 {strides = array<i32>} : memref<1x256xf32, #tpu.memory_space<vmem>>, vector<1x256xf32>,
    %iota3A_587 = tpu.iota {dimensions = array<i32: 1>} : vector<1x8x2048xi32>
    %mul3A_588 = arith.constant 2048 : i32
    %mul3A_589 = vector.broadcast %mul3A_588 : i32 to vector<1x8x2048xi32>
    %mul3A_590 = arith.muli %iota3A_587, %mul3A_589 : vector<1x8x2048xi32>
    %iota3A_591 = tpu.iota {dimensions = array<i32: 2>} : vector<1x8x2048xi32>
    %add3A_592 = arith.addi %mul3A_590, %iota3A_591 : vector<1x8x2048xi32>
    %mul3A_593 = arith.constant 16384 : i32
    %mul3A_594 = arith.muli %arg0, %mul3A_593 : i32
    %add3A_595 = vector.broadcast %mul3A_594 : i32 to vector<1x8x2048xi32>
    %add3A_596 = arith.addi %add3A_592, %add3A_595 : vector<1x8x2048xi32>
    %broadcast_in_dim3A_597 = arith.constant 0 : i32
    %broadcast_in_dim3A_598 = vector.broadcast %broadcast_in_dim3A_597 : i32 to vector<1x8x2048xi32>
    %add3A_599 = arith.constant 64467757 : i32
    %add3A_600 = vector.broadcast %add3A_599 : i32 to vector<1x8x2048xi32>
    %add3A_601 = arith.addi %broadcast_in_dim3A_598, %add3A_600 : vector<1x8x2048xi32>
    %add3A_602 = arith.constant -1378843660 : i32
    %add3A_603 = vector.broadcast %add3A_602 : i32 to vector<1x8x2048xi32>
    %add3A_604 = arith.addi %add3A_596, %add3A_603 : vector<1x8x2048xi32>
    %add3A_605 = arith.addi %add3A_601, %add3A_604 : vector<1x8x2048xi32>
    %shift_left3A_606 = arith.constant 13 : i32
    %shift_left3A_607 = vector.broadcast %shift_left3A_606 : i32 to vector<1x8x2048xi32>
    %shift_left3A_608 = arith.shli %add3A_604, %shift_left3A_607 : vector<1x8x2048xi32>
    %shift_right_logical3A_609 = arith.constant 19 : i32
    %shift_right_logical3A_610 = vector.broadcast %shift_right_logical3A_609 : i32 to vector<1x8x2048xi32>
    %shift_right_logical3A_611 = arith.shrui %add3A_604, %shift_right_logical3A_610 : vector<1x8x2048xi32>
    %or3A_612 = arith.ori %shift_left3A_608, %shift_right_logical3A_611 : vector<1x8x2048xi32>
    %xor3A_613 = arith.xori %add3A_605, %or3A_612 : vector<1x8x2048xi32>
    %add3A_614 = arith.addi %add3A_605, %xor3A_613 : vector<1x8x2048xi32>
    %shift_left3A_615 = arith.constant 15 : i32
    %shift_left3A_616 = vector.broadcast %shift_left3A_615 : i32 to vector<1x8x2048xi32>
    %shift_left3A_617 = arith.shli %xor3A_613, %shift_left3A_616 : vector<1x8x2048xi32>
    %shift_right_logical3A_618 = arith.constant 17 : i32
    %shift_right_logical3A_619 = vector.broadcast %shift_right_logical3A_618 : i32 to vector<1x8x2048xi32>
    %shift_right_logical3A_620 = arith.shrui %xor3A_613, %shift_right_logical3A_619 : vector<1x8x2048xi32>
    %or3A_621 = arith.ori %shift_left3A_617, %shift_right_logical3A_620 : vector<1x8x2048xi32>
    %xor3A_622 = arith.xori %add3A_614, %or3A_621 : vector<1x8x2048xi32>
    %add3A_623 = arith.addi %add3A_614, %xor3A_622 : vector<1x8x2048xi32>
    %shift_left3A_624 = arith.constant 26 : i32
    %shift_left3A_625 = vector.broadcast %shift_left3A_624 : i32 to vector<1x8x2048xi32>
    %shift_left3A_626 = arith.shli %xor3A_622, %shift_left3A_625 : vector<1x8x2048xi32>
    %shift_right_logical3A_627 = arith.constant 6 : i32
    %shift_right_logical3A_628 = vector.broadcast %shift_right_logical3A_627 : i32 to vector<1x8x2048xi32>
    %shift_right_logical3A_629 = arith.shrui %xor3A_622, %shift_right_logical3A_628 : vector<1x8x2048xi32>
    %or3A_630 = arith.ori %shift_left3A_626, %shift_right_logical3A_629 : vector<1x8x2048xi32>
    %xor3A_631 = arith.xori %add3A_623, %or3A_630 : vector<1x8x2048xi32>
    %add3A_632 = arith.addi %add3A_623, %xor3A_631 : vector<1x8x2048xi32>
    %shift_left3A_633 = arith.constant 6 : i32
    %shift_left3A_634 = vector.broadcast %shift_left3A_633 : i32 to vector<1x8x2048xi32>
    %shift_left3A_635 = arith.shli %xor3A_631, %shift_left3A_634 : vector<1x8x2048xi32>
    %shift_right_logical3A_636 = arith.constant 26 : i32
    %shift_right_logical3A_637 = vector.broadcast %shift_right_logical3A_636 : i32 to vector<1x8x2048xi32>
    %shift_right_logical3A_638 = arith.shrui %xor3A_631, %shift_right_logical3A_637 : vector<1x8x2048xi32>
    %or3A_639 = arith.ori %shift_left3A_635, %shift_right_logical3A_638 : vector<1x8x2048xi32>
    %xor3A_640 = arith.xori %add3A_632, %or3A_639 : vector<1x8x2048xi32>
    %add3A_641 = arith.constant -1378843660 : i32
    %add3A_642 = vector.broadcast %add3A_641 : i32 to vector<1x8x2048xi32>
    %add3A_643 = arith.addi %add3A_632, %add3A_642 : vector<1x8x2048xi32>
    %add3A_644 = arith.constant -1244255485 : i32
    %add3A_645 = vector.broadcast %add3A_644 : i32 to vector<1x8x2048xi32>
    %add3A_646 = arith.addi %xor3A_640, %add3A_645 : vector<1x8x2048xi32>
    %add3A_647 = arith.constant 1 : i32
    %add3A_648 = vector.broadcast %add3A_647 : i32 to vector<1x8x2048xi32>
    %add3A_649 = arith.addi %add3A_646, %add3A_648 : vector<1x8x2048xi32>
    %add3A_650 = arith.addi %add3A_643, %add3A_649 : vector<1x8x2048xi32>
    %shift_left3A_651 = arith.constant 17 : i32
    %shift_left3A_652 = vector.broadcast %shift_left3A_651 : i32 to vector<1x8x2048xi32>
    %shift_left3A_653 = arith.shli %add3A_649, %shift_left3A_652 : vector<1x8x2048xi32>
    %shift_right_logical3A_654 = arith.constant 15 : i32
    %shift_right_logical3A_655 = vector.broadcast %shift_right_logical3A_654 : i32 to vector<1x8x2048xi32>
    %shift_right_logical3A_656 = arith.shrui %add3A_649, %shift_right_logical3A_655 : vector<1x8x2048xi32>
    %or3A_657 = arith.ori %shift_left3A_653, %shift_right_logical3A_656 : vector<1x8x2048xi32>
    %xor3A_658 = arith.xori %add3A_650, %or3A_657 : vector<1x8x2048xi32>
    %add3A_659 = arith.addi %add3A_650, %xor3A_658 : vector<1x8x2048xi32>
    %shift_left3A_660 = arith.constant 29 : i32
    %shift_left3A_661 = vector.broadcast %shift_left3A_660 : i32 to vector<1x8x2048xi32>
    %shift_left3A_662 = arith.shli %xor3A_658, %shift_left3A_661 : vector<1x8x2048xi32>
    %shift_right_logical3A_663 = arith.constant 3 : i32
    %shift_right_logical3A_664 = vector.broadcast %shift_right_logical3A_663 : i32 to vector<1x8x2048xi32>
    %shift_right_logical3A_665 = arith.shrui %xor3A_658, %shift_right_logical3A_664 : vector<1x8x2048xi32>
    %or3A_666 = arith.ori %shift_left3A_662, %shift_right_logical3A_665 : vector<1x8x2048xi32>
    %xor3A_667 = arith.xori %add3A_659, %or3A_666 : vector<1x8x2048xi32>
    %add3A_668 = arith.addi %add3A_659, %xor3A_667 : vector<1x8x2048xi32>
    %shift_left3A_669 = arith.constant 16 : i32
    %shift_left3A_670 = vector.broadcast %shift_left3A_669 : i32 to vector<1x8x2048xi32>
    %shift_left3A_671 = arith.shli %xor3A_667, %shift_left3A_670 : vector<1x8x2048xi32>
    %shift_right_logical3A_672 = arith.constant 16 : i32
    %shift_right_logical3A_673 = vector.broadcast %shift_right_logical3A_672 : i32 to vector<1x8x2048xi32>
    %shift_right_logical3A_674 = arith.shrui %xor3A_667, %shift_right_logical3A_673 : vector<1x8x2048xi32>
    %or3A_675 = arith.ori %shift_left3A_671, %shift_right_logical3A_674 : vector<1x8x2048xi32>
    %xor3A_676 = arith.xori %add3A_668, %or3A_675 : vector<1x8x2048xi32>
    %add3A_677 = arith.addi %add3A_668, %xor3A_676 : vector<1x8x2048xi32>
    %shift_left3A_678 = arith.constant 24 : i32
    %shift_left3A_679 = vector.broadcast %shift_left3A_678 : i32 to vector<1x8x2048xi32>
    %shift_left3A_680 = arith.shli %xor3A_676, %shift_left3A_679 : vector<1x8x2048xi32>
    %shift_right_logical3A_681 = arith.constant 8 : i32
    %shift_right_logical3A_682 = vector.broadcast %shift_right_logical3A_681 : i32 to vector<1x8x2048xi32>
    %shift_right_logical3A_683 = arith.shrui %xor3A_676, %shift_right_logical3A_682 : vector<1x8x2048xi32>
    %or3A_684 = arith.ori %shift_left3A_680, %shift_right_logical3A_683 : vector<1x8x2048xi32>
    %xor3A_685 = arith.xori %add3A_677, %or3A_684 : vector<1x8x2048xi32>
    %add3A_686 = arith.constant -1244255485 : i32
    %add3A_687 = vector.broadcast %add3A_686 : i32 to vector<1x8x2048xi32>
    %add3A_688 = arith.addi %add3A_677, %add3A_687 : vector<1x8x2048xi32>
    %add3A_689 = arith.constant 64467757 : i32
    %add3A_690 = vector.broadcast %add3A_689 : i32 to vector<1x8x2048xi32>
    %add3A_691 = arith.addi %xor3A_685, %add3A_690 : vector<1x8x2048xi32>
    %add3A_692 = arith.constant 2 : i32
    %add3A_693 = vector.broadcast %add3A_692 : i32 to vector<1x8x2048xi32>
    %add3A_694 = arith.addi %add3A_691, %add3A_693 : vector<1x8x2048xi32>
    %add3A_695 = arith.addi %add3A_688, %add3A_694 : vector<1x8x2048xi32>
    %shift_left3A_696 = arith.constant 13 : i32
    %shift_left3A_697 = vector.broadcast %shift_left3A_696 : i32 to vector<1x8x2048xi32>
    %shift_left3A_698 = arith.shli %add3A_694, %shift_left3A_697 : vector<1x8x2048xi32>
    %shift_right_logical3A_699 = arith.constant 19 : i32
    %shift_right_logical3A_700 = vector.broadcast %shift_right_logical3A_699 : i32 to vector<1x8x2048xi32>
    %shift_right_logical3A_701 = arith.shrui %add3A_694, %shift_right_logical3A_700 : vector<1x8x2048xi32>
    %or3A_702 = arith.ori %shift_left3A_698, %shift_right_logical3A_701 : vector<1x8x2048xi32>
    %xor3A_703 = arith.xori %add3A_695, %or3A_702 : vector<1x8x2048xi32>
    %add3A_704 = arith.addi %add3A_695, %xor3A_703 : vector<1x8x2048xi32>
    %shift_left3A_705 = arith.constant 15 : i32
    %shift_left3A_706 = vector.broadcast %shift_left3A_705 : i32 to vector<1x8x2048xi32>
    %shift_left3A_707 = arith.shli %xor3A_703, %shift_left3A_706 : vector<1x8x2048xi32>
    %shift_right_logical3A_708 = arith.constant 17 : i32
    %shift_right_logical3A_709 = vector.broadcast %shift_right_logical3A_708 : i32 to vector<1x8x2048xi32>
    %shift_right_logical3A_710 = arith.shrui %xor3A_703, %shift_right_logical3A_709 : vector<1x8x2048xi32>
    %or3A_711 = arith.ori %shift_left3A_707, %shift_right_logical3A_710 : vector<1x8x2048xi32>
    %xor3A_712 = arith.xori %add3A_704, %or3A_711 : vector<1x8x2048xi32>
    %add3A_713 = arith.addi %add3A_704, %xor3A_712 : vector<1x8x2048xi32>
    %shift_left3A_714 = arith.constant 26 : i32
    %shift_left3A_715 = vector.broadcast %shift_left3A_714 : i32 to vector<1x8x2048xi32>
    %shift_left3A_716 = arith.shli %xor3A_712, %shift_left3A_715 : vector<1x8x2048xi32>
    %shift_right_logical3A_717 = arith.constant 6 : i32
    %shift_right_logical3A_718 = vector.broadcast %shift_right_logical3A_717 : i32 to vector<1x8x2048xi32>
    %shift_right_logical3A_719 = arith.shrui %xor3A_712, %shift_right_logical3A_718 : vector<1x8x2048xi32>
    %or3A_720 = arith.ori %shift_left3A_716, %shift_right_logical3A_719 : vector<1x8x2048xi32>
    %xor3A_721 = arith.xori %add3A_713, %or3A_720 : vector<1x8x2048xi32>
    %add3A_722 = arith.addi %add3A_713, %xor3A_721 : vector<1x8x2048xi32>
    %shift_left3A_723 = arith.constant 6 : i32
    %shift_left3A_724 = vector.broadcast %shift_left3A_723 : i32 to vector<1x8x2048xi32>
    %shift_left3A_725 = arith.shli %xor3A_721, %shift_left3A_724 : vector<1x8x2048xi32>
    %shift_right_logical3A_726 = arith.constant 26 : i32
    %shift_right_logical3A_727 = vector.broadcast %shift_right_logical3A_726 : i32 to vector<1x8x2048xi32>
    %shift_right_logical3A_728 = arith.shrui %xor3A_721, %shift_right_logical3A_727 : vector<1x8x2048xi32>
    %or3A_729 = arith.ori %shift_left3A_725, %shift_right_logical3A_728 : vector<1x8x2048xi32>
    %xor3A_730 = arith.xori %add3A_722, %or3A_729 : vector<1x8x2048xi32>
    %add3A_731 = arith.constant 64467757 : i32
    %add3A_732 = vector.broadcast %add3A_731 : i32 to vector<1x8x2048xi32>
    %add3A_733 = arith.addi %add3A_722, %add3A_732 : vector<1x8x2048xi32>
    %add3A_734 = arith.constant -1378843660 : i32
    %add3A_735 = vector.broadcast %add3A_734 : i32 to vector<1x8x2048xi32>
    %add3A_736 = arith.addi %xor3A_730, %add3A_735 : vector<1x8x2048xi32>
    %add3A_737 = arith.constant 3 : i32
    %add3A_738 = vector.broadcast %add3A_737 : i32 to vector<1x8x2048xi32>
    %add3A_739 = arith.addi %add3A_736, %add3A_738 : vector<1x8x2048xi32>
    %add3A_740 = arith.addi %add3A_733, %add3A_739 : vector<1x8x2048xi32>
    %shift_left3A_741 = arith.constant 17 : i32
    %shift_left3A_742 = vector.broadcast %shift_left3A_741 : i32 to vector<1x8x2048xi32>
    %shift_left3A_743 = arith.shli %add3A_739, %shift_left3A_742 : vector<1x8x2048xi32>
    %shift_right_logical3A_744 = arith.constant 15 : i32
    %shift_right_logical3A_745 = vector.broadcast %shift_right_logical3A_744 : i32 to vector<1x8x2048xi32>
    %shift_right_logical3A_746 = arith.shrui %add3A_739, %shift_right_logical3A_745 : vector<1x8x2048xi32>
    %or3A_747 = arith.ori %shift_left3A_743, %shift_right_logical3A_746 : vector<1x8x2048xi32>
    %xor3A_748 = arith.xori %add3A_740, %or3A_747 : vector<1x8x2048xi32>
    %add3A_749 = arith.addi %add3A_740, %xor3A_748 : vector<1x8x2048xi32>
    %shift_left3A_750 = arith.constant 29 : i32
    %shift_left3A_751 = vector.broadcast %shift_left3A_750 : i32 to vector<1x8x2048xi32>
    %shift_left3A_752 = arith.shli %xor3A_748, %shift_left3A_751 : vector<1x8x2048xi32>
    %shift_right_logical3A_753 = arith.constant 3 : i32
    %shift_right_logical3A_754 = vector.broadcast %shift_right_logical3A_753 : i32 to vector<1x8x2048xi32>
    %shift_right_logical3A_755 = arith.shrui %xor3A_748, %shift_right_logical3A_754 : vector<1x8x2048xi32>
    %or3A_756 = arith.ori %shift_left3A_752, %shift_right_logical3A_755 : vector<1x8x2048xi32>
    %xor3A_757 = arith.xori %add3A_749, %or3A_756 : vector<1x8x2048xi32>
    %add3A_758 = arith.addi %add3A_749, %xor3A_757 : vector<1x8x2048xi32>
    %shift_left3A_759 = arith.constant 16 : i32
    %shift_left3A_760 = vector.broadcast %shift_left3A_759 : i32 to vector<1x8x2048xi32>
    %shift_left3A_761 = arith.shli %xor3A_757, %shift_left3A_760 : vector<1x8x2048xi32>
    %shift_right_logical3A_762 = arith.constant 16 : i32
    %shift_right_logical3A_763 = vector.broadcast %shift_right_logical3A_762 : i32 to vector<1x8x2048xi32>
    %shift_right_logical3A_764 = arith.shrui %xor3A_757, %shift_right_logical3A_763 : vector<1x8x2048xi32>
    %or3A_765 = arith.ori %shift_left3A_761, %shift_right_logical3A_764 : vector<1x8x2048xi32>
    %xor3A_766 = arith.xori %add3A_758, %or3A_765 : vector<1x8x2048xi32>
    %add3A_767 = arith.addi %add3A_758, %xor3A_766 : vector<1x8x2048xi32>
    %shift_left3A_768 = arith.constant 24 : i32
    %shift_left3A_769 = vector.broadcast %shift_left3A_768 : i32 to vector<1x8x2048xi32>
    %shift_left3A_770 = arith.shli %xor3A_766, %shift_left3A_769 : vector<1x8x2048xi32>
    %shift_right_logical3A_771 = arith.constant 8 : i32
    %shift_right_logical3A_772 = vector.broadcast %shift_right_logical3A_771 : i32 to vector<1x8x2048xi32>
    %shift_right_logical3A_773 = arith.shrui %xor3A_766, %shift_right_logical3A_772 : vector<1x8x2048xi32>
    %or3A_774 = arith.ori %shift_left3A_770, %shift_right_logical3A_773 : vector<1x8x2048xi32>
    %xor3A_775 = arith.xori %add3A_767, %or3A_774 : vector<1x8x2048xi32>
    %add3A_776 = arith.constant -1378843660 : i32
    %add3A_777 = vector.broadcast %add3A_776 : i32 to vector<1x8x2048xi32>
    %add3A_778 = arith.addi %add3A_767, %add3A_777 : vector<1x8x2048xi32>
    %add3A_779 = arith.constant -1244255485 : i32
    %add3A_780 = vector.broadcast %add3A_779 : i32 to vector<1x8x2048xi32>
    %add3A_781 = arith.addi %xor3A_775, %add3A_780 : vector<1x8x2048xi32>
    %add3A_782 = arith.constant 4 : i32
    %add3A_783 = vector.broadcast %add3A_782 : i32 to vector<1x8x2048xi32>
    %add3A_784 = arith.addi %add3A_781, %add3A_783 : vector<1x8x2048xi32>
    %add3A_785 = arith.addi %add3A_778, %add3A_784 : vector<1x8x2048xi32>
    %shift_left3A_786 = arith.constant 13 : i32
    %shift_left3A_787 = vector.broadcast %shift_left3A_786 : i32 to vector<1x8x2048xi32>
    %shift_left3A_788 = arith.shli %add3A_784, %shift_left3A_787 : vector<1x8x2048xi32>
    %shift_right_logical3A_789 = arith.constant 19 : i32
    %shift_right_logical3A_790 = vector.broadcast %shift_right_logical3A_789 : i32 to vector<1x8x2048xi32>
    %shift_right_logical3A_791 = arith.shrui %add3A_784, %shift_right_logical3A_790 : vector<1x8x2048xi32>
    %or3A_792 = arith.ori %shift_left3A_788, %shift_right_logical3A_791 : vector<1x8x2048xi32>
    %xor3A_793 = arith.xori %add3A_785, %or3A_792 : vector<1x8x2048xi32>
    %add3A_794 = arith.addi %add3A_785, %xor3A_793 : vector<1x8x2048xi32>
    %shift_left3A_795 = arith.constant 15 : i32
    %shift_left3A_796 = vector.broadcast %shift_left3A_795 : i32 to vector<1x8x2048xi32>
    %shift_left3A_797 = arith.shli %xor3A_793, %shift_left3A_796 : vector<1x8x2048xi32>
    %shift_right_logical3A_798 = arith.constant 17 : i32
    %shift_right_logical3A_799 = vector.broadcast %shift_right_logical3A_798 : i32 to vector<1x8x2048xi32>
    %shift_right_logical3A_800 = arith.shrui %xor3A_793, %shift_right_logical3A_799 : vector<1x8x2048xi32>
    %or3A_801 = arith.ori %shift_left3A_797, %shift_right_logical3A_800 : vector<1x8x2048xi32>
    %xor3A_802 = arith.xori %add3A_794, %or3A_801 : vector<1x8x2048xi32>
    %add3A_803 = arith.addi %add3A_794, %xor3A_802 : vector<1x8x2048xi32>
    %shift_left3A_804 = arith.constant 26 : i32
    %shift_left3A_805 = vector.broadcast %shift_left3A_804 : i32 to vector<1x8x2048xi32>
    %shift_left3A_806 = arith.shli %xor3A_802, %shift_left3A_805 : vector<1x8x2048xi32>
    %shift_right_logical3A_807 = arith.constant 6 : i32
    %shift_right_logical3A_808 = vector.broadcast %shift_right_logical3A_807 : i32 to vector<1x8x2048xi32>
    %shift_right_logical3A_809 = arith.shrui %xor3A_802, %shift_right_logical3A_808 : vector<1x8x2048xi32>
    %or3A_810 = arith.ori %shift_left3A_806, %shift_right_logical3A_809 : vector<1x8x2048xi32>
    %xor3A_811 = arith.xori %add3A_803, %or3A_810 : vector<1x8x2048xi32>
    %add3A_812 = arith.addi %add3A_803, %xor3A_811 : vector<1x8x2048xi32>
    %shift_left3A_813 = arith.constant 6 : i32
    %shift_left3A_814 = vector.broadcast %shift_left3A_813 : i32 to vector<1x8x2048xi32>
    %shift_left3A_815 = arith.shli %xor3A_811, %shift_left3A_814 : vector<1x8x2048xi32>
    %shift_right_logical3A_816 = arith.constant 26 : i32
    %shift_right_logical3A_817 = vector.broadcast %shift_right_logical3A_816 : i32 to vector<1x8x2048xi32>
    %shift_right_logical3A_818 = arith.shrui %xor3A_811, %shift_right_logical3A_817 : vector<1x8x2048xi32>
    %or3A_819 = arith.ori %shift_left3A_815, %shift_right_logical3A_818 : vector<1x8x2048xi32>
    %xor3A_820 = arith.xori %add3A_812, %or3A_819 : vector<1x8x2048xi32>
    %add3A_821 = arith.constant -1244255485 : i32
    %add3A_822 = vector.broadcast %add3A_821 : i32 to vector<1x8x2048xi32>
    %add3A_823 = arith.addi %add3A_812, %add3A_822 : vector<1x8x2048xi32>
    %add3A_824 = arith.constant 64467757 : i32
    %add3A_825 = vector.broadcast %add3A_824 : i32 to vector<1x8x2048xi32>
    %add3A_826 = arith.addi %xor3A_820, %add3A_825 : vector<1x8x2048xi32>
    %add3A_827 = arith.constant 5 : i32
    %add3A_828 = vector.broadcast %add3A_827 : i32 to vector<1x8x2048xi32>
    %add3A_829 = arith.addi %add3A_826, %add3A_828 : vector<1x8x2048xi32>
    %xor3A_830 = arith.xori %add3A_823, %add3A_829 : vector<1x8x2048xi32>
    %shift_right_logical3A_831 = arith.constant 9 : i32
    %shift_right_logical3A_832 = vector.broadcast %shift_right_logical3A_831 : i32 to vector<1x8x2048xi32>
    %shift_right_logical3A_833 = arith.shrui %xor3A_830, %shift_right_logical3A_832 : vector<1x8x2048xi32>
    %or3A_834 = arith.constant 1065353216 : i32
    %or3A_835 = vector.broadcast %or3A_834 : i32 to vector<1x8x2048xi32>
    %or3A_836 = arith.ori %shift_right_logical3A_833, %or3A_835 : vector<1x8x2048xi32>
    %bitcast_convert_type3A_837 = tpu.bitcast %or3A_836 : vector<1x8x2048xi32> -> vector<1x8x2048xf32>
    %sub3A_838 = arith.constant 1.000000e+00 : f32
    %sub3A_839 = vector.broadcast %sub3A_838 : f32 to vector<1x8x2048xf32>
    %sub3A_840 = arith.subf %bitcast_convert_type3A_837, %sub3A_839 : vector<1x8x2048xf32>
    %mul3A_841 = arith.constant 2.000000e+00 : f32
    %mul3A_842 = vector.broadcast %mul3A_841 : f32 to vector<1x8x2048xf32>
    %mul3A_843 = arith.mulf %sub3A_840, %mul3A_842 : vector<1x8x2048xf32>
    %add3A_844 = arith.constant -0.99999994 : f32
    %add3A_845 = vector.broadcast %add3A_844 : f32 to vector<1x8x2048xf32>
    %add3A_846 = arith.addf %mul3A_843, %add3A_845 : vector<1x8x2048xf32>
    %max3A_847 = arith.constant -0.99999994 : f32
    %max3A_848 = vector.broadcast %max3A_847 : f32 to vector<1x8x2048xf32>
    %max3A_849 = arith.maximumf %max3A_848, %add3A_846 : vector<1x8x2048xf32>
    %erf_inv3A = arith.constant 0.000000e+00 : f32
    %erf_inv3A_850 = vector.broadcast %erf_inv3A : f32 to vector<1x8x2048xf32>
    %erf_inv3A_851 = arith.subf %erf_inv3A_850, %max3A_849 : vector<1x8x2048xf32>
    %erf_inv3A_852 = arith.mulf %max3A_849, %erf_inv3A_851 : vector<1x8x2048xf32>
    %erf_inv3A_853 = math.log1p %erf_inv3A_852 : vector<1x8x2048xf32>
    %erf_inv3A_854 = arith.constant 0.000000e+00 : f32
    %erf_inv3A_855 = vector.broadcast %erf_inv3A_854 : f32 to vector<1x8x2048xf32>
    %erf_inv3A_856 = arith.subf %erf_inv3A_855, %erf_inv3A_853 : vector<1x8x2048xf32>
    %erf_inv3A_857 = arith.constant 5.000000e+00 : f32
    %erf_inv3A_858 = vector.broadcast %erf_inv3A_857 : f32 to vector<1x8x2048xf32>
    %erf_inv3A_859 = arith.cmpf olt, %erf_inv3A_856, %erf_inv3A_858 : vector<1x8x2048xf32>
    %erf_inv3A_860 = arith.constant 2.500000e+00 : f32
    %erf_inv3A_861 = vector.broadcast %erf_inv3A_860 : f32 to vector<1x8x2048xf32>
    %erf_inv3A_862 = arith.subf %erf_inv3A_856, %erf_inv3A_861 : vector<1x8x2048xf32>
    %erf_inv3A_863 = math.sqrt %erf_inv3A_856 : vector<1x8x2048xf32>
    %erf_inv3A_864 = arith.constant 3.000000e+00 : f32
    %erf_inv3A_865 = vector.broadcast %erf_inv3A_864 : f32 to vector<1x8x2048xf32>
    %erf_inv3A_866 = arith.subf %erf_inv3A_863, %erf_inv3A_865 : vector<1x8x2048xf32>
    %erf_inv3A_867 = arith.select %erf_inv3A_859, %erf_inv3A_862, %erf_inv3A_866 : vector<1x8x2048xi1>, vector<1x8x2048xf32>
    %erf_inv3A_868 = arith.constant 2.81022636E-8 : f32
    %erf_inv3A_869 = arith.constant -2.00214257E-4 : f32
    %erf_inv3A_870 = vector.broadcast %erf_inv3A_868 : f32 to vector<1x8x2048xf32>
    %erf_inv3A_871 = vector.broadcast %erf_inv3A_869 : f32 to vector<1x8x2048xf32>
    %erf_inv3A_872 = arith.select %erf_inv3A_859, %erf_inv3A_870, %erf_inv3A_871 : vector<1x8x2048xi1>, vector<1x8x2048xf32>
    %erf_inv3A_873 = arith.constant 3.43273939E-7 : f32
    %erf_inv3A_874 = arith.constant 1.00950558E-4 : f32
    %erf_inv3A_875 = vector.broadcast %erf_inv3A_873 : f32 to vector<1x8x2048xf32>
    %erf_inv3A_876 = vector.broadcast %erf_inv3A_874 : f32 to vector<1x8x2048xf32>
    %erf_inv3A_877 = arith.select %erf_inv3A_859, %erf_inv3A_875, %erf_inv3A_876 : vector<1x8x2048xi1>, vector<1x8x2048xf32>
    %erf_inv3A_878 = arith.mulf %erf_inv3A_872, %erf_inv3A_867 : vector<1x8x2048xf32>
    %erf_inv3A_879 = arith.addf %erf_inv3A_877, %erf_inv3A_878 : vector<1x8x2048xf32>
    %erf_inv3A_880 = arith.constant -3.5233877E-6 : f32
    %erf_inv3A_881 = arith.constant 0.00134934322 : f32
    %erf_inv3A_882 = vector.broadcast %erf_inv3A_880 : f32 to vector<1x8x2048xf32>
    %erf_inv3A_883 = vector.broadcast %erf_inv3A_881 : f32 to vector<1x8x2048xf32>
    %erf_inv3A_884 = arith.select %erf_inv3A_859, %erf_inv3A_882, %erf_inv3A_883 : vector<1x8x2048xi1>, vector<1x8x2048xf32>
    %erf_inv3A_885 = arith.mulf %erf_inv3A_879, %erf_inv3A_867 : vector<1x8x2048xf32>
    %erf_inv3A_886 = arith.addf %erf_inv3A_884, %erf_inv3A_885 : vector<1x8x2048xf32>
    %erf_inv3A_887 = arith.constant -4.39150654E-6 : f32
    %erf_inv3A_888 = arith.constant -0.00367342844 : f32
    %erf_inv3A_889 = vector.broadcast %erf_inv3A_887 : f32 to vector<1x8x2048xf32>
    %erf_inv3A_890 = vector.broadcast %erf_inv3A_888 : f32 to vector<1x8x2048xf32>
    %erf_inv3A_891 = arith.select %erf_inv3A_859, %erf_inv3A_889, %erf_inv3A_890 : vector<1x8x2048xi1>, vector<1x8x2048xf32>
    %erf_inv3A_892 = arith.mulf %erf_inv3A_886, %erf_inv3A_867 : vector<1x8x2048xf32>
    %erf_inv3A_893 = arith.addf %erf_inv3A_891, %erf_inv3A_892 : vector<1x8x2048xf32>
    %erf_inv3A_894 = arith.constant 2.1858087E-4 : f32
    %erf_inv3A_895 = arith.constant 0.00573950773 : f32
    %erf_inv3A_896 = vector.broadcast %erf_inv3A_894 : f32 to vector<1x8x2048xf32>
    %erf_inv3A_897 = vector.broadcast %erf_inv3A_895 : f32 to vector<1x8x2048xf32>
    %erf_inv3A_898 = arith.select %erf_inv3A_859, %erf_inv3A_896, %erf_inv3A_897 : vector<1x8x2048xi1>, vector<1x8x2048xf32>
    %erf_inv3A_899 = arith.mulf %erf_inv3A_893, %erf_inv3A_867 : vector<1x8x2048xf32>
    %erf_inv3A_900 = arith.addf %erf_inv3A_898, %erf_inv3A_899 : vector<1x8x2048xf32>
    %erf_inv3A_901 = arith.constant -0.00125372503 : f32
    %erf_inv3A_902 = arith.constant -0.0076224613 : f32
    %erf_inv3A_903 = vector.broadcast %erf_inv3A_901 : f32 to vector<1x8x2048xf32>
    %erf_inv3A_904 = vector.broadcast %erf_inv3A_902 : f32 to vector<1x8x2048xf32>
    %erf_inv3A_905 = arith.select %erf_inv3A_859, %erf_inv3A_903, %erf_inv3A_904 : vector<1x8x2048xi1>, vector<1x8x2048xf32>
    %erf_inv3A_906 = arith.mulf %erf_inv3A_900, %erf_inv3A_867 : vector<1x8x2048xf32>
    %erf_inv3A_907 = arith.addf %erf_inv3A_905, %erf_inv3A_906 : vector<1x8x2048xf32>
    %erf_inv3A_908 = arith.constant -0.00417768164 : f32
    %erf_inv3A_909 = arith.constant 0.00943887047 : f32
    %erf_inv3A_910 = vector.broadcast %erf_inv3A_908 : f32 to vector<1x8x2048xf32>
    %erf_inv3A_911 = vector.broadcast %erf_inv3A_909 : f32 to vector<1x8x2048xf32>
    %erf_inv3A_912 = arith.select %erf_inv3A_859, %erf_inv3A_910, %erf_inv3A_911 : vector<1x8x2048xi1>, vector<1x8x2048xf32>
    %erf_inv3A_913 = arith.mulf %erf_inv3A_907, %erf_inv3A_867 : vector<1x8x2048xf32>
    %erf_inv3A_914 = arith.addf %erf_inv3A_912, %erf_inv3A_913 : vector<1x8x2048xf32>
    %erf_inv3A_915 = arith.constant 0.246640727 : f32
    %erf_inv3A_916 = arith.constant 1.00167406 : f32
    %erf_inv3A_917 = vector.broadcast %erf_inv3A_915 : f32 to vector<1x8x2048xf32>
    %erf_inv3A_918 = vector.broadcast %erf_inv3A_916 : f32 to vector<1x8x2048xf32>
    %erf_inv3A_919 = arith.select %erf_inv3A_859, %erf_inv3A_917, %erf_inv3A_918 : vector<1x8x2048xi1>, vector<1x8x2048xf32>
    %erf_inv3A_920 = arith.mulf %erf_inv3A_914, %erf_inv3A_867 : vector<1x8x2048xf32>
    %erf_inv3A_921 = arith.addf %erf_inv3A_919, %erf_inv3A_920 : vector<1x8x2048xf32>
    %erf_inv3A_922 = arith.constant 1.50140941 : f32
    %erf_inv3A_923 = arith.constant 2.83297682 : f32
    %erf_inv3A_924 = vector.broadcast %erf_inv3A_922 : f32 to vector<1x8x2048xf32>
    %erf_inv3A_925 = vector.broadcast %erf_inv3A_923 : f32 to vector<1x8x2048xf32>
    %erf_inv3A_926 = arith.select %erf_inv3A_859, %erf_inv3A_924, %erf_inv3A_925 : vector<1x8x2048xi1>, vector<1x8x2048xf32>
    %erf_inv3A_927 = arith.mulf %erf_inv3A_921, %erf_inv3A_867 : vector<1x8x2048xf32>
    %erf_inv3A_928 = arith.addf %erf_inv3A_926, %erf_inv3A_927 : vector<1x8x2048xf32>
    %erf_inv3A_929 = math.absf %max3A_849 : vector<1x8x2048xf32>
    %erf_inv3A_930 = arith.constant 1.000000e+00 : f32
    %erf_inv3A_931 = vector.broadcast %erf_inv3A_930 : f32 to vector<1x8x2048xf32>
    %erf_inv3A_932 = arith.cmpf oeq, %erf_inv3A_929, %erf_inv3A_931 : vector<1x8x2048xf32>
    %erf_inv3A_933 = arith.constant 0x7F800000 : f32
    %erf_inv3A_934 = vector.broadcast %erf_inv3A_933 : f32 to vector<1x8x2048xf32>
    %erf_inv3A_935 = arith.mulf %erf_inv3A_934, %max3A_849 : vector<1x8x2048xf32>
    %erf_inv3A_936 = arith.mulf %erf_inv3A_928, %max3A_849 : vector<1x8x2048xf32>
    %erf_inv3A_937 = arith.select %erf_inv3A_932, %erf_inv3A_935, %erf_inv3A_936 : vector<1x8x2048xi1>, vector<1x8x2048xf32>
    %mul3A_938 = arith.constant 1.41421354 : f32
    %mul3A_939 = vector.broadcast %mul3A_938 : f32 to vector<1x8x2048xf32>
    %mul3A_940 = arith.mulf %mul3A_939, %erf_inv3A_937 : vector<1x8x2048xf32>
    %swap3A_941 = arith.constant 0 : index
    %swap3A_942 = arith.constant 0 : index
    %swap3A_943 = arith.constant 0 : index
    %swap3A_944 = vector.load %arg12[%swap3A_941, %swap3A_942, %swap3A_943] : memref<1x8x2048xf32, #tpu.memory_space<vmem>>, vector<1x8x2048xf32>
    tpu.vector_store %arg12[%swap3A_941, %swap3A_942, %swap3A_943], %mul3A_940 {strides = array<i32>} : memref<1x8x2048xf32, #tpu.memory_space<vmem>>, vector<1x8x2048xf32>,
    return
  }
  func.func @transform_0(%arg0: i32) -> (i32, i32) {
    %c0_i32 = arith.constant 0 : i32
    %c0_i32_0 = arith.constant 0 : i32
    %c0_i32_1 = arith.constant 0 : i32
    return %c0_i32, %c0_i32_0 : i32, i32
  }
  func.func @transform_1(%arg0: i32) -> (i32, i32) {
    %c0_i32 = arith.constant 0 : i32
    %c0_i32_0 = arith.constant 0 : i32
    return %arg0, %c0_i32 : i32, i32
  }
  func.func @transform_2(%arg0: i32) -> (i32, i32) {
    %c0_i32 = arith.constant 0 : i32
    %c0_i32_0 = arith.constant 0 : i32
    %c0_i32_1 = arith.constant 0 : i32
    return %c0_i32, %c0_i32_0 : i32, i32
  }
  func.func @transform_3(%arg0: i32) -> (i32, i32) {
    %c0_i32 = arith.constant 0 : i32
    %c0_i32_0 = arith.constant 0 : i32
    %c0_i32_1 = arith.constant 0 : i32
    return %c0_i32, %c0_i32_0 : i32, i32
  }
  func.func @transform_4(%arg0: i32) -> (i32, i32) {
    %c0_i32 = arith.constant 0 : i32
    %c0_i32_0 = arith.constant 0 : i32
    %c0_i32_1 = arith.constant 0 : i32
    return %c0_i32, %c0_i32_0 : i32, i32
  }
  func.func @transform_5(%arg0: i32) -> (i32, i32) {
    %c0_i32 = arith.constant 0 : i32
    %c0_i32_0 = arith.constant 0 : i32
    %c0_i32_1 = arith.constant 0 : i32
    return %c0_i32, %c0_i32_0 : i32, i32
  }
  func.func @transform_6(%arg0: i32) -> (i32, i32) {
    %c0_i32 = arith.constant 0 : i32
    %c0_i32_0 = arith.constant 0 : i32
    %c0_i32_1 = arith.constant 0 : i32
    return %c0_i32, %c0_i32_0 : i32, i32
  }
  func.func @transform_7(%arg0: i32) -> (i32, i32) {
    %c0_i32 = arith.constant 0 : i32
    %c0_i32_0 = arith.constant 0 : i32
    %c0_i32_1 = arith.constant 0 : i32
    return %c0_i32, %c0_i32_0 : i32, i32
  }
  func.func @transform_8(%arg0: i32) -> (i32, i32) {
    %c0_i32 = arith.constant 0 : i32
    %c0_i32_0 = arith.constant 0 : i32
    return %c0_i32, %arg0 : i32, i32
  }
  func.func @transform_9(%arg0: i32) -> (i32, i32) {
    %c0_i32 = arith.constant 0 : i32
    %c0_i32_0 = arith.constant 0 : i32
    return %arg0, %c0_i32 : i32, i32
  }
  func.func @transform_10(%arg0: i32) -> (i32, i32) {
    %c0_i32 = arith.constant 0 : i32
    %c0_i32_0 = arith.constant 0 : i32
    return %c0_i32, %arg0 : i32, i32
  }
  func.func @transform_11(%arg0: i32) -> (i32, i32, i32) {
    %c0_i32 = arith.constant 0 : i32
    %c0_i32_0 = arith.constant 0 : i32
    %c0_i32_1 = arith.constant 0 : i32
    return %arg0, %c0_i32, %c0_i32_0 : i32, i32, i32
  }
}

</mosaic_0001>

<sc_bundles>
// kernel: kernel.4.cloned.1.call-start
scs
__scs_entry_jumppad:
0x0: {  	(pc) =	sbr.rel $0x88, $3  }
0x1: {  	(tag) =	ssettag $0x0;
	lr =	simm.s32 $0x1  }
0x2: {  	[smem:$0x3F97] =	sst lr;
	_ =	strace $0xD0000000  }
0x3: {  	_ = 	snop  }
0x4: {  	_ = 	snop  }
0x5: {  	_ = 	snop  }
0x6: {  	_ = 	snop  }
0x7: {  	_ = 	snop  }
__scs_overlays_trampoline_lowered:
0x8: {  	[smem:$0x3FA6] =	sst s0  }
0x9: {  	[smem:$0x3FA7] =	sst s1  }
0xa: {  	[smem:$0x3FA8] =	sst s2  }
0xb: {  	[smem:$0x3FA9] =	sst s3  }
0xc: {  	[smem:$0x3FAA] =	sst s4  }
0xd: {  	[smem:$0x3FAB] =	sst s5  }
0xe: {  	[smem:$0x3FAC] =	sst s6  }
0xf: {  	[smem:$0x3FAD] =	sst s7  }
0x10: {  	[smem:$0x3FAE] =	sst s8  }
0x11: {  	[smem:$0x3FAF] =	sst s9;
	s0 =	simm.s32 @!p0 $0x0  }
0x12: {  	s1 =	sld [smem:$0x3F95];
	s0 =	simm.s32 @p0 $0x1  }
0x13: {  	[smem:$0x3FB0] =	sst s0;
	s0 =	simm.s32 @!p1 $0x0  }
0x14: {  	s2 =	sld [smem:$0x3F94];
	s0 =	simm.s32 @p1 $0x1  }
0x15: {  	[smem:$0x3FB1] =	sst s0;
	s0 =	simm.s32 @!p2 $0x0  }
0x16: {  	s3 =	sld [smem:$0x3FDB];
	s0 =	simm.s32 @p2 $0x1  }
0x17: {  	s4 =	simm.s32 $0x1BF5;
	[smem:$0x3FB3] =	sst s0  }
0x18: {  	s0 =	sld [smem:$0x3F96];
	_ =	swait.ge [sflag:s4], $0x0  }
0x19: {  	s7 =	sld [smem:$0x3F97]  }
0x1a: {  	s8 =	sadd.s32 $0xFFFFE003, lr  }
0x1b: {  	s9 =	sadd.s32 $0xFFFFFEF7, lr;
	s5 =	simm.s32 $0xFFFFFFFF;
	p2 =	slt.u32 s8, $0xFFFFF086  }
0x1c: {  	p1 =	slt.u32 s9, $0xF7A;
	s5 =	simm.s32 @!p2 $0x0  }
0x1d: {  	s5 =	simm.s32 @p1 $0x1;
	p0 =	seq.s32 s7, s2  }
0x1e: {  	s7 =	smul.u32 @!p0 $0xF7A, s2;
	p2 =	seq.s32 @!p0 s5, $0x0  }
0x1f: {  	s9 =	smul.u32 $0xF7A, s1;
	s8 =	simm.s32 @!p0 $0x1BF5;
	p2 =	por !p2, p0  }
0x20: {  	[sflag:s8] =	ssyncset.s32 @!p0 $0xFFFFF086;
	s6 =	sadd.s32 @!p0 s3, s7;
	s7 =	simm.s32 @!p0 $0x108  }
0x21: {  	s3 =	sadd.s32 s3, s9;
	s6 =	sadd.s32 @!p0 $0x88, s6;
	s7 =	simm.s32 @p2 $0x1082  }
0x22: {  	[simem:s7], [sflag:s8] =	dma.local @!p0 [hbm:s6], $0xF7A  }
0x23: {  	s9 =	sor.u32 $0xD0000000, s2;
	s6 =	simm.s32 $0x108;
	_ =	swait.ge @!p0 [sflag:s8], $0x0  }
0x24: {  	s3 =	sadd.s32 $0x88, s3;
	s6 =	simm.s32 @!p1 $0x1082;
	[sflag:s4] =	ssyncset.s32 $0xFFFFF086  }
0x25: {  	[simem:s6], [sflag:s4] =	dma.local [hbm:s3], $0xF7A  }
0x26: {  	[smem:$0x3F97] =	sst s1;
	(tag) =	ssettag s2;
	_ =	strace s9  }
0x27: {  	s1 =	sld [smem:$0x3FA7]  }
0x28: {  	s2 =	sld [smem:$0x3FA8]  }
0x29: {  	s4 =	sld [smem:$0x3FAA]  }
0x2a: {  	p0 =	seq.s32 s5, $0x0;
	s5 =	sld [smem:$0x3FAB]  }
0x2b: {  	s6 =	sld [smem:$0x3FAC]  }
0x2c: {  	s7 =	sld [smem:$0x3FAD]  }
0x2d: {  	s3 =	simm.s32 $0x108;
	s8 =	sld [smem:$0x3FAE]  }
0x2e: {  	s3 =	simm.s32 @!p0 $0x1082;
	s9 =	sld [smem:$0x3FAF]  }
0x2f: {  	lr =	sadd.s32 s0, s3;
	s0 =	sld [smem:$0x3FA6]  }
0x30: {  	s3 =	sld [smem:$0x3FA9]  }
0x31: {  	[smem:$0x3FB2] =	sst s10  }
0x32: {  	s10 =	sld [smem:$0x3FB0];
	_ =	sdelay $0x3  }
0x33: {  	p0 =	seq.s32 s10, $0x1;
	s10 =	sld [smem:$0x3FB2];
	_ =	sdelay $0x3  }
0x34: {  	[smem:$0x3FB2] =	sst s10  }
0x35: {  	s10 =	sld [smem:$0x3FB1];
	_ =	sdelay $0x3  }
0x36: {  	p1 =	seq.s32 s10, $0x1;
	s10 =	sld [smem:$0x3FB2];
	_ =	sdelay $0x3  }
0x37: {  	[smem:$0x3FB2] =	sst s10  }
0x38: {  	s10 =	sld [smem:$0x3FB3]  }
0x39: {  	_ = 	snop;
	(pc) =	sbr.ind lr, $3  }
0x3a: {  	_ = 	snop  }
0x3b: {  	_ = 	snop  }
0x3c: {  	p2 =	seq.s32 s10, $0x1;
	s10 =	sld [smem:$0x3FB2]  }
0x3d: {  	_ =	shalt  }
0x3e: {  	_ =	shalt  }
0x3f: {  	_ =	shalt  }
0x40: {  	_ =	shalt  }
0x41: {  	_ =	shalt  }
0x42: {  	_ =	shalt  }
0x43: {  	_ =	shalt  }
0x44: {  	_ =	shalt  }
0x45: {  	_ =	shalt  }
0x46: {  	_ =	shalt  }
0x47: {  	_ =	shalt  }
0x48: {  	_ =	shalt  }
0x49: {  	_ =	shalt  }
0x4a: {  	_ =	shalt  }
0x4b: {  	_ =	shalt  }
0x4c: {  	_ =	shalt  }
0x4d: {  	_ =	shalt  }
0x4e: {  	_ =	shalt  }
0x4f: {  	_ =	shalt  }
0x50: {  	_ =	shalt  }
0x51: {  	_ =	shalt  }
0x52: {  	_ =	shalt  }
0x53: {  	_ =	shalt  }
0x54: {  	_ =	shalt  }
0x55: {  	_ =	shalt  }
0x56: {  	_ =	shalt  }
0x57: {  	_ =	shalt  }
0x58: {  	_ =	shalt  }
0x59: {  	_ =	shalt  }
0x5a: {  	_ =	shalt  }
0x5b: {  	_ =	shalt  }
0x5c: {  	_ =	shalt  }
0x5d: {  	_ =	shalt  }
0x5e: {  	_ =	shalt  }
0x5f: {  	_ =	shalt  }
0x60: {  	_ =	shalt  }
0x61: {  	_ =	shalt  }
0x62: {  	_ =	shalt  }
0x63: {  	_ =	shalt  }
0x64: {  	_ =	shalt  }
0x65: {  	_ =	shalt  }
0x66: {  	_ =	shalt  }
0x67: {  	_ =	shalt  }
0x68: {  	_ =	shalt  }
0x69: {  	_ =	shalt  }
0x6a: {  	_ =	shalt  }
0x6b: {  	_ =	shalt  }
0x6c: {  	_ =	shalt  }
0x6d: {  	_ =	shalt  }
0x6e: {  	_ =	shalt  }
0x6f: {  	_ =	shalt  }
0x70: {  	_ =	shalt  }
0x71: {  	_ =	shalt  }
0x72: {  	_ =	shalt  }
0x73: {  	_ =	shalt  }
0x74: {  	_ =	shalt  }
0x75: {  	_ =	shalt  }
0x76: {  	_ =	shalt  }
0x77: {  	_ =	shalt  }
0x78: {  	_ =	shalt  }
0x79: {  	_ =	shalt  }
0x7a: {  	_ =	shalt  }
0x7b: {  	_ =	shalt  }
0x7c: {  	_ =	shalt  }
0x7d: {  	_ =	shalt  }
0x7e: {  	_ =	shalt  }
0x7f: {  	_ =	shalt  }
0x80: {  	_ =	shalt  }
0x81: {  	_ =	shalt  }
0x82: {  	_ =	shalt  }
0x83: {  	_ =	shalt  }
0x84: {  	_ =	shalt  }
0x85: {  	_ =	shalt  }
0x86: {  	_ =	shalt  }
0x87: {  	_ =	shalt  }
.Lfunc_end0:
.L_simem_size_0:
called_computation_lowered:
.L_overlay_start_0:
0x88: {  	s0 =	sld [smem:$0x3FD9]  }
0x89: {  	s1 =	sld [smem:$0x3FFE];
	_ =	sdelay $0x3  }
0x8a: {  	s0 =	sadd.s32 s1, s0  }
0x8b: {  	[smem:$0x3FBE] =	sst s0  }
0x8c: {  	_ = 	snop  }
0x8d: {  	s0 =	sld [smem:$0x3FD0]  }
0x8e: {  	s14 =	sld [smem:$0x3FC7]  }
0x8f: {  	s2 =	sld [smem:$0x3FC6]  }
0x90: {  	s4 =	simm.s32 $0xA;
	s5 =	simm.s32 $0x10;
	s3 =	sld [smem:$0x3FC4]  }
0x91: {  	[smem:s5], [sflag:s4] =	dma.local [hbm:s0], $0x1  }
0x92: {  	_ =	swait.eq [sflag:s4], $0x1  }
0x93: {  	s15 =	sld [smem:$0x10]  }
0x94: {  	s6 =	sld [smem:$0x11];
	[sflag:s4] =	ssyncset.done $0x0  }
0x95: {  	s7 =	sld [smem:$0x12];
	[sflag:s4] =	ssyncadd.s32 $0xFFFFFFFF  }
0x96: {  	s16 =	sld [smem:$0x13];
	(tm) =	ssettm $0x1  }
0x97: {  	s17 =	sld [smem:$0x3FFB];
	_ =	sdelay $0x3  }
0x98: {  	_ =	strace s17  }
0x99: {  	s0 =	sld [smem:$0x3FFC];
	_ =	sdelay $0x3  }
0x9a: {  	_ =	strace s0  }
0x9b: {  	s0 =	sld [smem:$0x3FFD];
	_ =	sdelay $0x3  }
0x9c: {  	_ =	strace s0  }
0x9d: {  	_ =	strace $0x8FFFFFFF  }
0x9e: {  	s18 =	sld [smem:$0x3FDB];
	_ =	sdelay $0x1  }
0x9f: {  	s8 =	simm.s32 $_scs_section_size  }
0xa0: {  	s9 =	simm.s32 $_size__tile_overlayer_lowered;
	s10 =	simm.s32 $_tile_overlayer_lowered  }
0xa1: {  	s11 =	simm.s32 $0x1BFF;
	s19 =	sshll.u32 s10, $0x1;
	s8 =	sadd.s32 s8, s18  }
0xa2: {  	s20 =	simm.s32 $0x0;
	s9 =	sshll.u32 s9, $0x1;
	s10 =	sadd.s32 s19, s8  }
0xa3: {  	[timem:s20], [sflag:s11] =	dma.local [hbm:s10], s9  }
0xa4: {  	_ =	swait.ge [sflag:s11], s9  }
0xa5: {  	s9 =	ssub.s32 $0x0, s9;
	[sflag:s11] =	ssyncset.done $0x0  }
0xa6: {  	[sflag:s11] =	ssyncadd.s32 s9;
	_ =	sdelay $0x1  }
0xa7: {  	s21 =	simm.s32 $0x1B8B  }
0xa8: {  	_ =	swait.ge [sflag:s21], $0x1  }
0xa9: {  	[sflag:s21] =	ssyncset.done $0x0  }
0xaa: {  	s23 =	simm.s32 $0x1B8E;
	s22 =	sld [smem:$0x3FFE];
	[sflag:s21] =	ssyncadd.s32 $0xFFFFFFFF  }
0xab: {  	s24 =	simm.s32 $execute0_lowered;
	[smem:$0x3FD2] =	sst s23  }
0xac: {  	s10 =	sshll.u32 s24, $0x1;
	_ =	strace $0x80000046;
	[dreg:$0x1] =	wrdreg $0xFFFFFFFF  }
0xad: {  	s25 =	simm.s32 $_size_execute0_lowered;
	s8 =	sadd.s32 s8, s10;
	[dreg:$0x0] =	wrdreg $0x0  }
0xae: {  	s10 =	sshll.u32 s25, $0x1;
	[dreg:$0x2] =	wrdreg s8  }
0xaf: {  	[dreg:$0x3] =	wrdreg s10  }
0xb0: {  	[dreg:$0x4] =	wrdreg $0xC0  }
0xb1: {  	_ =	task [dreg:s20], $0x5FFFF  }
0xb2: {  	[dreg:$0x1] =	wrdreg $0xFFFFFFFF  }
0xb3: {  	[dreg:$0x0] =	wrdreg $0x60  }
0xb4: {  	[dreg:$0x2] =	wrdreg s22  }
0xb5: {  	[dreg:$0x3] =	wrdreg s2  }
0xb6: {  	[dreg:$0x4] =	wrdreg s14  }
0xb7: {  	[dreg:$0x5] =	wrdreg s3  }
0xb8: {  	[dreg:$0x6] =	wrdreg s15  }
0xb9: {  	[dreg:$0x7] =	wrdreg s6  }
0xba: {  	[dreg:$0x8] =	wrdreg s7  }
0xbb: {  	[dreg:$0x9] =	wrdreg s16  }
0xbc: {  	[dreg:$0xa] =	wrdreg $0x16C100  }
0xbd: {  	[dreg:$0xb] =	wrdreg $0x17C100  }
0xbe: {  	[dreg:$0xc] =	wrdreg $0x17C200  }
0xbf: {  	[dreg:$0xd] =	wrdreg $0x17C300  }
0xc0: {  	[dreg:$0xe] =	wrdreg $0x1BC400  }
0xc1: {  	[dreg:$0xf] =	wrdreg $0x9  }
0xc2: {  	_ =	task.clear_ibuf [dreg:s20], $0x10FFFF;
	_ =	strace $0x90000046  }
0xc3: {  	s26 =	simm.s32 $0x9;
	_ =	strace $0x80000048  }
0xc4: {  	_ =	swait.ge [sflag:s26], $0x1  }
0xc5: {  	[sflag:s26] =	ssyncadd.s32 $0xFFFFFFFF  }
0xc6: {  	_ =	strace $0x90000048  }
0xc7: {  	_ =	sfence  }
0xc8: {  	s28 =	sld [smem:$0x0];
	_ =	sdelay $0x1  }
0xc9: {  	s29 =	srdreg.scid  }
0xca: {  	s30 =	sshll.u32 s29, $0xD;
	s31 =	sshrl.u32 s29, $0x2  }
0xcb: {  	s2 =	sand.u32 $0x1, s29;
	s3 =	sand.u32 $0x4000, s30;
	s1 =	sadd.s32 s31, s28  }
0xcc: {  	s2 =	sor.u32 s3, s2;
	s1 =	sshll.u32 s1, $0x11  }
0xcd: {  	s1 =	sor.u32 s1, s2  }
0xce: {  	s1 =	sadd.s32 $0x8F2B, s1  }
0xcf: {  	[sflag:s1] =	ssyncadd.remote.s32 $0x1  }
0xd0: {  	_ =	sfence.sel $0xFFFF  }
0xd1: {  	[dreg:$0x0] =	wrdreg $0xFFFFFFFF;
	(pc) =	sbr.abs _section_cstart, $3  }
0xd2: {  	[dreg:$0x1] =	wrdreg $0xFFFFFFFF  }
0xd3: {  	_ =	task.clear_ibuf [dreg:s20], $0x2FFFF;
	_ =	strace $0x9FFFFFFF  }
0xd4: {  	(tm) =	ssettm $0x7FFFFFFF  }
0xd5: {  	_ =	shalt  }
tec
execute0_lowered:
.L_overlay_start_1:
0x0: {  	(tag) =	ssettag $0x1  }
0x1: {  	s2 =	rddreg [dreg:$0x0]  }
0x2: {  	s8 =	rddreg [dreg:$0x1]  }
0x3: {  	s11 =	rddreg [dreg:$0x2]  }
0x4: {  	s14 =	rddreg [dreg:$0x3]  }
0x5: {  	s3 =	rddreg [dreg:$0x4]  }
0x6: {  	s6 =	rddreg [dreg:$0x5]  }
0x7: {  	s5 =	rddreg [dreg:$0x6]  }
0x8: {  	s4 =	rddreg [dreg:$0x7]  }
0x9: {  	s16 =	rddreg [dreg:$0x8]  }
0xa: {  	s15 =	rddreg [dreg:$0x9]  }
0xb: {  	s13 =	rddreg [dreg:$0xa]  }
0xc: {  	s10 =	rddreg [dreg:$0xb]  }
0xd: {  	s9 =	rddreg [dreg:$0xc];
	s12 =	simm.s32 $0x0  }
0xe: {  	[smem:$0x7FF] =	sst s12  }
0xf: {  	s17 =	simm.s32 $0x2;
	s1 =	sadd.s32 $0x9000, s2;
	_ =	strace $0x80000047  }
0x10: {  	[tilespmem:s12], [sflag:$0x2] =	stream.linear.gather [hbm4b:s1+s12], $0x1000, $0x38;
	[tilespmem:$0x1FC50] =	vst v63  }
0x11: {  	s1 =	stileid.u32;
	_ =	swait.ge [sflag:s17], $0x1000  }
0x12: {  	s7 =	sshll.u32 s1, $0x7;
	[sflag:s17] =	ssyncset.done $0x0  }
0x13: {  	s18 =	simm.s32 $0x2000;
	s8 =	sadd.s32 s8, s7;
	[sflag:s17] =	ssyncadd.s32 $0xFFFFF000  }
0x14: {  	[tilespmem:s18], [sflag:$0x2] =	stream.linear.gather [hbm4b:s8+s12], $0x400, $0x38;
	[tilespmem:$0x1FC50] =	vst v63  }
0x15: {  	_ =	swait.ge [sflag:s17], $0x400  }
0x16: {  	[sflag:s17] =	ssyncset.done $0x0  }
0x17: {  	s26 =	simm.s32 $0x2400;
	s25 =	sadd.s32 s11, s7;
	[sflag:s17] =	ssyncadd.s32 $0xFFFFFC00  }
0x18: {  	[tilespmem:s26], [sflag:$0x2] =	stream.linear.gather [hbm4b:s25+s12], $0x400, $0x38;
	[tilespmem:$0x1FC50] =	vst v63  }
0x19: {  	_ =	swait.ge [sflag:s17], $0x400  }
0x1a: {  	[sflag:s17] =	ssyncset.done $0x0  }
0x1b: {  	s29 =	simm.s32 $0x2800;
	s28 =	sadd.s32 s14, s7;
	[sflag:s17] =	ssyncadd.s32 $0xFFFFFC00  }
0x1c: {  	[tilespmem:s29], [sflag:$0x2] =	stream.linear.gather [hbm4b:s28+s12], $0x400, $0x38;
	[tilespmem:$0x1FC50] =	vst v63  }
0x1d: {  	s30 =	sshll.u32 s1, $0x5;
	_ =	swait.ge [sflag:s17], $0x400  }
0x1e: {  	s8 =	sadd.s32 s30, s2;
	[sflag:s17] =	ssyncset.done $0x0  }
0x1f: {  	s31 =	simm.s32 $0x2C00;
	s8 =	sadd.s32 $0xE00, s8;
	[sflag:s17] =	ssyncadd.s32 $0xFFFFFC00  }
0x20: {  	[tilespmem:s31], [sflag:$0x2] =	stream.linear.gather [hbm4b:s8+s12], $0x100, $0x38;
	[tilespmem:$0x1FC50] =	vst v63  }
0x21: {  	_ =	swait.ge [sflag:s17], $0x100  }
0x22: {  	s11 =	simm.s32 $0x0;
	[sflag:s17] =	ssyncset.done $0x0  }
0x23: {  	v0 =	vimm.s32 $0x0;
	s8 =	sadd.s32 $0x1000, s2;
	s2 =	sadd.s32 $0x9200, s2;
	[sflag:s17] =	ssyncadd.s32 $0xFFFFFF00  }
.LBB2_1:
0x24: {  	p0 =	sne.s32 s11, $0x3FC0  }
.Ltmp0:
0x25: {  	_ = 	snop;
	(pc) =	sbr.rel @p0 .LBB2_1-.Ltmp0, $3  }
0x26: {  	_ =	sdelay $0x1  }
0x27: {  	s14 =	sshra.s32 s11, $0x2  }
0x28: {  	s11 =	sadd.s32 $0x40, s11;
	[tilespmem:s14+$0x1000] =	vst v0  }
0x29: {  	s18 =	simm.s32 $0x0  }
0x2a: {  	v1 =	vld [tilespmem:s18+$0x2000];
	_ =	sdelay $0x6  }
0x2b: {  	s11 =	simm.s32 $0x0;
	v2 =	vld [tilespmem:s18+$0x2400]  }
0x2c: {  	v0 =	vld.idx.msk [tilespmem:v1+s11+$0x0], $0xffff;
	_ =	sdelay $0x4  }
0x2d: {  	vm0 =	veq.s32 v0, v2;
	_ =	sdelay $0x4  }
0x2e: {  	s14 =	simm.s32 $0x1000;
	v0 =	vimm.s32 $0x1  }
0x2f: {  	s17 =	simm.s32 $0x10;
	[tilespmem:v1+s14+$0x0] =	vst.idx.msk vm0, v0  }
0x30: {  	v1 =	vld [tilespmem:s17+$0x2000]  }
0x31: {  	v2 =	vld [tilespmem:s18+$0x2800];
	_ =	sdelay $0x4  }
0x32: {  	v2 =	vtrunc.f32 v2  }
0x33: {  	v2 =	vcvt.f32.s32 v2  }
0x34: {  	v4 =	vld [tilespmem:s17+$0x2400]  }
0x35: {  	v3 =	vld.idx.msk [tilespmem:v1+s11+$0x0], $0xffff;
	(xrf0) =	vadd.scan.msk.s32 $0xffff, v2;
	_ =	sdelay $0x4  }
0x36: {  	vm15 =	veq.s32 v3, v4  }
0x37: {  	v2, _, _ =	vpop (xrf0)  }
0x38: {  	(v2sf) =	vpush v2, $0xF;
	_ =	sdelay $0x3  }
0x39: {  	s19 =	simm.s32 $0x20;
	s18 =	simm.s32 $0xC0;
	[tilespmem:v1+s14+$0x0] =	vst.idx.msk vm15, v0  }
.LBB2_3:
0x3a: {  	p0 =	sne.s32 s18, $0xFC0;
	v1 =	vld [tilespmem:s19+$0x2000]  }
0x3b: {  	v2 =	vld [tilespmem:s17+$0x2800];
	s17 =	smov.u32 s19;
	_ =	sdelay $0x4  }
0x3c: {  	v2 =	vtrunc.f32 v2  }
0x3d: {  	v2 =	vcvt.f32.s32 v2  }
0x3e: {  	v3 =	vld.idx.msk [tilespmem:v1+s11+$0x0], $0xffff  }
0x3f: {  	v4 =	vld [tilespmem:s17+$0x2400];
	(xrf0) =	vadd.scan.msk.s32 $0xffff, v2  }
0x40: {  	s19 =	spop (v2sf)  }
0x41: {  	s12 =	sadd.s32 s12, s19;
	_ =	sdelay $0x2  }
0x42: {  	vm0 =	veq.s32 v3, v4  }
0x43: {  	v2, _, _ =	vpop (xrf0)  }
.Ltmp1:
0x44: {  	(v2sf) =	vpush v2, $0xF;
	(pc) =	sbr.rel @p0 .LBB2_3-.Ltmp1, $2  }
0x45: {  	_ =	sdelay $0x2  }
0x46: {  	s19 =	sshra.s32 s18, $0x2;
	s18 =	sadd.s32 $0x40, s18;
	[tilespmem:v1+s14+$0x0] =	vst.idx.msk vm0, v0  }
0x47: {  	v1 =	vld [tilespmem:s19+$0x2000];
	_ =	sdelay $0x6  }
0x48: {  	v3 =	vld [tilespmem:s19+$0x2400]  }
0x49: {  	v2 =	vld.idx.msk [tilespmem:v1+s11+$0x0], $0xffff;
	_ =	sdelay $0x4  }
0x4a: {  	vm0 =	veq.s32 v2, v3;
	_ =	sdelay $0x5  }
0x4b: {  	v2 =	vld [tilespmem:s17+$0x2800];
	[tilespmem:v1+s14+$0x0] =	vst.idx.msk vm0, v0  }
0x4c: {  	v0 =	vld [tilespmem:s19+$0x2800];
	_ =	sdelay $0x3  }
0x4d: {  	v1 =	vtrunc.f32 v2  }
0x4e: {  	v1 =	vcvt.f32.s32 v1;
	v0 =	vtrunc.f32 v0  }
0x4f: {  	v0 =	vcvt.f32.s32 v0  }
0x50: {  	(xrf0) =	vadd.scan.msk.s32 $0xffff, v1  }
0x51: {  	(xrf0) =	vadd.scan.msk.s32 $0xffff, v0;
	_ =	sdelay $0x4  }
0x52: {  	v0, _, _ =	vpop (xrf0)  }
0x53: {  	(v2sf) =	vpush v0, $0xF;
	v0, _, _ =	vpop (xrf0)  }
0x54: {  	(v2sf) =	vpush v0, $0xF;
	_ =	sdelay $0x9  }
0x55: {  	s11 =	sshll.u32 s1, $0xE  }
0x56: {  	s31 =	sshrl.u32 s11, $0x2  }
0x57: {  	s0 =	simm.s32 $0x1000;
	s30 =	spop (v2sf);
	s17 =	sadd.s32 s31, s16  }
0x58: {  	[spmem:s17] =	stream.linear.scatter [tilespmem:s0], [sflag:$0x2], $0x1000, $0x38;
	[tilespmem:$0x1FC50] =	vst v63  }
0x59: {  	s18 =	spop (v2sf)  }
0x5a: {  	s12 =	sadd.s32 s12, s30;
	s17 =	simm.s32 $0x2;
	s20 =	spop (v2sf)  }
0x5b: {  	s12 =	sadd.s32 s12, s18;
	_ =	swait.ge [sflag:s17], $0x1000  }
0x5c: {  	s12 =	sadd.s32 s12, s20;
	[sflag:s17] =	ssyncset.done $0x0  }
0x5d: {  	s14 =	sshll.u32 s1, $0x4;
	v0 =	vmov s12;
	[sflag:s17] =	ssyncadd.s32 $0xFFFFF000  }
0x5e: {  	s22 =	simm.s32 $0x16B00;
	s21 =	sadd.s32 s14, s15;
	[tilespmem:$0x16B00] =	vst v0  }
0x5f: {  	[spmem:s21] =	stream.linear.scatter [tilespmem:s22], [sflag:$0x2], $0x10, $0x38;
	[tilespmem:$0x1FC50] =	vst v63  }
0x60: {  	_ =	swait.ge [sflag:s17], $0x10  }
0x61: {  	[sflag:s17] =	ssyncset.done $0x0  }
0x62: {  	s12 =	sshll.u32 s1, $0x8;
	[sflag:s17] =	ssyncadd.s32 $0xFFFFFFF0  }
0x63: {  	s23 =	simm.s32 $0x2E00;
	s16 =	sadd.s32 s12, s16;
	[bflag:$0x0] =	sbarrier.arrive $0xFFFF  }
0x64: {  	[tilespmem:s23], [sflag:$0x2] =	stream.linear.gather [spmem:s16], $0x100, $0x38;
	[tilespmem:$0x1FC50] =	vst v63  }
0x65: {  	_ =	swait.ge [sflag:s17], $0x100  }
0x66: {  	[sflag:s17] =	ssyncset.done $0x0  }
0x67: {  	s25 =	simm.s32 $0x2F00;
	s24 =	sadd.s32 $0x1000, s16;
	[sflag:s17] =	ssyncadd.s32 $0xFFFFFF00  }
0x68: {  	[tilespmem:s25], [sflag:$0x2] =	stream.linear.gather [spmem:s24], $0x100, $0x38;
	[tilespmem:$0x1FC50] =	vst v63  }
0x69: {  	_ =	swait.ge [sflag:s17], $0x100  }
0x6a: {  	[sflag:s17] =	ssyncset.done $0x0  }
0x6b: {  	s28 =	simm.s32 $0x3000;
	s26 =	sadd.s32 $0x2000, s16;
	[sflag:s17] =	ssyncadd.s32 $0xFFFFFF00  }
0x6c: {  	[tilespmem:s28], [sflag:$0x2] =	stream.linear.gather [spmem:s26], $0x100, $0x38;
	[tilespmem:$0x1FC50] =	vst v63  }
0x6d: {  	_ =	swait.ge [sflag:s17], $0x100  }
0x6e: {  	[sflag:s17] =	ssyncset.done $0x0  }
0x6f: {  	s30 =	simm.s32 $0x3100;
	s29 =	sadd.s32 $0x3000, s16;
	[sflag:s17] =	ssyncadd.s32 $0xFFFFFF00  }
0x70: {  	[tilespmem:s30], [sflag:$0x2] =	stream.linear.gather [spmem:s29], $0x100, $0x38;
	[tilespmem:$0x1FC50] =	vst v63  }
0x71: {  	_ =	swait.ge [sflag:s17], $0x100  }
0x72: {  	[sflag:s17] =	ssyncset.done $0x0  }
0x73: {  	s0 =	simm.s32 $0x3200;
	s31 =	sadd.s32 $0x4000, s16;
	[sflag:s17] =	ssyncadd.s32 $0xFFFFFF00  }
0x74: {  	[tilespmem:s0], [sflag:$0x2] =	stream.linear.gather [spmem:s31], $0x100, $0x38;
	[tilespmem:$0x1FC50] =	vst v63  }
0x75: {  	_ =	swait.ge [sflag:s17], $0x100  }
0x76: {  	[sflag:s17] =	ssyncset.done $0x0  }
0x77: {  	s20 =	sadd.s32 $0x5000, s16;
	s21 =	simm.s32 $0x3300;
	[sflag:s17] =	ssyncadd.s32 $0xFFFFFF00  }
0x78: {  	[tilespmem:s21], [sflag:$0x2] =	stream.linear.gather [spmem:s20], $0x100, $0x38;
	[tilespmem:$0x1FC50] =	vst v63  }
0x79: {  	_ =	swait.ge [sflag:s17], $0x100  }
0x7a: {  	[sflag:s17] =	ssyncset.done $0x0  }
0x7b: {  	s22 =	sadd.s32 $0x6000, s16;
	s23 =	simm.s32 $0x3400;
	[sflag:s17] =	ssyncadd.s32 $0xFFFFFF00  }
0x7c: {  	[tilespmem:s23], [sflag:$0x2] =	stream.linear.gather [spmem:s22], $0x100, $0x38;
	[tilespmem:$0x1FC50] =	vst v63  }
0x7d: {  	_ =	swait.ge [sflag:s17], $0x100  }
0x7e: {  	[sflag:s17] =	ssyncset.done $0x0  }
0x7f: {  	s24 =	sadd.s32 $0x7000, s16;
	s25 =	simm.s32 $0x3500;
	[sflag:s17] =	ssyncadd.s32 $0xFFFFFF00  }
0x80: {  	[tilespmem:s25], [sflag:$0x2] =	stream.linear.gather [spmem:s24], $0x100, $0x38;
	[tilespmem:$0x1FC50] =	vst v63  }
0x81: {  	_ =	swait.ge [sflag:s17], $0x100  }
0x82: {  	[sflag:s17] =	ssyncset.done $0x0  }
0x83: {  	s26 =	sadd.s32 $0x8000, s16;
	s28 =	simm.s32 $0x3600;
	[sflag:s17] =	ssyncadd.s32 $0xFFFFFF00  }
0x84: {  	[tilespmem:s28], [sflag:$0x2] =	stream.linear.gather [spmem:s26], $0x100, $0x38;
	[tilespmem:$0x1FC50] =	vst v63  }
0x85: {  	_ =	swait.ge [sflag:s17], $0x100  }
0x86: {  	[sflag:s17] =	ssyncset.done $0x0  }
0x87: {  	s29 =	sadd.s32 $0x9000, s16;
	s30 =	simm.s32 $0x3700;
	[sflag:s17] =	ssyncadd.s32 $0xFFFFFF00  }
0x88: {  	[tilespmem:s30], [sflag:$0x2] =	stream.linear.gather [spmem:s29], $0x100, $0x38;
	[tilespmem:$0x1FC50] =	vst v63  }
0x89: {  	_ =	swait.ge [sflag:s17], $0x100  }
0x8a: {  	[sflag:s17] =	ssyncset.done $0x0  }
0x8b: {  	s31 =	sadd.s32 $0xA000, s16;
	s0 =	simm.s32 $0x3800;
	[sflag:s17] =	ssyncadd.s32 $0xFFFFFF00  }
0x8c: {  	[tilespmem:s0], [sflag:$0x2] =	stream.linear.gather [spmem:s31], $0x100, $0x38;
	[tilespmem:$0x1FC50] =	vst v63  }
0x8d: {  	_ =	swait.ge [sflag:s17], $0x100  }
0x8e: {  	[sflag:s17] =	ssyncset.done $0x0  }
0x8f: {  	s20 =	sadd.s32 $0xB000, s16;
	s21 =	simm.s32 $0x3900;
	[sflag:s17] =	ssyncadd.s32 $0xFFFFFF00  }
0x90: {  	[tilespmem:s21], [sflag:$0x2] =	stream.linear.gather [spmem:s20], $0x100, $0x38;
	[tilespmem:$0x1FC50] =	vst v63  }
0x91: {  	_ =	swait.ge [sflag:s17], $0x100  }
0x92: {  	[sflag:s17] =	ssyncset.done $0x0  }
0x93: {  	s22 =	sadd.s32 $0xC000, s16;
	s23 =	simm.s32 $0x3A00;
	[sflag:s17] =	ssyncadd.s32 $0xFFFFFF00  }
0x94: {  	[tilespmem:s23], [sflag:$0x2] =	stream.linear.gather [spmem:s22], $0x100, $0x38;
	[tilespmem:$0x1FC50] =	vst v63  }
0x95: {  	_ =	swait.ge [sflag:s17], $0x100  }
0x96: {  	[sflag:s17] =	ssyncset.done $0x0  }
0x97: {  	s24 =	sadd.s32 $0xD000, s16;
	s25 =	simm.s32 $0x3B00;
	[sflag:s17] =	ssyncadd.s32 $0xFFFFFF00  }
0x98: {  	[tilespmem:s25], [sflag:$0x2] =	stream.linear.gather [spmem:s24], $0x100, $0x38;
	[tilespmem:$0x1FC50] =	vst v63  }
0x99: {  	_ =	swait.ge [sflag:s17], $0x100  }
0x9a: {  	[sflag:s17] =	ssyncset.done $0x0  }
0x9b: {  	s26 =	sadd.s32 $0xE000, s16;
	s28 =	simm.s32 $0x3C00;
	[sflag:s17] =	ssyncadd.s32 $0xFFFFFF00  }
0x9c: {  	[tilespmem:s28], [sflag:$0x2] =	stream.linear.gather [spmem:s26], $0x100, $0x38;
	[tilespmem:$0x1FC50] =	vst v63  }
0x9d: {  	_ =	swait.ge [sflag:s17], $0x100  }
0x9e: {  	[sflag:s17] =	ssyncset.done $0x0  }
0x9f: {  	s16 =	sadd.s32 $0xF000, s16;
	s29 =	simm.s32 $0x3D00;
	[sflag:s17] =	ssyncadd.s32 $0xFFFFFF00  }
0xa0: {  	[tilespmem:s29], [sflag:$0x2] =	stream.linear.gather [spmem:s16], $0x100, $0x38;
	[tilespmem:$0x1FC50] =	vst v63  }
0xa1: {  	_ =	swait.ge [sflag:s17], $0x100  }
0xa2: {  	[sflag:s17] =	ssyncset.done $0x0  }
0xa3: {  	s30 =	simm.s32 $0x16B10;
	[sflag:s17] =	ssyncadd.s32 $0xFFFFFF00  }
0xa4: {  	[tilespmem:s30], [sflag:$0x2] =	stream.linear.gather [spmem:s15], $0x100, $0x38;
	[tilespmem:$0x1FC50] =	vst v63  }
0xa5: {  	_ =	swait.ge [sflag:s17], $0x100  }
0xa6: {  	[sflag:s17] =	ssyncset.done $0x0  }
0xa7: {  	[sflag:s17] =	ssyncadd.s32 $0xFFFFFF00  }
0xa8: {  	v15 =	vld [tilespmem:$0x16B10]  }
0xa9: {  	v14 =	vld [tilespmem:$0x16B20]  }
0xaa: {  	v13 =	vld [tilespmem:$0x16B30]  }
0xab: {  	v12 =	vld [tilespmem:$0x16B40]  }
0xac: {  	v11 =	vld [tilespmem:$0x16B50]  }
0xad: {  	v10 =	vld [tilespmem:$0x16B60]  }
0xae: {  	v9 =	vld [tilespmem:$0x16B70]  }
0xaf: {  	v8 =	vld [tilespmem:$0x16B80]  }
0xb0: {  	v7 =	vld [tilespmem:$0x16B90]  }
0xb1: {  	v6 =	vld [tilespmem:$0x16BA0]  }
0xb2: {  	v5 =	vld [tilespmem:$0x16BB0]  }
0xb3: {  	v4 =	vld [tilespmem:$0x16BC0]  }
0xb4: {  	v3 =	vld [tilespmem:$0x16BD0]  }
0xb5: {  	v2 =	vld [tilespmem:$0x16BE0]  }
0xb6: {  	v1 =	vld [tilespmem:$0x16BF0]  }
0xb7: {  	s31 =	simm.s32 $0x0;
	v0 =	vld [tilespmem:$0x16C00]  }
0xb8: {  	v17 =	vld [tilespmem:s31+$0x3C00]  }
0xb9: {  	v16 =	vld [tilespmem:s31+$0x2E00]  }
0xba: {  	v18 =	vld [tilespmem:s31+$0x2F00]  }
0xbb: {  	v19 =	vld [tilespmem:s31+$0x3000]  }
0xbc: {  	v20 =	vld [tilespmem:s31+$0x3100]  }
0xbd: {  	v21 =	vld [tilespmem:s31+$0x3200]  }
0xbe: {  	v22 =	vld [tilespmem:s31+$0x3300]  }
0xbf: {  	v23 =	vld [tilespmem:s31+$0x3400];
	v16 =	vor.u32 v16, v18  }
0xc0: {  	v18 =	vld [tilespmem:s31+$0x3500];
	v16 =	vor.u32 v19, v16  }
0xc1: {  	v19 =	vld [tilespmem:s31+$0x3600];
	v16 =	vor.u32 v20, v16  }
0xc2: {  	v20 =	vld [tilespmem:s31+$0x3700];
	v16 =	vor.u32 v21, v16  }
0xc3: {  	v21 =	vld [tilespmem:s31+$0x3800];
	v16 =	vor.u32 v22, v16  }
0xc4: {  	v22 =	vld [tilespmem:s31+$0x3900];
	v16 =	vor.u32 v23, v16  }
0xc5: {  	v23 =	vld [tilespmem:s31+$0x3A00];
	v16 =	vor.u32 v18, v16  }
0xc6: {  	v18 =	vld [tilespmem:s31+$0x3B00];
	v16 =	vor.u32 v19, v16  }
0xc7: {  	v19 =	vld [tilespmem:s31+$0x2C00];
	v16 =	vor.u32 v20, v16  }
0xc8: {  	s17 =	simm.s32 $0x10;
	v20 =	vld [tilespmem:s31+$0x3D00];
	v21 =	vor.u32 v21, v16  }
0xc9: {  	v24 =	vld [tilespmem:s17+$0x3400];
	v21 =	vor.u32 v22, v21  }
0xca: {  	v22 =	vld [tilespmem:s17+$0x2E00];
	v21 =	vor.u32 v23, v21  }
0xcb: {  	v23 =	vld [tilespmem:s17+$0x2F00];
	v18 =	vor.u32 v18, v21  }
0xcc: {  	v21 =	vld [tilespmem:s17+$0x3000];
	v17 =	vor.u32 v17, v18;
	v18 =	vtrunc.f32 v19  }
0xcd: {  	v19 =	vld [tilespmem:s17+$0x3100];
	v17 =	vor.u32 v20, v17;
	v18 =	vcvt.f32.s32 v18  }
0xce: {  	v20 =	vld [tilespmem:s17+$0x3200];
	vm15 =	vgt.s32 v17, $0x0  }
0xcf: {  	v17 =	vld [tilespmem:s17+$0x3300];
	v18 =	vsel vm15, $0x0, v18  }
0xd0: {  	v16 =	vld [tilespmem:s17+$0x3C00];
	v22 =	vor.u32 v22, v23;
	[tilespmem:s31+$0x2D00] =	vst v18  }
0xd1: {  	v21 =	vor.u32 v21, v22;
	v22 =	vld [tilespmem:s17+$0x3500]  }
0xd2: {  	v19 =	vor.u32 v19, v21;
	v21 =	vld [tilespmem:s17+$0x3600]  }
0xd3: {  	(xrf0) =	vadd.scan.msk.s32 $0xffff, v18;
	v23 =	vld [tilespmem:s17+$0x3700];
	v19 =	vor.u32 v20, v19  }
0xd4: {  	v18 =	vld [tilespmem:s17+$0x3800];
	v17 =	vor.u32 v17, v19  }
0xd5: {  	v17 =	vor.u32 v24, v17  }
0xd6: {  	v17 =	vor.u32 v22, v17  }
0xd7: {  	v17 =	vor.u32 v21, v17  }
0xd8: {  	v63 =	vld [tilespmem:s17+$0x3900];
	v17 =	vor.u32 v23, v17  }
0xd9: {  	v22 =	vld [tilespmem:s17+$0x3A00];
	v17 =	vor.u32 v18, v17;
	v18, _, _ =	vpop (xrf0)  }
0xda: {  	v20 =	vld [tilespmem:s17+$0x3B00];
	(v2sf) =	vpush v18, $0xF  }
0xdb: {  	v19 =	vld [tilespmem:s17+$0x2C00]  }
0xdc: {  	s16 =	simm.s32 $0x20;
	v21 =	vld [tilespmem:s17+$0x3D00]  }
0xdd: {  	v23 =	vor.u32 v63, v17;
	v17 =	vld [tilespmem:s16+$0x3C00]  }
0xde: {  	s18 =	simm.s32 $0xC0;
	s15 =	simm.s32 $0x0;
	v18 =	vld [tilespmem:s16+$0x2E00];
	v22 =	vor.u32 v22, v23  }
.LBB2_5:
0xdf: {  	p0 =	sne.s32 s18, $0x3C0;
	v23 =	vld [tilespmem:s16+$0x2F00];
	v20 =	vor.u32 v20, v22  }
0xe0: {  	v22 =	vld [tilespmem:s16+$0x3000];
	v25 =	vor.u32 v16, v20;
	v19 =	vtrunc.f32 v19  }
0xe1: {  	v20 =	vld [tilespmem:s16+$0x3100];
	v24 =	vor.u32 v21, v25;
	v19 =	vcvt.f32.s32 v19  }
0xe2: {  	v21 =	vld [tilespmem:s16+$0x3200];
	vm0 =	vgt.s32 v24, $0x0;
	v16 =	vmov v17  }
0xe3: {  	v17 =	vld [tilespmem:s16+$0x3300];
	v19 =	vsel vm0, $0x0, v19  }
0xe4: {  	v18 =	vor.u32 v18, v23;
	v23 =	vld [tilespmem:s16+$0x3400];
	[tilespmem:s17+$0x2D00] =	vst v19;
	(xrf0) =	vadd.scan.msk.s32 $0xffff, v19;
	s17 =	smov.u32 s16  }
0xe5: {  	v18 =	vor.u32 v22, v18;
	v19 =	vld [tilespmem:s17+$0x3500]  }
0xe6: {  	v18 =	vor.u32 v20, v18;
	v20 =	vld [tilespmem:s17+$0x3600]  }
0xe7: {  	v18 =	vor.u32 v21, v18;
	v21 =	vld [tilespmem:s17+$0x3700]  }
0xe8: {  	v17 =	vor.u32 v17, v18;
	v18 =	vld [tilespmem:s17+$0x3800]  }
0xe9: {  	v17 =	vor.u32 v23, v17;
	v22 =	vld [tilespmem:s17+$0x3900];
	s16 =	spop (v2sf)  }
0xea: {  	v17 =	vor.u32 v19, v17;
	v23 =	vld [tilespmem:s17+$0x3A00];
	v19, _, _ =	vpop (xrf0);
	s15 =	sadd.s32 s15, s16  }
.Ltmp2:
0xeb: {  	v17 =	vor.u32 v20, v17;
	v20 =	vld [tilespmem:s17+$0x3B00];
	(v2sf) =	vpush v19, $0xF;
	(pc) =	sbr.rel @p0 .LBB2_5-.Ltmp2, $4  }
0xec: {  	v17 =	vor.u32 v21, v17;
	v19 =	vld [tilespmem:s17+$0x2C00]  }
0xed: {  	s16 =	sshra.s32 s18, $0x2;
	v18 =	vor.u32 v18, v17;
	v21 =	vld [tilespmem:s17+$0x3D00]  }
0xee: {  	v17 =	vld [tilespmem:s16+$0x3C00];
	v22 =	vor.u32 v22, v18  }
0xef: {  	s18 =	sadd.s32 $0x40, s18;
	v18 =	vld [tilespmem:s16+$0x2E00];
	v22 =	vor.u32 v23, v22  }
0xf0: {  	v23 =	vld [tilespmem:s16+$0x2F00];
	v20 =	vor.u32 v20, v22  }
0xf1: {  	v45 =	vld [tilespmem:s16+$0x3000];
	v16 =	vor.u32 v16, v20;
	v19 =	vtrunc.f32 v19  }
0xf2: {  	v46 =	vld [tilespmem:s16+$0x3100];
	v16 =	vor.u32 v21, v16;
	v19 =	vcvt.f32.s32 v19  }
0xf3: {  	v47 =	vld [tilespmem:s16+$0x3200];
	vm0 =	vgt.s32 v16, $0x0  }
0xf4: {  	v48 =	vld [tilespmem:s16+$0x3300];
	v19 =	vsel vm0, $0x0, v19  }
0xf5: {  	v24 =	vld [tilespmem:s16+$0x3400];
	v18 =	vor.u32 v18, v23;
	[tilespmem:s17+$0x2D00] =	vst v19  }
0xf6: {  	v18 =	vor.u32 v45, v18;
	v49 =	vld [tilespmem:s16+$0x3500]  }
0xf7: {  	v50 =	vld [tilespmem:s16+$0x3600];
	v18 =	vor.u32 v46, v18  }
0xf8: {  	v51 =	vld [tilespmem:s16+$0x3700];
	v18 =	vor.u32 v47, v18  }
0xf9: {  	v52 =	vld [tilespmem:s16+$0x3800];
	v16 =	vor.u32 v48, v18  }
0xfa: {  	v53 =	vld [tilespmem:s16+$0x3900];
	v16 =	vor.u32 v24, v16  }
0xfb: {  	v54 =	vld [tilespmem:s16+$0x3A00];
	v16 =	vor.u32 v49, v16  }
0xfc: {  	v55 =	vld [tilespmem:s16+$0x3B00];
	v16 =	vor.u32 v50, v16  }
0xfd: {  	v56 =	vld [tilespmem:s16+$0x2C00];
	v16 =	vor.u32 v51, v16  }
0xfe: {  	v57 =	vld [tilespmem:s16+$0x3D00];
	v16 =	vor.u32 v52, v16  }
0xff: {  	v16 =	vor.u32 v53, v16  }
0x100: {  	v16 =	vor.u32 v54, v16  }
0x101: {  	v16 =	vor.u32 v55, v16  }
0x102: {  	v58 =	vtrunc.f32 v56;
	v16 =	vor.u32 v17, v16  }
0x103: {  	v17 =	vcvt.f32.s32 v58;
	v16 =	vor.u32 v57, v16  }
0x104: {  	vm14 =	vgt.s32 v16, $0x0  }
0x105: {  	(xrf0) =	vadd.scan.msk.s32 $0xffff, v19;
	v16 =	vsel vm14, $0x0, v17  }
0x106: {  	v15 =	vxor.u32 $0x80000000, v15;
	(xrf0) =	vadd.scan.msk.s32 $0xffff, v16  }
0x107: {  	v14 =	vxor.u32 $0x80000000, v14;
	(xrf0) =	vmax.scan.msk.u32 $0xffff, v15  }
0x108: {  	v13 =	vxor.u32 $0x80000000, v13;
	(xrf0) =	vmax.scan.msk.u32 $0xffff, v14  }
0x109: {  	v12 =	vxor.u32 $0x80000000, v12;
	(xrf0) =	vmax.scan.msk.u32 $0xffff, v13  }
0x10a: {  	(xrf0) =	vmax.scan.msk.u32 $0xffff, v12  }
0x10b: {  	v11 =	vxor.u32 $0x80000000, v11;
	v59, _, _ =	vpop (xrf0)  }
0x10c: {  	v10 =	vxor.u32 $0x80000000, v10;
	v8 =	vxor.u32 $0x80000000, v8;
	(v2sf) =	vpush v59, $0xF;
	(xrf0) =	vmax.scan.msk.u32 $0xffff, v11;
	v60, _, _ =	vpop (xrf0)  }
0x10d: {  	v9 =	vxor.u32 $0x80000000, v9;
	v7 =	vxor.u32 $0x80000000, v7;
	(xrf0) =	vmax.scan.msk.u32 $0xffff, v10;
	(v2sf) =	vpush v60, $0xF;
	v61, _, _ =	vpop (xrf0)  }
0x10e: {  	(xrf0) =	vmax.scan.msk.u32 $0xffff, v9;
	(v2sf) =	vpush v61, $0xF;
	v62, _, _ =	vpop (xrf0)  }
0x10f: {  	v6 =	vxor.u32 $0x80000000, v6;
	(xrf0) =	vmax.scan.msk.u32 $0xffff, v8;
	(v2sf) =	vpush v62, $0xF;
	v8, _, _ =	vpop (xrf0)  }
0x110: {  	v5 =	vxor.u32 $0x80000000, v5;
	(xrf0) =	vmax.scan.msk.u32 $0xffff, v7;
	(v2sf) =	vpush v8, $0xF;
	v7, _, _ =	vpop (xrf0)  }
0x111: {  	v4 =	vxor.u32 $0x80000000, v4;
	(xrf0) =	vmax.scan.msk.u32 $0xffff, v6;
	(v2sf) =	vpush v7, $0xF  }
0x112: {  	v3 =	vxor.u32 $0x80000000, v3;
	v6, _, _ =	vpop (xrf0);
	(xrf0) =	vmax.scan.msk.u32 $0xffff, v5  }
0x113: {  	v2 =	vxor.u32 $0x80000000, v2;
	(v2sf) =	vpush v6, $0xF;
	v5, _, _ =	vpop (xrf0);
	(xrf0) =	vmax.scan.msk.u32 $0xffff, v4  }
0x114: {  	v1 =	vxor.u32 $0x80000000, v1;
	(v2sf) =	vpush v5, $0xF;
	v4, _, _ =	vpop (xrf0);
	(xrf0) =	vmax.scan.msk.u32 $0xffff, v3  }
0x115: {  	(v2sf) =	vpush v4, $0xF;
	v3, _, _ =	vpop (xrf0);
	(xrf0) =	vmax.scan.msk.u32 $0xffff, v2  }
0x116: {  	v0 =	vxor.u32 $0x80000000, v0;
	(v2sf) =	vpush v3, $0xF;
	v2, _, _ =	vpop (xrf0);
	(xrf0) =	vmax.scan.msk.u32 $0xffff, v1  }
0x117: {  	(v2sf) =	vpush v2, $0xF;
	v1, _, _ =	vpop (xrf0);
	(xrf0) =	vmax.scan.msk.u32 $0xffff, v0  }
0x118: {  	(v2sf) =	vpush v1, $0xF;
	v1, _, _ =	vpop (xrf0)  }
0x119: {  	(v2sf) =	vpush v1, $0xF;
	v0, _, _ =	vpop (xrf0)  }
0x11a: {  	s18 =	spop (v2sf);
	(v2sf) =	vpush v0, $0xF;
	v0, _, _ =	vpop (xrf0)  }
0x11b: {  	s19 =	spop (v2sf);
	(v2sf) =	vpush v0, $0xF;
	v0, _, _ =	vpop (xrf0)  }
0x11c: {  	s15 =	sadd.s32 s15, s18;
	(v2sf) =	vpush v0, $0xF;
	v0, _, _ =	vpop (xrf0);
	s31 =	spop (v2sf)  }
0x11d: {  	s15 =	sadd.s32 s15, s19;
	(v2sf) =	vpush v0, $0xF;
	v0, _, _ =	vpop (xrf0);
	s26 =	spop (v2sf)  }
0x11e: {  	s15 =	sadd.s32 s15, s31;
	s30 =	spop (v2sf);
	(v2sf) =	vpush v0, $0xF  }
0x11f: {  	[tilespmem:s16+$0x2D00] =	vst v16;
	v0 =	vmov s15;
	s29 =	spop (v2sf)  }
0x120: {  	s14 =	sadd.s32 s14, s13;
	s0 =	simm.s32 $0x16B00;
	[tilespmem:$0x16B00] =	vst v0;
	s28 =	spop (v2sf)  }
0x121: {  	[spmem:s14] =	stream.linear.scatter [tilespmem:s0], [sflag:$0x2], $0x10, $0x38;
	[tilespmem:$0x1FC50] =	vst v63  }
0x122: {  	s25 =	spop (v2sf)  }
0x123: {  	s24 =	spop (v2sf)  }
0x124: {  	s23 =	spop (v2sf)  }
0x125: {  	s22 =	spop (v2sf)  }
0x126: {  	s21 =	spop (v2sf)  }
0x127: {  	s20 =	spop (v2sf)  }
0x128: {  	s18 =	spop (v2sf)  }
0x129: {  	s19 =	spop (v2sf)  }
0x12a: {  	s17 =	spop (v2sf)  }
0x12b: {  	s16 =	spop (v2sf)  }
0x12c: {  	s15 =	spop (v2sf)  }
0x12d: {  	s31 =	simm.s32 $0x2;
	s14 =	spop (v2sf)  }
0x12e: {  	_ =	swait.ge [sflag:s31], $0x10  }
0x12f: {  	[sflag:s31] =	ssyncset.done $0x0  }
0x130: {  	[sflag:s31] =	ssyncadd.s32 $0xFFFFFFF0  }
0x131: {  	s0 =	simm.s32 $0x16B10;
	[bflag:$0x0] =	sbarrier.arrive $0xFFFF  }
0x132: {  	[tilespmem:s0], [sflag:$0x2] =	stream.linear.gather [spmem:s13], $0x100, $0x38;
	[tilespmem:$0x1FC50] =	vst v63  }
0x133: {  	_ =	swait.ge [sflag:s31], $0x100  }
0x134: {  	[sflag:s31] =	ssyncset.done $0x0  }
0x135: {  	[sflag:s31] =	ssyncadd.s32 $0xFFFFFF00  }
0x136: {  	v0 =	vld [tilespmem:$0x16B10]  }
0x137: {  	v1 =	vld [tilespmem:$0x16B20]  }
0x138: {  	v2 =	vld [tilespmem:$0x16B30]  }
0x139: {  	v3 =	vld [tilespmem:$0x16B40]  }
0x13a: {  	v4 =	vld [tilespmem:$0x16B50]  }
0x13b: {  	v5 =	vld [tilespmem:$0x16B60];
	v0 =	vxor.u32 $0x80000000, v0  }
0x13c: {  	(xrf0) =	vmax.scan.msk.u32 $0xffff, v0;
	v0 =	vxor.u32 $0x80000000, v1;
	v1 =	vld [tilespmem:$0x16B70]  }
0x13d: {  	(xrf0) =	vmax.scan.msk.u32 $0xffff, v0;
	v0 =	vxor.u32 $0x80000000, v2;
	v2 =	vld [tilespmem:$0x16B80]  }
0x13e: {  	(xrf0) =	vmax.scan.msk.u32 $0xffff, v0;
	v0 =	vxor.u32 $0x80000000, v3  }
0x13f: {  	(xrf0) =	vmax.scan.msk.u32 $0xffff, v0;
	v0 =	vxor.u32 $0x80000000, v4  }
0x140: {  	v3 =	vld [tilespmem:$0x16B90];
	(xrf0) =	vmax.scan.msk.u32 $0xffff, v0;
	v0 =	vxor.u32 $0x80000000, v5  }
0x141: {  	(xrf0) =	vmax.scan.msk.u32 $0xffff, v0;
	v0 =	vxor.u32 $0x80000000, v1  }
0x142: {  	v1, _, _ =	vpop (xrf0);
	(xrf0) =	vmax.scan.msk.u32 $0xffff, v0;
	v0 =	vxor.u32 $0x80000000, v2;
	_ =	sdelay $0x1  }
0x143: {  	v2 =	vld [tilespmem:$0x16BA0];
	(v2sf) =	vpush v1, $0xF;
	v1, _, _ =	vpop (xrf0);
	(xrf0) =	vmax.scan.msk.u32 $0xffff, v0  }
0x144: {  	(v2sf) =	vpush v1, $0xF;
	v1 =	vxor.u32 $0x80000000, v3;
	v3 =	vld [tilespmem:$0x16BB0];
	v0, _, _ =	vpop (xrf0)  }
0x145: {  	(v2sf) =	vpush v0, $0xF;
	v0, _, _ =	vpop (xrf0);
	(xrf0) =	vmax.scan.msk.u32 $0xffff, v1;
	v1 =	vld [tilespmem:$0x16BC0]  }
0x146: {  	v4, _, _ =	vpop (xrf0);
	(v2sf) =	vpush v0, $0xF  }
0x147: {  	s13 =	sadd.s32 s26, s30;
	(v2sf) =	vpush v4, $0xF;
	v0, _, _ =	vpop (xrf0)  }
0x148: {  	s0 =	sadd.s32 s29, s13;
	v2 =	vxor.u32 $0x80000000, v2;
	v4 =	vld [tilespmem:$0x16BD0];
	(v2sf) =	vpush v0, $0xF;
	v0, _, _ =	vpop (xrf0)  }
0x149: {  	s0 =	sadd.s32 s28, s0;
	(xrf0) =	vmax.scan.msk.u32 $0xffff, v2;
	v2 =	vxor.u32 $0x80000000, v3;
	(v2sf) =	vpush v0, $0xF;
	v0, _, _ =	vpop (xrf0)  }
0x14a: {  	s0 =	sadd.s32 s25, s0;
	v3 =	vld [tilespmem:$0x16BE0];
	(xrf0) =	vmax.scan.msk.u32 $0xffff, v2;
	(v2sf) =	vpush v0, $0xF;
	v0 =	vxor.u32 $0x80000000, v1  }
0x14b: {  	s0 =	sadd.s32 s24, s0;
	(xrf0) =	vmax.scan.msk.u32 $0xffff, v0;
	v0 =	vld [tilespmem:$0x16BF0]  }
0x14c: {  	s0 =	sadd.s32 s23, s0;
	v1, _, _ =	vpop (xrf0)  }
0x14d: {  	s0 =	sadd.s32 s22, s0;
	(v2sf) =	vpush v1, $0xF;
	v1 =	vxor.u32 $0x80000000, v4  }
0x14e: {  	s0 =	sadd.s32 s21, s0  }
0x14f: {  	s0 =	sadd.s32 s20, s0;
	(xrf0) =	vmax.scan.msk.u32 $0xffff, v1;
	v2 =	vxor.u32 $0x80000000, v3  }
0x150: {  	s0 =	sadd.s32 s18, s0;
	v1, _, _ =	vpop (xrf0);
	(xrf0) =	vmax.scan.msk.u32 $0xffff, v2;
	v0 =	vxor.u32 $0x80000000, v0  }
0x151: {  	s0 =	sadd.s32 s19, s0;
	(v2sf) =	vpush v1, $0xF;
	v1, _, _ =	vpop (xrf0);
	(xrf0) =	vmax.scan.msk.u32 $0xffff, v0  }
0x152: {  	s0 =	sadd.s32 s17, s0;
	(v2sf) =	vpush v1, $0xF;
	v1, _, _ =	vpop (xrf0)  }
0x153: {  	s0 =	sadd.s32 s16, s0;
	s25 =	spop (v2sf);
	(v2sf) =	vpush v1, $0xF;
	v1 =	vld [tilespmem:$0x16C00]  }
0x154: {  	s13 =	sadd.s32 s15, s0  }
0x155: {  	p0 =	seq.s32 s1, $0x0;
	s13 =	sadd.s32 s14, s13;
	s30 =	sxor.u32 $0x80000000, s25;
	v0, _, _ =	vpop (xrf0)  }
0x156: {  	s14 =	ssub.s32 $0x3FFF, s13;
	s26 =	spop (v2sf);
	s16 =	smov.u32 s30;
	(v2sf) =	vpush v0, $0xF;
	v0, _, _ =	vpop (xrf0)  }
0x157: {  	s22 =	sxor.u32 $0x80000000, s26;
	s28 =	spop (v2sf);
	s16 =	simm.s32 @p0 $0x0;
	(v2sf) =	vpush v0, $0xF;
	v0, _, _ =	vpop (xrf0)  }
0x158: {  	p0 =	sgt.u32 s1, $0x1;
	s15 =	sadd.s32 s30, s22;
	s29 =	spop (v2sf);
	(v2sf) =	vpush v0, $0xF;
	v0 =	vxor.u32 $0x80000000, v1  }
0x159: {  	s22 =	simm.s32 @!p0 $0x0;
	s17 =	sxor.u32 $0x80000000, s28;
	p0 =	sgt.u32 s1, $0x2;
	(xrf0) =	vmax.scan.msk.u32 $0xffff, v0  }
0x15a: {  	s19 =	spop (v2sf);
	s0 =	sadd.s32 s17, s15;
	s20 =	sxor.u32 $0x80000000, s29  }
0x15b: {  	s17 =	simm.s32 @!p0 $0x0;
	p0 =	sgt.u32 s1, $0x3;
	s16 =	sadd.s32 s16, s22  }
0x15c: {  	s23 =	spop (v2sf);
	s0 =	sadd.s32 s20, s0;
	s20 =	simm.s32 @!p0 $0x0  }
0x15d: {  	p0 =	sgt.u32 s1, $0x4;
	s16 =	sadd.s32 s17, s16;
	s17 =	sxor.u32 $0x80000000, s19  }
0x15e: {  	s31 =	spop (v2sf);
	s16 =	sadd.s32 s20, s16;
	s0 =	sadd.s32 s17, s0  }
0x15f: {  	s17 =	simm.s32 @!p0 $0x0;
	s19 =	sxor.u32 $0x80000000, s23;
	p0 =	sgt.u32 s1, $0x5;
	v0, _, _ =	vpop (xrf0)  }
0x160: {  	s24 =	spop (v2sf);
	s16 =	sadd.s32 s17, s16;
	s0 =	sadd.s32 s19, s0;
	(v2sf) =	vpush v0, $0xF  }
0x161: {  	s19 =	simm.s32 @!p0 $0x0;
	s22 =	sxor.u32 $0x80000000, s31;
	p0 =	sgt.u32 s1, $0x6  }
0x162: {  	s16 =	sadd.s32 s19, s16;
	s0 =	sadd.s32 s22, s0;
	s22 =	simm.s32 @!p0 $0x0  }
0x163: {  	s23 =	sxor.u32 $0x80000000, s24;
	p0 =	sgt.u32 s1, $0x7;
	s25 =	spop (v2sf)  }
0x164: {  	s16 =	sadd.s32 s22, s16;
	s0 =	sadd.s32 s23, s0;
	s23 =	simm.s32 @!p0 $0x0  }
0x165: {  	p0 =	sgt.u32 s1, $0x8;
	s15 =	sxor.u32 $0x80000000, s25;
	s16 =	sadd.s32 s23, s16  }
0x166: {  	s25 =	simm.s32 $0x2D00;
	s0 =	sadd.s32 s15, s0;
	s26 =	spop (v2sf)  }
0x167: {  	s15 =	simm.s32 @!p0 $0x0;
	p0 =	sgt.u32 s1, $0x9;
	s28 =	spop (v2sf)  }
0x168: {  	s16 =	sadd.s32 s15, s16;
	s21 =	sxor.u32 $0x80000000, s26;
	s29 =	spop (v2sf)  }
0x169: {  	s0 =	sadd.s32 s21, s0;
	s21 =	simm.s32 @!p0 $0x0;
	s18 =	sxor.u32 $0x80000000, s28  }
0x16a: {  	v6 =	vld [tilespmem:s25+$0x0];
	p0 =	sgt.u32 s1, $0xA;
	s0 =	sadd.s32 s18, s0;
	s20 =	sxor.u32 $0x80000000, s29  }
0x16b: {  	s18 =	simm.s32 @!p0 $0x0;
	p0 =	sgt.u32 s1, $0xB;
	s30 =	spop (v2sf)  }
0x16c: {  	s0 =	sadd.s32 s20, s0;
	s17 =	sxor.u32 $0x80000000, s30;
	s31 =	spop (v2sf)  }
0x16d: {  	s0 =	sadd.s32 s17, s0;
	s19 =	sxor.u32 $0x80000000, s31;
	s24 =	spop (v2sf)  }
0x16e: {  	s20 =	simm.s32 @!p0 $0x0;
	s0 =	sadd.s32 s19, s0;
	s22 =	sxor.u32 $0x80000000, s24  }
0x16f: {  	(xrf0) =	vadd.scan.msk.s32 $0xffff, v6;
	p0 =	sgt.u32 s1, $0xC;
	s0 =	sadd.s32 s22, s0;
	s26 =	spop (v2sf)  }
0x170: {  	s28 =	sadd.s32 s21, s16;
	s17 =	simm.s32 @!p0 $0x0;
	s0 =	sadd.s32 s26, s0  }
0x171: {  	p0 =	sgt.u32 s1, $0xD;
	s15 =	sadd.s32 $0x80000000, s0;
	s0 =	sadd.s32 s18, s28  }
0x172: {  	s19 =	simm.s32 @!p0 $0x0;
	p0 =	sgt.s32 s15, $0x0;
	s0 =	sadd.s32 s20, s0  }
0x173: {  	v0 =	vmov s13;
	s15 =	simm.s32 @!p0 $0x0;
	p0 =	seq.s32 s1, $0xF;
	s0 =	sadd.s32 s17, s0  }
0x174: {  	v1 =	vadd.s32 $0xFFFFFFFF, v0;
	s22 =	simm.s32 @!p0 $0x0;
	p0 =	slt.s32 s14, s15;
	s0 =	sadd.s32 s19, s0  }
0x175: {  	v5 =	vbroadcast v1, $0x0;
	v1 =	vlaneseq.u32;
	vm15 =	vgt.s32 v6, $0x0;
	v7, _, _ =	vpop (xrf0);
	s15 =	smov.u32 @p0 s14;
	s14 =	sadd.s32 s22, s0  }
0x176: {  	s29 =	sor.u32 $0x4000, s1;
	(v2sf) =	vpush v7, $0xF;
	v3 =	vmov s15;
	v8 =	vadd.s32 s14, v7  }
0x177: {  	v2 =	vmov s29;
	v4 =	vmul.u32 $0x10, v1;
	s30 =	simm.s32 $0x0;
	vm1 =	vle.s32 v8, v3  }
0x178: {  	v6 =	vmov s30;
	v8 =	vadd.s32 v8, v5;
	vm0 =	vmand vm15, vm1  }
0x179: {  	v6 =	vshll.u32 v6, $0x4;
	s17 =	simm.s32 $0x3E00;
	v8 =	vsel vm0, v8, v2  }
0x17a: {  	v6 =	vor.u32 v4, v6;
	[tilespmem:s17+$0x0] =	vst v8  }
0x17b: {  	v8 =	vld [tilespmem:s12+$0x0];
	_ =	sdelay $0x1  }
0x17c: {  	s31 =	sadd.s32 $0x0, s12  }
0x17d: {  	s16 =	simm.s32 $0x3F00;
	v63 =	vor.u32 s31, v1  }
0x17e: {  	s18 =	simm.s32 $0x4F00;
	[tilespmem:v6+s16+$0x0] =	vst.idx.msk $0xffff, v63  }
0x17f: {  	s21 =	simm.s32 $0x2D10;
	[tilespmem:v6+s18+$0x0] =	vst.idx.msk $0xffff, v8  }
0x180: {  	s20 =	smov.u32 s12;
	s19 =	simm.s32 $0x10;
	s22 =	simm.s32 $0x20;
	v6 =	vld [tilespmem:s21+$0x0]  }
.LBB2_7:
0x181: {  	p0 =	sne.s32 s22, $0xF0;
	_ =	sdelay $0x2  }
0x182: {  	s0 =	spop (v2sf)  }
0x183: {  	vm0 =	vgt.s32 v6, $0x0;
	(xrf0) =	vadd.scan.msk.s32 $0xffff, v6;
	s14 =	sadd.s32 s14, s0;
	_ =	sdelay $0x4  }
0x184: {  	v6 =	vmov s19  }
0x185: {  	v6 =	vshll.u32 v6, $0x4;
	v7, _, _ =	vpop (xrf0)  }
0x186: {  	v6 =	vor.u32 v4, v6;
	v8 =	vadd.s32 s14, v7;
	(v2sf) =	vpush v7, $0xF  }
0x187: {  	vm1 =	vle.s32 v8, v3;
	v7 =	vadd.s32 v8, v5  }
0x188: {  	vm0 =	vmand vm0, vm1  }
0x189: {  	s17 =	sadd.s32 $0x10, s17;
	s0 =	sadd.s32 s19, s12;
	s19 =	smov.u32 s22;
	v7 =	vsel vm0, v7, v2  }
0x18a: {  	s20 =	sadd.s32 $0x10, s20;
	v8 =	vor.u32 s0, v1;
	[tilespmem:s17+$0x0] =	vst v7  }
0x18b: {  	v7 =	vld [tilespmem:s20+$0x0];
	[tilespmem:v6+s16+$0x0] =	vst.idx.msk $0xffff, v8;
	_ =	sdelay $0x1  }
.Ltmp3:
0x18c: {  	(pc) =	sbr.rel @p0 .LBB2_7-.Ltmp3, $3  }
0x18d: {  	_ =	sdelay $0x1  }
0x18e: {  	s21 =	sadd.s32 $0x10, s21;
	[tilespmem:v6+s18+$0x0] =	vst.idx.msk $0xffff, v7  }
0x18f: {  	s22 =	sadd.s32 $0x10, s22;
	v6 =	vld [tilespmem:s21+$0x0]  }
0x190: {  	_ =	sdelay $0x3  }
0x191: {  	(xrf0) =	vadd.scan.msk.s32 $0xffff, v6;
	_ =	sdelay $0x5  }
0x192: {  	v7, _, _ =	vpop (xrf0)  }
0x193: {  	(v2sf) =	vpush v7, $0xF  }
0x194: {  	s0 =	spop (v2sf)  }
0x195: {  	s0 =	sadd.s32 s14, s0  }
0x196: {  	v7 =	vadd.s32 s0, v7  }
0x197: {  	vm0 =	vgt.s32 v6, $0x0;
	vm1 =	vle.s32 v7, v3  }
0x198: {  	v3 =	vmov s19;
	v5 =	vadd.s32 v7, v5;
	vm0 =	vmand vm0, vm1  }
0x199: {  	s31 =	sadd.s32 $0x10, s17;
	v3 =	vshll.u32 v3, $0x4;
	v2 =	vsel vm0, v5, v2  }
0x19a: {  	s14 =	sadd.s32 $0x10, s20;
	v3 =	vor.u32 v4, v3;
	[tilespmem:s31+$0x0] =	vst v2  }
0x19b: {  	v2 =	vld [tilespmem:s14+$0x0];
	_ =	sdelay $0x1  }
0x19c: {  	s17 =	sadd.s32 s19, s12  }
0x19d: {  	v1 =	vor.u32 s17, v1  }
0x19e: {  	[tilespmem:v3+s16+$0x0] =	vst.idx.msk $0xffff, v1  }
0x19f: {  	s21 =	simm.s32 $0x3F00;
	s20 =	simm.s32 $0x3E00;
	s19 =	simm.s32 $0x100;
	[tilespmem:v3+s18+$0x0] =	vst.idx.msk $0xffff, v2  }
0x1a0: {  	[spmem:s10] =	stream.indirect.scatter [tilespmem:s21], [sflag:$0x1], $0x10, s20, s19, $0xb8;
	[tilespmem:$0x1FC50] =	vst v63  }
0x1a1: {  	s14 =	simm.s32 $0x1;
	s22 =	spop (v2sf)  }
0x1a2: {  	_ =	swait.ge [sflag:s14], $0x1000  }
0x1a3: {  	[sflag:s14] =	ssyncset.done $0x0  }
0x1a4: {  	s23 =	simm.s32 $0x4F00;
	[sflag:s14] =	ssyncadd.s32 $0xFFFFF000  }
0x1a5: {  	[spmem:s9] =	stream.indirect.scatter [tilespmem:s23], [sflag:$0x1], $0x10, s20, s19, $0xb8;
	[tilespmem:$0x1FC50] =	vst v63  }
0x1a6: {  	_ =	swait.ge [sflag:s14], $0x1000  }
0x1a7: {  	[sflag:s14] =	ssyncset.done $0x0  }
0x1a8: {  	s24 =	sadd.s32 s11, s10;
	s12 =	simm.s32 $0x5F00;
	[sflag:s14] =	ssyncadd.s32 $0xFFFFF000  }
0x1a9: {  	s25 =	simm.s32 $0x2;
	s26 =	simm.s32 $0x0;
	[bflag:$0x0] =	sbarrier.arrive $0xFFFF  }
0x1aa: {  	v1 =	vlaneseq.u32;
	[tilespmem:s12], [sflag:$0x2] =	stream.linear.gather [spmem:s24], $0x4000, $0x38;
	[tilespmem:$0x1FC50] =	vst v63  }
0x1ab: {  	v2 =	vmul.u32 $0x10, v1;
	v3 =	vmov s26;
	_ =	swait.ge [sflag:s25], $0x4000  }
0x1ac: {  	v3 =	vshll.u32 v3, $0x4;
	[sflag:s25] =	ssyncset.done $0x0  }
0x1ad: {  	s28 =	sadd.s32 s11, s9;
	s11 =	simm.s32 $0x9F00;
	v3 =	vor.u32 v2, v3;
	[sflag:s25] =	ssyncadd.s32 $0xFFFFC000  }
0x1ae: {  	[tilespmem:s11], [sflag:$0x2] =	stream.linear.gather [spmem:s28], $0x4000, $0x38;
	[tilespmem:$0x1FC50] =	vst v63  }
0x1af: {  	_ =	swait.ge [sflag:s25], $0x4000  }
0x1b0: {  	[sflag:s25] =	ssyncset.done $0x0  }
0x1b1: {  	[sflag:s25] =	ssyncadd.s32 $0xFFFFC000  }
0x1b2: {  	s9 =	sshll.u32 s1, $0xA;
	s14 =	simm.s32 $0x2000;
	v6 =	vld.idx.msk [tilespmem:v3+s12+$0x0], $0xffff  }
0x1b3: {  	v0 =	vbroadcast v0, $0x0;
	s10 =	sadd.s32 s13, s15;
	s29 =	sadd.s32 $0x0, s9;
	v8 =	vld [tilespmem:s14+$0x0]  }
0x1b4: {  	s15 =	simm.s32 $0x2400;
	v5 =	vmov s10;
	v9 =	vor.u32 s29, v1;
	v7 =	vld.idx.msk [tilespmem:v3+s11+$0x0], $0xffff  }
0x1b5: {  	s16 =	simm.s32 $0x10;
	vm13 =	vge.s32 v9, v0;
	vm14 =	vlt.s32 v9, v5;
	v10 =	vld [tilespmem:s15+$0x0]  }
0x1b6: {  	v12 =	vmov s16;
	vm0 =	vmand vm13, vm14;
	v3 =	vmul.u32 $0xFFFFFFFF, v1  }
0x1b7: {  	v11 =	vmov s29;
	vm2 =	vlt.s32 v9, v0;
	v6 =	vnsel vm0, $0xFFF, v6  }
0x1b8: {  	s30 =	simm.s32 $0x15F00;
	v4 =	vadd.s32 $0x3FFF, v3;
	v6 =	vsel vm2, v8, v6;
	v8 =	vshll.u32 v12, $0x4  }
0x1b9: {  	vm3 =	vne.s32 v11, v4;
	v7 =	vnsel vm0, $0xFFF, v7;
	[tilespmem:s30+$0x0] =	vst v6;
	v6 =	vor.u32 v2, v8  }
0x1ba: {  	s17 =	simm.s32 $0x16710;
	s31 =	simm.s32 $0x16300;
	s18 =	simm.s32 $0x16310;
	v3 =	vimm.f32 $0.0e+00;
	vm15 =	vmand vm3, vm14;
	v9 =	vsel vm2, v10, v7  }
0x1bb: {  	s21 =	simm.s32 $0x20;
	s20 =	simm.s32 $0x16700;
	s19 =	simm.s32 $0x15F10;
	v7 =	vsel vm15, $0x3F800000, v3;
	[tilespmem:s31+$0x0] =	vst v9  }
.LBB2_9:
0x1bc: {  	s14 =	sadd.s32 $0x10, s14;
	s15 =	sadd.s32 $0x10, s15  }
0x1bd: {  	[tilespmem:s20+$0x0] =	vst v7;
	s0 =	smov.u32 s21;
	s22 =	sadd.s32 $0x10, s21;
	s20 =	smov.u32 s17  }
0x1be: {  	p0 =	sne.s32 s21, $0x3F0;
	v7 =	vld.idx.msk [tilespmem:v6+s12+$0x0], $0xffff  }
0x1bf: {  	v8 =	vld.idx.msk [tilespmem:v6+s11+$0x0], $0xffff  }
0x1c0: {  	s21 =	sadd.s32 s16, s9;
	s16 =	smov.u32 s0;
	v9 =	vld [tilespmem:s14+$0x0]  }
0x1c1: {  	v10 =	vor.u32 s21, v1;
	v6 =	vmov s21;
	v11 =	vld [tilespmem:s15+$0x0]  }
0x1c2: {  	v12 =	vmov s16;
	vm0 =	vge.s32 v10, v0;
	vm1 =	vlt.s32 v10, v5  }
.Ltmp4:
0x1c3: {  	v12 =	vshll.u32 v12, $0x4;
	vm0 =	vmand vm0, vm1;
	vm2 =	vne.s32 v6, v4;
	(pc) =	sbr.rel @p0 .LBB2_9-.Ltmp4, $4  }
0x1c4: {  	vm3 =	vlt.s32 v10, v0;
	v6 =	vor.u32 v2, v12;
	v7 =	vnsel vm0, $0xFFF, v7  }
0x1c5: {  	v8 =	vnsel vm0, $0xFFF, v8;
	vm0 =	vmand vm2, vm1;
	v7 =	vsel vm3, v9, v7  }
0x1c6: {  	s17 =	sadd.s32 $0x10, s17;
	v8 =	vsel vm3, v11, v8;
	[tilespmem:s19+$0x0] =	vst v7  }
0x1c7: {  	s21 =	smov.u32 s22;
	v7 =	vsel vm0, $0x3F800000, v3;
	s19 =	sadd.s32 $0x10, s19;
	[tilespmem:s18+$0x0] =	vst v8;
	s18 =	sadd.s32 $0x10, s18  }
0x1c8: {  	_ =	sdelay $0x2  }
0x1c9: {  	[tilespmem:s20+$0x0] =	vst v7  }
0x1ca: {  	v2 =	vld.idx.msk [tilespmem:v6+s12+$0x0], $0xffff  }
0x1cb: {  	s0 =	sadd.s32 $0x10, s14;
	v62 =	vld.idx.msk [tilespmem:v6+s11+$0x0], $0xffff  }
0x1cc: {  	s20 =	sadd.s32 $0x10, s15;
	s21 =	sadd.s32 s16, s9;
	v7 =	vld [tilespmem:s0+$0x0]  }
0x1cd: {  	v1 =	vor.u32 s21, v1;
	v8 =	vld [tilespmem:s20+$0x0]  }
0x1ce: {  	vm0 =	vge.s32 v1, v0;
	vm1 =	vlt.s32 v1, v5  }
0x1cf: {  	vm0 =	vmand vm0, vm1  }
0x1d0: {  	v63 =	vmov s21;
	vm2 =	vlt.s32 v1, v0;
	v0 =	vnsel vm0, $0xFFF, v2  }
0x1d1: {  	vm3 =	vne.s32 v63, v4;
	v1 =	vnsel vm0, $0xFFF, v62;
	v0 =	vsel vm2, v7, v0  }
0x1d2: {  	vm15 =	vmand vm3, vm1;
	v1 =	vsel vm2, v8, v1;
	[tilespmem:s19+$0x0] =	vst v0  }
0x1d3: {  	s22 =	sadd.s32 s6, s7;
	v0 =	vsel vm15, $0x3F800000, v3;
	[tilespmem:s18+$0x0] =	vst v1  }
0x1d4: {  	s23 =	simm.s32 $0x0;
	s24 =	simm.s32 $0x15F00;
	s25 =	simm.s32 $0x2;
	[tilespmem:s17+$0x0] =	vst v0  }
0x1d5: {  	[hbm4b:s22+s23] =	stream.linear.scatter [tilespmem:s24], [sflag:$0x2], $0x400, $0x38;
	[tilespmem:$0x1FC50] =	vst v63  }
0x1d6: {  	_ =	swait.ge [sflag:s25], $0x400  }
0x1d7: {  	[sflag:s25] =	ssyncset.done $0x0  }
0x1d8: {  	s5 =	sadd.s32 s5, s7;
	s26 =	simm.s32 $0x16300;
	[sflag:s25] =	ssyncadd.s32 $0xFFFFFC00  }
0x1d9: {  	[hbm4b:s5+s23] =	stream.linear.scatter [tilespmem:s26], [sflag:$0x2], $0x400, $0x38;
	[tilespmem:$0x1FC50] =	vst v63  }
0x1da: {  	_ =	swait.ge [sflag:s25], $0x400  }
0x1db: {  	[sflag:s25] =	ssyncset.done $0x0  }
0x1dc: {  	s4 =	sadd.s32 s4, s7;
	s28 =	simm.s32 $0x16700;
	[sflag:s25] =	ssyncadd.s32 $0xFFFFFC00  }
0x1dd: {  	[hbm4b:s4+s23] =	stream.linear.scatter [tilespmem:s28], [sflag:$0x2], $0x400, $0x38;
	[tilespmem:$0x1FC50] =	vst v63  }
0x1de: {  	_ =	swait.ge [sflag:s25], $0x400  }
0x1df: {  	s4 =	sshll.u32 s1, $0xB;
	[sflag:s25] =	ssyncset.done $0x0  }
0x1e0: {  	s29 =	simm.s32 $0xDF00;
	s3 =	sadd.s32 s3, s4;
	[sflag:s25] =	ssyncadd.s32 $0xFFFFFC00  }
0x1e1: {  	[tilespmem:s29], [sflag:$0x2] =	stream.linear.gather [hbm4b:s3+s23], $0x4000, $0x38;
	[tilespmem:$0x1FC50] =	vst v63  }
0x1e2: {  	_ =	swait.ge [sflag:s25], $0x4000  }
0x1e3: {  	[sflag:s25] =	ssyncset.done $0x0  }
0x1e4: {  	s31 =	simm.s32 $0x11F00;
	s30 =	sadd.s32 s8, s4;
	[sflag:s25] =	ssyncadd.s32 $0xFFFFC000  }
0x1e5: {  	[tilespmem:s31], [sflag:$0x2] =	stream.linear.gather [hbm4b:s30+s23], $0x4000, $0x38;
	[tilespmem:$0x1FC50] =	vst v63  }
0x1e6: {  	_ =	swait.ge [sflag:s25], $0x4000  }
0x1e7: {  	[sflag:s25] =	ssyncset.done $0x0  }
0x1e8: {  	s3 =	simm.s32 $0x0;
	[sflag:s25] =	ssyncadd.s32 $0xFFFFC000  }
0x1e9: {  	v0 =	vld [tilespmem:s3+$0x11F00];
	_ =	sdelay $0x1  }
0x1ea: {  	p0 =	slt.s32 s9, s10;
	s0 =	simm.f32 $1.000000000e+00;
	v1 =	vld [tilespmem:s3+$0xDF00]  }
0x1eb: {  	p1 =	sge.s32 s9, s13;
	s0 =	simm.s32 @!p0 $0x0  }
0x1ec: {  	s0 =	simm.s32 @!p1 $0x0  }
0x1ed: {  	v0 =	vmul.f32 s0, v0;
	_ =	sdelay $0x1  }
0x1ee: {  	s7 =	simm.s32 $0x10;
	s6 =	simm.s32 $0x80;
	s5 =	simm.f32 $1.000000000e+00;
	v0 =	vadd.f32 v0, v1  }
.LBB2_11:
0x1ef: {  	p0 =	sne.s32 s6, $0xFFC0;
	v1 =	vld [tilespmem:s7+$0x11F00]  }
0x1f0: {  	s9 =	sadd.s32 $0x1, s9;
	[tilespmem:s3+$0xDF00] =	vst v0;
	s3 =	smov.u32 s7  }
0x1f1: {  	s0 =	simm.f32 $1.000000000e+00;
	p1 =	slt.s32 s9, s10;
	v0 =	vld [tilespmem:s3+$0xDF00]  }
.Ltmp5:
0x1f2: {  	p2 =	sge.s32 s9, s13;
	s0 =	simm.s32 @!p1 $0x0;
	(pc) =	sbr.rel @p0 .LBB2_11-.Ltmp5, $3  }
0x1f3: {  	s0 =	simm.s32 @!p2 $0x0  }
0x1f4: {  	v1 =	vmul.f32 s0, v1;
	_ =	sdelay $0x1  }
0x1f5: {  	s7 =	sshra.s32 s6, $0x2;
	s6 =	sadd.s32 $0x40, s6;
	v0 =	vadd.f32 v1, v0  }
0x1f6: {  	v1 =	vld [tilespmem:s7+$0x11F00]  }
0x1f7: {  	s0 =	sadd.s32 $0x1, s9;
	[tilespmem:s3+$0xDF00] =	vst v0  }
0x1f8: {  	p0 =	slt.s32 s0, s10;
	v0 =	vld [tilespmem:s7+$0xDF00]  }
0x1f9: {  	p1 =	sge.s32 s0, s13;
	s5 =	simm.s32 @!p0 $0x0  }
0x1fa: {  	s5 =	simm.s32 @!p1 $0x0  }
0x1fb: {  	v1 =	vmul.f32 s5, v1;
	_ =	sdelay $0x1  }
0x1fc: {  	v0 =	vadd.f32 v1, v0  }
0x1fd: {  	s28 =	sadd.s32 s2, s4  }
0x1fe: {  	s29 =	simm.s32 $0x0;
	s30 =	simm.s32 $0xDF00;
	s31 =	simm.s32 $0x2;
	[tilespmem:s7+$0xDF00] =	vst v0  }
0x1ff: {  	[hbm4b:s28+s29] =	stream.linear.scatter [tilespmem:s30], [sflag:$0x2], $0x4000, $0x38;
	[tilespmem:$0x1FC50] =	vst v63  }
0x200: {  	_ =	swait.ge [sflag:s31], $0x4000  }
0x201: {  	[sflag:s31] =	ssyncset.done $0x0  }
0x202: {  	[sflag:s31] =	ssyncadd.s32 $0xFFFFC000  }
0x203: {  	_ =	sfence.sel $0x180000  }
0x204: {  	[bflag:$0x0] =	sbarrier.arrive $0xFFFF  }
0x205: {  	_ =	strace $0x90000047  }
0x206: {  	[bflag:$0x2] =	sbarrier.arrive $0xFFFF  }
0x207: {  	p0 =	sne.s32 s1, $0x0;
	s0 =	rddreg [dreg:$0xd]  }
0x208: {  	s0 =	sadd.s32 @!p0 $0x100000, s0  }
0x209: {  	[sflag:s0] =	ssyncadd.tile.s32 @!p0 $0x1;
	_ =	shalt  }
.Lfunc_end2:
_tile_overlayer_lowered:
.L_overlay_start_2:
0x20a: {  	(tag) =	ssettag $0x2  }
0x20b: {  	s0 =	rddreg [dreg:$0x0];
	s2 =	stileid.u32  }
0x20c: {  	s1 =	rddreg [dreg:$0x1];
	p0 =	sne.s32 s2, $0x0  }
0x20d: {  	s3 =	rddreg [dreg:$0x2];
	[bflag:$0x3] =	sbarrier.arrive $0xFFFF;
	s2 =	simm.s32 @!p0 $0x1C02  }
0x20e: {  	[timem:s3], [sflag:s2] =	dma.local @!p0 [hbm:s0], s1  }
0x20f: {  	s0 =	simm.s32 @!p0 $0x2  }
0x210: {  	_ =	swait.ge @!p0 [sflag:s0], s1  }
0x211: {  	s1 =	ssub.s32 @!p0 $0x0, s1;
	[sflag:s0] =	ssyncset.done @!p0 $0x0  }
0x212: {  	[sflag:s0] =	ssyncadd.s32 @!p0 s1  }
0x213: {  	[bflag:$0x3] =	sbarrier.arrive $0xFFFF  }
0x214: {  	_ =	shalt  }

</sc_bundles>
